<compile_context>
chip_gen: v7x
topology: tpu7x:2x2x1
jax: 0.10.2.dev20260603
libtpu: 0.0.44.dev20260713+nightly
codegen_flags: <defaults>
</compile_context>

<pallas_src>
import dataclasses
import functools

import jax
import jax.numpy as jnp
from jax import lax
from jax.experimental import pallas as pl
from jax.experimental.pallas import tpu as pltpu
from jax.experimental.pallas import tpu_sc as plsc

N = 10000
E = 320000
D = 128
HID = 256
K = 10

NC = 2
NS = 16
L = 16
DH = D // NC
NP = 10240
RT = NP // NS
B = 128
EPT = E // NS
NB = 159
ETOT = NS * NB * B
CH = 128
BR = 256

_mesh = plsc.VectorSubcoreMesh(core_axis_name="c", subcore_axis_name="s")

_sc_params = pltpu.CompilerParams(
    needs_layout_passes=False, use_tc_tiling_on_sc=False)


@functools.partial(
    pl.kernel,
    out_type=jax.ShapeDtypeStruct((NP,), jnp.float32),
    mesh=_mesh,
    compiler_params=_sc_params,
    scratch_types=[
        pltpu.VMEM_SHARED((NP,), jnp.float32),
        pltpu.VMEM((NB, B), jnp.int32),
        pltpu.VMEM((B,), jnp.float32),
        pltpu.VMEM((RT,), jnp.float32),
        pltpu.SemaphoreType.DMA,
    ],
)
def _deg_kernel(dst_hbm, deg_hbm, deg_s, dst_t, ones_b, zb, dsem):
    c = lax.axis_index("c")
    s = lax.axis_index("s")
    r0 = s * RT
    pltpu.sync_copy(dst_hbm.at[s], dst_t)
    for i in range(B // L):
        ones_b[pl.ds(i * L, L)] = jnp.ones((L,), jnp.float32)

    @pl.loop(0, RT // L)
    def _(i):
        zb[pl.ds(i * L, L)] = jnp.zeros((L,), jnp.float32)

    pltpu.sync_copy(zb, deg_s.at[pl.ds(r0, RT)])
    plsc.subcore_barrier()

    @pl.loop(0, NB)
    def _(j):
        pltpu.sync_copy(ones_b, deg_s.at[dst_t.at[j]], add=True)

    plsc.subcore_barrier()

    @pl.when(c == 0)
    def _():
        pltpu.sync_copy(deg_s.at[pl.ds(r0, RT)], deg_hbm.at[pl.ds(r0, RT)])


def _mlp_body(x_ref, deg_ref, w1_ref, b1_ref, w2_ref, b2_ref, wg_ref,
              acc0_ref, w0_ref, gw0_ref, dis_ref):
    x = x_ref[...]
    h = jnp.maximum(x @ w1_ref[...] + b1_ref[...], 0.0)
    h = h @ w2_ref[...] + b2_ref[...]
    g = h @ wg_ref[...]
    deg = deg_ref[...]
    dis = jnp.where(deg > 0, lax.rsqrt(jnp.maximum(deg, 1.0)), 0.0)
    s0 = 1.0 / (1.0 + jnp.exp(-g))
    acc0_ref[...] = s0 * h
    w0_ref[...] = dis * h
    gw0_ref[...] = dis * g
    dis_ref[...] = dis


_mlp_call = pl.pallas_call(
    _mlp_body,
    grid=(NP // BR,),
    in_specs=[
        pl.BlockSpec((BR, D), lambda i: (i, 0)),
        pl.BlockSpec((BR, 1), lambda i: (i, 0)),
        pl.BlockSpec((D, HID), lambda i: (0, 0)),
        pl.BlockSpec((1, HID), lambda i: (0, 0)),
        pl.BlockSpec((HID, D), lambda i: (0, 0)),
        pl.BlockSpec((1, D), lambda i: (0, 0)),
        pl.BlockSpec((D, 1), lambda i: (0, 0)),
    ],
    out_specs=[
        pl.BlockSpec((BR, D), lambda i: (i, 0)),
        pl.BlockSpec((BR, D), lambda i: (i, 0)),
        pl.BlockSpec((BR, 1), lambda i: (i, 0)),
        pl.BlockSpec((BR, 1), lambda i: (i, 0)),
    ],
    out_shape=[
        jax.ShapeDtypeStruct((NP, D), jnp.float32),
        jax.ShapeDtypeStruct((NP, D), jnp.float32),
        jax.ShapeDtypeStruct((NP, 1), jnp.float32),
        jax.ShapeDtypeStruct((NP, 1), jnp.float32),
    ],
)


@functools.partial(
    pl.kernel,
    out_type=[
        jax.ShapeDtypeStruct((NC * NP, DH), jnp.float32),
        jax.ShapeDtypeStruct((NC * NP, DH), jnp.float32),
        jax.ShapeDtypeStruct((NC * NP,), jnp.float32),
    ],
    mesh=_mesh,
    compiler_params=_sc_params,
    scratch_types=[
        pltpu.VMEM_SHARED((NP, DH), jnp.float32),
        pltpu.VMEM_SHARED((NP,), jnp.float32),
        pltpu.VMEM((NB, B), jnp.int32),
        pltpu.VMEM((NB, B), jnp.int32),
        pltpu.VMEM((CH, DH), jnp.float32),
        pltpu.VMEM((CH, DH), jnp.float32),
        pltpu.VMEM((CH, DH), jnp.float32),
        pltpu.VMEM((CH, DH), jnp.float32),
        pltpu.VMEM((CH, DH), jnp.float32),
        pltpu.VMEM((B,), jnp.float32),
        pltpu.VMEM((B,), jnp.float32),
        pltpu.VMEM((B,), jnp.float32),
        pltpu.VMEM((CH,), jnp.float32),
        pltpu.VMEM((CH,), jnp.float32),
        pltpu.VMEM((CH,), jnp.float32),
        pltpu.VMEM((CH,), jnp.float32),
        pltpu.VMEM((RT,), jnp.float32),
        pltpu.SemaphoreType.DMA,
        pltpu.SemaphoreType.DMA,
        pltpu.SemaphoreType.DMA,
        pltpu.SemaphoreType.DMA,
        pltpu.SemaphoreType.DMA,
        pltpu.SemaphoreType.DMA,
    ],
)
def _prop_kernel(acc0_hbm, w0_hbm, gw0_hbm, dis_hbm, src_hbm, dst_hbm,
                 out_hbm, w_hbm, gw_hbm,
                 t_s, gn_s, src_t, dst_t, X0, X1, X2, abuf, zbuf,
                 gA, gB, gC, gnb, gwb, sb, zgb, disb,
                 sgA, sgB, sgC, ssA, ssB, ssC):
    c = lax.axis_index("c")
    s = lax.axis_index("s")
    r0 = s * RT

    pltpu.sync_copy(src_hbm.at[c, s], src_t)
    pltpu.sync_copy(dst_hbm.at[s], dst_t)
    pltpu.sync_copy(dis_hbm.at[pl.ds(r0, RT)], disb)
    for i in range(CH // L):
        zgb[pl.ds(i * L, L)] = jnp.zeros((L,), jnp.float32)

    @pl.loop(0, CH)
    def _(i):
        for d in range(DH // L):
            zbuf[i, pl.ds(d * L, L)] = jnp.zeros((L,), jnp.float32)

    for cc in range(RT // CH):
        rr = r0 + cc * CH
        tgt = c * NP + rr
        pltpu.sync_copy(w0_hbm.at[pl.ds(tgt, CH)], X1)
        pltpu.sync_copy(X1, w_hbm.at[pl.ds(tgt, CH)])
        pltpu.sync_copy(acc0_hbm.at[pl.ds(tgt, CH)], abuf)
        pltpu.sync_copy(abuf, out_hbm.at[pl.ds(tgt, CH)])
        pltpu.sync_copy(gw0_hbm.at[pl.ds(rr, CH)], gwb)
        pltpu.sync_copy(gwb, gw_hbm.at[pl.ds(tgt, CH)])
        pltpu.sync_copy(zbuf, t_s.at[pl.ds(rr, CH)])
        pltpu.sync_copy(zgb, gn_s.at[pl.ds(rr, CH)])
    plsc.subcore_barrier()

    def issue_g(j, X, gb, sem):
        pltpu.async_copy(w_hbm.at[src_t.at[j]], X.at[pl.ds(0, B)], sem)
        pltpu.async_copy(gw_hbm.at[src_t.at[j]], gb, sem)

    def wait_g(X, gb, sem):
        pltpu.make_async_copy(w_hbm.at[src_t.at[0]], X.at[pl.ds(0, B)],
                              sem).wait()
        pltpu.make_async_copy(gw_hbm.at[src_t.at[0]], gb, sem).wait()

    def issue_s(j, X, gb, sem):
        pltpu.async_copy(X.at[pl.ds(0, B)], t_s.at[dst_t.at[j]], sem,
                         add=True)
        pltpu.async_copy(gb, gn_s.at[dst_t.at[j]], sem, add=True)

    def wait_s(X, gb, sem):
        pltpu.make_async_copy(X.at[pl.ds(0, B)], t_s.at[dst_t.at[0]],
                              sem).wait()
        pltpu.make_async_copy(gb, gn_s.at[dst_t.at[0]], sem).wait()

    bufs = ((X0, gA, sgA, ssA), (X1, gB, sgB, ssB), (X2, gC, sgC, ssC))

    @pl.loop(0, K)
    def _(_k):
        for b, (X, gb, sg, ss) in enumerate(bufs):
            issue_g(b, X, gb, sg)
        for b, (X, gb, sg, ss) in enumerate(bufs):
            wait_g(X, gb, sg)
            issue_s(b, X, gb, ss)
        for b, (X, gb, sg, ss) in enumerate(bufs):
            wait_s(X, gb, ss)
            issue_g(b + 3, X, gb, sg)

        @pl.loop(1, NB // 3 - 1)
        def _(t):
            j = 3 * t
            for b, (X, gb, sg, ss) in enumerate(bufs):
                wait_g(X, gb, sg)
                issue_s(j + b, X, gb, ss)
            for b, (X, gb, sg, ss) in enumerate(bufs):
                wait_s(X, gb, ss)
                issue_g(j + b + 3, X, gb, sg)

        for b, (X, gb, sg, ss) in enumerate(bufs):
            wait_g(X, gb, sg)
            issue_s(NB - 3 + b, X, gb, ss)
        for b, (X, gb, sg, ss) in enumerate(bufs):
            wait_s(X, gb, ss)

        plsc.subcore_barrier()

        @pl.loop(0, RT // CH)
        def _(cc):
            rr = r0 + cc * CH
            tgt = c * NP + rr
            pltpu.sync_copy(t_s.at[pl.ds(rr, CH)], X0)
            pltpu.sync_copy(zbuf, t_s.at[pl.ds(rr, CH)])
            pltpu.sync_copy(gn_s.at[pl.ds(rr, CH)], gnb)
            pltpu.sync_copy(zgb, gn_s.at[pl.ds(rr, CH)])
            pltpu.sync_copy(out_hbm.at[pl.ds(tgt, CH)], abuf)
            for i in range(CH // L):
                sl = pl.ds(i * L, L)
                dv = disb[pl.ds(cc * CH + i * L, L)]
                gv = dv * gnb[sl]
                sb[sl] = 1.0 / (1.0 + jnp.exp(-gv))
                gwb[sl] = dv * gv
            pltpu.sync_copy(gwb, gw_hbm.at[pl.ds(tgt, CH)])

            @pl.loop(0, CH)
            def _(i):
                dvb = plsc.load_gather(
                    disb, [jnp.full((L,), cc * CH + i, jnp.int32)])
                svb = plsc.load_gather(sb, [jnp.full((L,), i, jnp.int32)])
                for d in range(DH // L):
                    dd = pl.ds(d * L, L)
                    hv = dvb * X0[i, dd]
                    abuf[i, dd] += svb * hv
                    X1[i, dd] = dvb * hv

            pltpu.sync_copy(abuf, out_hbm.at[pl.ds(tgt, CH)])
            pltpu.sync_copy(X1, w_hbm.at[pl.ds(tgt, CH)])

        plsc.subcore_barrier()


@jax.jit
def _run(features, edge_index, W1, b1, W2, b2, w_gate):
    src = edge_index[0].astype(jnp.int32)
    dst = edge_index[1].astype(jnp.int32)
    pad = ETOT - E
    srcp = jnp.concatenate([src, jnp.full((pad,), N, jnp.int32)])
    dstp = jnp.concatenate([dst, jnp.full((pad,), N, jnp.int32)])
    srcp = srcp.reshape(NS, NB, B)
    dstp = dstp.reshape(NS, NB, B)
    srco = jnp.stack([srcp, srcp + NP])

    xp = jnp.zeros((NP, D), jnp.float32).at[:N].set(features)

    deg = _deg_kernel(dstp)
    acc0, w0, gw0, dis = _mlp_call(
        xp, deg.reshape(NP, 1), W1, b1.reshape(1, HID), W2,
        b2.reshape(1, D), w_gate)
    acc0f = acc0.reshape(NP, NC, DH).swapaxes(0, 1).reshape(NC * NP, DH)
    w0f = w0.reshape(NP, NC, DH).swapaxes(0, 1).reshape(NC * NP, DH)
    out, _, _ = _prop_kernel(acc0f, w0f, gw0.reshape(NP), dis.reshape(NP),
                             srco, dstp)
    return out.reshape(NC, NP, DH).swapaxes(0, 1).reshape(NP, D)[:N]


def kernel(features, edge_index, W1, b1, W2, b2, w_gate):
    return _run(features, edge_index, W1, b1, W2, b2, w_gate)

# --- scband reference (transcript-rebuilt; emitter-appended) ---
"""Pipeline reference for scband-dagnnnet-44289702756525 (READ-ONLY COPY).

The authoritative reference and input builder live on the scoring server;
editing this copy changes nothing except your own understanding.
"""

import jax, jax.numpy as jnp
import numpy as np

N = 10000
E = 320000
IN_DIM = 128
HID_DIM = 256
OUT_DIM = 128
K = 10


def setup_inputs(seed: int = 0) -> dict:
    key = jax.random.key(seed)
    ks = jax.random.split(key, 8)
    features = jax.random.normal(ks[0], (N, IN_DIM), dtype=jnp.float32)
    edge_index = jax.random.randint(ks[1], (2, E), 0, N, dtype=jnp.int64)
    W1 = jax.random.normal(ks[2], (IN_DIM, HID_DIM), dtype=jnp.float32) * 0.05
    b1 = jnp.zeros((HID_DIM,), dtype=jnp.float32)
    W2 = jax.random.normal(ks[3], (HID_DIM, OUT_DIM), dtype=jnp.float32) * 0.05
    b2 = jnp.zeros((OUT_DIM,), dtype=jnp.float32)
    w_gate = jax.random.normal(ks[4], (OUT_DIM, 1), dtype=jnp.float32) * 0.05
    return {"features": features, "edge_index": edge_index, "W1": W1, "b1": b1,
            "W2": W2, "b2": b2, "w_gate": w_gate}


def reference(features, edge_index, W1, b1, W2, b2, w_gate):
    # MLPNet (2 layers): linear -> relu -> linear
    h = jax.nn.relu(features @ W1 + b1) @ W2 + b2

    # DAGNNLayer: K-step symmetric-normalized propagation + adaptive gating
    src = edge_index[0]
    dst = edge_index[1]
    ones = jnp.ones((E,), dtype=jnp.float32)
    deg = jax.ops.segment_sum(ones, dst, num_segments=N)
    deg_inv_sqrt = jnp.where(deg > 0, 1.0 / jnp.sqrt(jnp.maximum(deg, 1.0)), 0.0)
    norm = deg_inv_sqrt[src] * deg_inv_sqrt[dst]

    hs = [h]
    cur = h
    for _ in range(K):
        msg = cur[src] * norm[:, None]
        cur = jax.ops.segment_sum(msg, dst, num_segments=N)
        hs.append(cur)
    H = jnp.stack(hs, axis=1)  # [N, K+1, OUT_DIM]
    s = jax.nn.sigmoid(jnp.squeeze(H @ w_gate, axis=-1))  # [N, K+1]
    out = jnp.sum(s[:, :, None] * H, axis=1)  # [N, OUT_DIM]
    return out

if __name__ == "__main__":
    import jax
    _d = setup_inputs()
    print(jax.jit(kernel)(*tuple(_d.values())))

</pallas_src>

<mosaic_0001>
#map = affine_map<(d0, d1) -> (0, 0, 0)>
#map1 = affine_map<(d0, d1) -> (0)>
module attributes {stable_mosaic.version = 14 : i64} {
  func.func @_deg_kernel(%arg0: i32, %arg1: i32, %arg2: memref<16x159x128xi32, #tpu.memory_space<hbm>>, %arg3: memref<10240xf32, #tpu.memory_space<hbm>>, %arg4: memref<10240xf32, #tpu.memory_space<vmem_shared>>, %arg5: memref<159x128xi32, #tpu.memory_space<vmem>>, %arg6: memref<128xf32, #tpu.memory_space<vmem>>, %arg7: memref<640xf32, #tpu.memory_space<vmem>>, %arg8: memref<!tpu.dma_semaphore, #tpu.memory_space<semaphore_mem>>) attributes {dimension_semantics = [#tpu.dimension_semantics<core_parallel>, #tpu.dimension_semantics<subcore_parallel>], iteration_bounds = array<i64: 2, 16>, scalar_prefetch = 0 : i64, scratch_operands = 5 : i64, tpu.core_type = #tpu.core_type<sc_vector_subcore>, window_params = [{transform_indices = #map}, {transform_indices = #map1}]} {
    %mul3A = arith.constant 640 : i32
    %mul3A_0 = arith.muli %arg1, %mul3A : i32
    "tpu.region"() ({
      %run_scoped3A = tpu.sem_alloc : memref<!tpu.dma_semaphore, #tpu.memory_space<semaphore_mem>>
      %dma_start3A = arith.constant 0 : i32
      %dma_start3A_43 = arith.constant 0 : i32
      %dma_start3A_44 = tpu.memref_slice %arg2[%arg1, %dma_start3A, %dma_start3A_43] : memref<16x159x128xi32, #tpu.memory_space<hbm>> -> memref<1x159x128xi32, #tpu.memory_space<hbm>>
      %dma_start3A_45 = tpu.memref_squeeze %dma_start3A_44 : memref<1x159x128xi32, #tpu.memory_space<hbm>> -> memref<159x128xi32, #tpu.memory_space<hbm>>
      %dma_start3A_46 = arith.constant 0 : i32
      %dma_start3A_47 = arith.constant 0 : i32
      %dma_start3A_48 = tpu.memref_slice %arg2[%arg1, %dma_start3A_46, %dma_start3A_47] : memref<16x159x128xi32, #tpu.memory_space<hbm>> -> memref<1x159x128xi32, #tpu.memory_space<hbm>>
      %dma_start3A_49 = tpu.memref_squeeze %dma_start3A_48 : memref<1x159x128xi32, #tpu.memory_space<hbm>> -> memref<159x128xi32, #tpu.memory_space<hbm>>
      tpu.enqueue_dma source(%dma_start3A_49 : memref<159x128xi32, #tpu.memory_space<hbm>>) target(%arg5 : memref<159x128xi32, #tpu.memory_space<vmem>>) target_semaphore(%run_scoped3A : memref<!tpu.dma_semaphore, #tpu.memory_space<semaphore_mem>>)
      %dma_wait3A = arith.constant 0 : i32
      %dma_wait3A_50 = arith.constant 0 : i32
      %dma_wait3A_51 = tpu.memref_slice %arg2[%arg1, %dma_wait3A, %dma_wait3A_50] : memref<16x159x128xi32, #tpu.memory_space<hbm>> -> memref<1x159x128xi32, #tpu.memory_space<hbm>>
      %dma_wait3A_52 = tpu.memref_squeeze %dma_wait3A_51 : memref<1x159x128xi32, #tpu.memory_space<hbm>> -> memref<159x128xi32, #tpu.memory_space<hbm>>
      %dma_wait3A_53 = arith.constant 0 : i32
      %dma_wait3A_54 = arith.constant 0 : i32
      %dma_wait3A_55 = tpu.memref_slice %arg2[%arg1, %dma_wait3A_53, %dma_wait3A_54] : memref<16x159x128xi32, #tpu.memory_space<hbm>> -> memref<1x159x128xi32, #tpu.memory_space<hbm>>
      %dma_wait3A_56 = tpu.memref_squeeze %dma_wait3A_55 : memref<1x159x128xi32, #tpu.memory_space<hbm>> -> memref<159x128xi32, #tpu.memory_space<hbm>>
      tpu.wait_dma2 semaphore(%run_scoped3A : memref<!tpu.dma_semaphore, #tpu.memory_space<semaphore_mem>>) src(%dma_wait3A_56 : memref<159x128xi32, #tpu.memory_space<hbm>>) dst(%arg5 : memref<159x128xi32, #tpu.memory_space<vmem>>)
      tpu.yield
    }) : () -> ()
    %broadcast_in_dim3A = arith.constant 1.000000e+00 : f32
    %broadcast_in_dim3A_1 = vector.broadcast %broadcast_in_dim3A : f32 to vector<16xf32>
    %swap3A = arith.constant 0 : index
    %swap3A_2 = tpu.vector_load %arg6[%swap3A] {strides = array<i32>} : memref<128xf32, #tpu.memory_space<vmem>>, vector<16xf32>,
    tpu.vector_store %arg6[%swap3A], %broadcast_in_dim3A_1 {strides = array<i32>} : memref<128xf32, #tpu.memory_space<vmem>>, vector<16xf32>,
    %broadcast_in_dim3A_3 = arith.constant 1.000000e+00 : f32
    %broadcast_in_dim3A_4 = vector.broadcast %broadcast_in_dim3A_3 : f32 to vector<16xf32>
    %swap3A_5 = arith.constant 16 : index
    %swap3A_6 = tpu.vector_load %arg6[%swap3A_5] {strides = array<i32>} : memref<128xf32, #tpu.memory_space<vmem>>, vector<16xf32>,
    tpu.vector_store %arg6[%swap3A_5], %broadcast_in_dim3A_4 {strides = array<i32>} : memref<128xf32, #tpu.memory_space<vmem>>, vector<16xf32>,
    %broadcast_in_dim3A_7 = arith.constant 1.000000e+00 : f32
    %broadcast_in_dim3A_8 = vector.broadcast %broadcast_in_dim3A_7 : f32 to vector<16xf32>
    %swap3A_9 = arith.constant 32 : index
    %swap3A_10 = tpu.vector_load %arg6[%swap3A_9] {strides = array<i32>} : memref<128xf32, #tpu.memory_space<vmem>>, vector<16xf32>,
    tpu.vector_store %arg6[%swap3A_9], %broadcast_in_dim3A_8 {strides = array<i32>} : memref<128xf32, #tpu.memory_space<vmem>>, vector<16xf32>,
    %broadcast_in_dim3A_11 = arith.constant 1.000000e+00 : f32
    %broadcast_in_dim3A_12 = vector.broadcast %broadcast_in_dim3A_11 : f32 to vector<16xf32>
    %swap3A_13 = arith.constant 48 : index
    %swap3A_14 = tpu.vector_load %arg6[%swap3A_13] {strides = array<i32>} : memref<128xf32, #tpu.memory_space<vmem>>, vector<16xf32>,
    tpu.vector_store %arg6[%swap3A_13], %broadcast_in_dim3A_12 {strides = array<i32>} : memref<128xf32, #tpu.memory_space<vmem>>, vector<16xf32>,
    %broadcast_in_dim3A_15 = arith.constant 1.000000e+00 : f32
    %broadcast_in_dim3A_16 = vector.broadcast %broadcast_in_dim3A_15 : f32 to vector<16xf32>
    %swap3A_17 = arith.constant 64 : index
    %swap3A_18 = tpu.vector_load %arg6[%swap3A_17] {strides = array<i32>} : memref<128xf32, #tpu.memory_space<vmem>>, vector<16xf32>,
    tpu.vector_store %arg6[%swap3A_17], %broadcast_in_dim3A_16 {strides = array<i32>} : memref<128xf32, #tpu.memory_space<vmem>>, vector<16xf32>,
    %broadcast_in_dim3A_19 = arith.constant 1.000000e+00 : f32
    %broadcast_in_dim3A_20 = vector.broadcast %broadcast_in_dim3A_19 : f32 to vector<16xf32>
    %swap3A_21 = arith.constant 80 : index
    %swap3A_22 = tpu.vector_load %arg6[%swap3A_21] {strides = array<i32>} : memref<128xf32, #tpu.memory_space<vmem>>, vector<16xf32>,
    tpu.vector_store %arg6[%swap3A_21], %broadcast_in_dim3A_20 {strides = array<i32>} : memref<128xf32, #tpu.memory_space<vmem>>, vector<16xf32>,
    %broadcast_in_dim3A_23 = arith.constant 1.000000e+00 : f32
    %broadcast_in_dim3A_24 = vector.broadcast %broadcast_in_dim3A_23 : f32 to vector<16xf32>
    %swap3A_25 = arith.constant 96 : index
    %swap3A_26 = tpu.vector_load %arg6[%swap3A_25] {strides = array<i32>} : memref<128xf32, #tpu.memory_space<vmem>>, vector<16xf32>,
    tpu.vector_store %arg6[%swap3A_25], %broadcast_in_dim3A_24 {strides = array<i32>} : memref<128xf32, #tpu.memory_space<vmem>>, vector<16xf32>,
    %broadcast_in_dim3A_27 = arith.constant 1.000000e+00 : f32
    %broadcast_in_dim3A_28 = vector.broadcast %broadcast_in_dim3A_27 : f32 to vector<16xf32>
    %swap3A_29 = arith.constant 112 : index
    %swap3A_30 = tpu.vector_load %arg6[%swap3A_29] {strides = array<i32>} : memref<128xf32, #tpu.memory_space<vmem>>, vector<16xf32>,
    tpu.vector_store %arg6[%swap3A_29], %broadcast_in_dim3A_28 {strides = array<i32>} : memref<128xf32, #tpu.memory_space<vmem>>, vector<16xf32>,
    %scan3A = arith.constant 0 : i32
    %scan3A_31 = arith.constant 40 : i32
    %scan3A_32 = arith.addi %scan3A, %scan3A_31 : i32
    %scan3A_33 = arith.constant 1 : i32
    scf.for %scan3A_43 = %scan3A to %scan3A_32 step %scan3A_33  : i32 {
      %mul3A_44 = arith.constant 1 : i32
      %mul3A_45 = arith.muli %scan3A_43, %mul3A_44 : i32
      %add3A = arith.constant 0 : i32
      %add3A_46 = arith.addi %add3A, %mul3A_45 : i32
      %broadcast_in_dim3A_47 = arith.constant 0.000000e+00 : f32
      %broadcast_in_dim3A_48 = vector.broadcast %broadcast_in_dim3A_47 : f32 to vector<16xf32>
      %mul3A_49 = arith.constant 16 : i32
      %mul3A_50 = arith.muli %add3A_46, %mul3A_49 : i32
      %swap3A_51 = arith.index_cast %mul3A_50 : i32 to index
      %swap3A_52 = tpu.vector_load %arg7[%swap3A_51] {strides = array<i32>} : memref<640xf32, #tpu.memory_space<vmem>>, vector<16xf32>,
      tpu.vector_store %arg7[%swap3A_51], %broadcast_in_dim3A_48 {strides = array<i32>} : memref<640xf32, #tpu.memory_space<vmem>>, vector<16xf32>,
    }
    %scan3A_34 = arith.constant 40 : i32
    "tpu.region"() ({
      %run_scoped3A = tpu.sem_alloc : memref<!tpu.dma_semaphore, #tpu.memory_space<semaphore_mem>>
      %dma_start3A = tpu.memref_slice %arg4[%mul3A_0] : memref<10240xf32, #tpu.memory_space<vmem_shared>> -> memref<640xf32, #tpu.memory_space<vmem_shared>>
      %dma_start3A_43 = tpu.memref_slice %arg4[%mul3A_0] : memref<10240xf32, #tpu.memory_space<vmem_shared>> -> memref<640xf32, #tpu.memory_space<vmem_shared>>
      tpu.enqueue_dma source(%arg7 : memref<640xf32, #tpu.memory_space<vmem>>) target(%dma_start3A_43 : memref<640xf32, #tpu.memory_space<vmem_shared>>) target_semaphore(%run_scoped3A : memref<!tpu.dma_semaphore, #tpu.memory_space<semaphore_mem>>)
      %dma_wait3A = tpu.memref_slice %arg4[%mul3A_0] : memref<10240xf32, #tpu.memory_space<vmem_shared>> -> memref<640xf32, #tpu.memory_space<vmem_shared>>
      %dma_wait3A_44 = tpu.memref_slice %arg4[%mul3A_0] : memref<10240xf32, #tpu.memory_space<vmem_shared>> -> memref<640xf32, #tpu.memory_space<vmem_shared>>
      tpu.wait_dma2 semaphore(%run_scoped3A : memref<!tpu.dma_semaphore, #tpu.memory_space<semaphore_mem>>) src(%arg7 : memref<640xf32, #tpu.memory_space<vmem>>) dst(%dma_wait3A_44 : memref<640xf32, #tpu.memory_space<vmem_shared>>)
      tpu.yield
    }) : () -> ()
    %barrier3A = arith.constant 0 : index
    tpu.barrier barrier_id(%barrier3A)
    %scan3A_35 = arith.constant 0 : i32
    %scan3A_36 = arith.constant 159 : i32
    %scan3A_37 = arith.addi %scan3A_35, %scan3A_36 : i32
    %scan3A_38 = arith.constant 1 : i32
    scf.for %scan3A_43 = %scan3A_35 to %scan3A_37 step %scan3A_38  : i32 {
      %mul3A_44 = arith.constant 1 : i32
      %mul3A_45 = arith.muli %scan3A_43, %mul3A_44 : i32
      %add3A = arith.constant 0 : i32
      %add3A_46 = arith.addi %add3A, %mul3A_45 : i32
      "tpu.region"() ({
        %run_scoped3A = tpu.sem_alloc : memref<!tpu.dma_semaphore, #tpu.memory_space<semaphore_mem>>
        %dma_start3A = arith.constant 0 : i32
        %dma_start3A_47 = tpu.memref_slice %arg5[%add3A_46, %dma_start3A] : memref<159x128xi32, #tpu.memory_space<vmem>> -> memref<1x128xi32, #tpu.memory_space<vmem>>
        %dma_start3A_48 = tpu.memref_squeeze %dma_start3A_47 : memref<1x128xi32, #tpu.memory_space<vmem>> -> memref<128xi32, #tpu.memory_space<vmem>>
        %dma_start3A_49 = arith.constant 0 : i32
        %dma_start3A_50 = tpu.memref_slice %arg4[%dma_start3A_49] : memref<10240xf32, #tpu.memory_space<vmem_shared>> -> memref<10240xf32, #tpu.memory_space<vmem_shared>>
        tpu.enqueue_indirect_dma source(%arg6 : memref<128xf32, #tpu.memory_space<vmem>>) target(%dma_start3A_50 : memref<10240xf32, #tpu.memory_space<vmem_shared>>) offsets(%dma_start3A_48 : memref<128xi32, #tpu.memory_space<vmem>>) semaphore(%run_scoped3A : memref<!tpu.dma_semaphore, #tpu.memory_space<semaphore_mem>>) {add = true}
        %dma_wait3A = arith.constant 0 : i32
        %dma_wait3A_51 = tpu.memref_slice %arg5[%add3A_46, %dma_wait3A] : memref<159x128xi32, #tpu.memory_space<vmem>> -> memref<1x128xi32, #tpu.memory_space<vmem>>
        %dma_wait3A_52 = tpu.memref_squeeze %dma_wait3A_51 : memref<1x128xi32, #tpu.memory_space<vmem>> -> memref<128xi32, #tpu.memory_space<vmem>>
        %dma_wait3A_53 = arith.constant 0 : i32
        %dma_wait3A_54 = tpu.memref_slice %arg4[%dma_wait3A_53] : memref<10240xf32, #tpu.memory_space<vmem_shared>> -> memref<10240xf32, #tpu.memory_space<vmem_shared>>
        tpu.wait_indirect_dma semaphore(%run_scoped3A : memref<!tpu.dma_semaphore, #tpu.memory_space<semaphore_mem>>) src(%arg6 : memref<128xf32, #tpu.memory_space<vmem>>) dst(%dma_wait3A_54 : memref<10240xf32, #tpu.memory_space<vmem_shared>>)
        tpu.yield
      }) : () -> ()
    }
    %scan3A_39 = arith.constant 159 : i32
    %barrier3A_40 = arith.constant 0 : index
    tpu.barrier barrier_id(%barrier3A_40)
    %eq3A = arith.constant 0 : i32
    %eq3A_41 = arith.cmpi eq, %arg0, %eq3A : i32
    %convert_element_type3A = arith.extui %eq3A_41 : i1 to i32
    %cond3A = arith.constant 0 : i32
    %cond3A_42 = arith.cmpi ne, %convert_element_type3A, %cond3A : i32
    scf.if %cond3A_42 {
      "tpu.region"() ({
        %run_scoped3A = tpu.sem_alloc : memref<!tpu.dma_semaphore, #tpu.memory_space<semaphore_mem>>
        %dma_start3A = tpu.memref_slice %arg3[%mul3A_0] : memref<10240xf32, #tpu.memory_space<hbm>> -> memref<640xf32, #tpu.memory_space<hbm>>
        %dma_start3A_43 = tpu.memref_slice %arg4[%mul3A_0] : memref<10240xf32, #tpu.memory_space<vmem_shared>> -> memref<640xf32, #tpu.memory_space<vmem_shared>>
        tpu.enqueue_dma source(%dma_start3A_43 : memref<640xf32, #tpu.memory_space<vmem_shared>>) target(%dma_start3A : memref<640xf32, #tpu.memory_space<hbm>>) target_semaphore(%run_scoped3A : memref<!tpu.dma_semaphore, #tpu.memory_space<semaphore_mem>>)
        %dma_wait3A = tpu.memref_slice %arg3[%mul3A_0] : memref<10240xf32, #tpu.memory_space<hbm>> -> memref<640xf32, #tpu.memory_space<hbm>>
        %dma_wait3A_44 = tpu.memref_slice %arg4[%mul3A_0] : memref<10240xf32, #tpu.memory_space<vmem_shared>> -> memref<640xf32, #tpu.memory_space<vmem_shared>>
        tpu.wait_dma2 semaphore(%run_scoped3A : memref<!tpu.dma_semaphore, #tpu.memory_space<semaphore_mem>>) src(%dma_wait3A_44 : memref<640xf32, #tpu.memory_space<vmem_shared>>) dst(%dma_wait3A : memref<640xf32, #tpu.memory_space<hbm>>)
        tpu.yield
      }) : () -> ()
    } else {
    }
    return
  }
}

#map = affine_map<(d0, d1) -> (0, 0)>
#map1 = affine_map<(d0, d1) -> (0)>
#map2 = affine_map<(d0, d1) -> (0, 0, 0, 0)>
#map3 = affine_map<(d0, d1) -> (0, 0, 0)>
module attributes {stable_mosaic.version = 14 : i64} {
  func.func @_prop_kernel(%arg0: i32, %arg1: i32, %arg2: memref<20480x64xf32, #tpu.memory_space<hbm>>, %arg3: memref<20480x64xf32, #tpu.memory_space<hbm>>, %arg4: memref<10240xf32, #tpu.memory_space<hbm>>, %arg5: memref<10240xf32, #tpu.memory_space<hbm>>, %arg6: memref<2x16x159x128xi32, #tpu.memory_space<hbm>>, %arg7: memref<16x159x128xi32, #tpu.memory_space<hbm>>, %arg8: memref<20480x64xf32, #tpu.memory_space<hbm>>, %arg9: memref<20480x64xf32, #tpu.memory_space<hbm>>, %arg10: memref<20480xf32, #tpu.memory_space<hbm>>, %arg11: memref<10240x64xf32, #tpu.memory_space<vmem_shared>>, %arg12: memref<10240xf32, #tpu.memory_space<vmem_shared>>, %arg13: memref<159x128xi32, #tpu.memory_space<vmem>>, %arg14: memref<159x128xi32, #tpu.memory_space<vmem>>, %arg15: memref<128x64xf32, #tpu.memory_space<vmem>>, %arg16: memref<128x64xf32, #tpu.memory_space<vmem>>, %arg17: memref<128x64xf32, #tpu.memory_space<vmem>>, %arg18: memref<128x64xf32, #tpu.memory_space<vmem>>, %arg19: memref<128x64xf32, #tpu.memory_space<vmem>>, %arg20: memref<128xf32, #tpu.memory_space<vmem>>, %arg21: memref<128xf32, #tpu.memory_space<vmem>>, %arg22: memref<128xf32, #tpu.memory_space<vmem>>, %arg23: memref<128xf32, #tpu.memory_space<vmem>>, %arg24: memref<128xf32, #tpu.memory_space<vmem>>, %arg25: memref<128xf32, #tpu.memory_space<vmem>>, %arg26: memref<128xf32, #tpu.memory_space<vmem>>, %arg27: memref<640xf32, #tpu.memory_space<vmem>>, %arg28: memref<!tpu.dma_semaphore, #tpu.memory_space<semaphore_mem>>, %arg29: memref<!tpu.dma_semaphore, #tpu.memory_space<semaphore_mem>>, %arg30: memref<!tpu.dma_semaphore, #tpu.memory_space<semaphore_mem>>, %arg31: memref<!tpu.dma_semaphore, #tpu.memory_space<semaphore_mem>>, %arg32: memref<!tpu.dma_semaphore, #tpu.memory_space<semaphore_mem>>, %arg33: memref<!tpu.dma_semaphore, #tpu.memory_space<semaphore_mem>>) attributes {dimension_semantics = [#tpu.dimension_semantics<core_parallel>, #tpu.dimension_semantics<subcore_parallel>], iteration_bounds = array<i64: 2, 16>, scalar_prefetch = 0 : i64, scratch_operands = 23 : i64, tpu.core_type = #tpu.core_type<sc_vector_subcore>, window_params = [{transform_indices = #map}, {transform_indices = #map}, {transform_indices = #map1}, {transform_indices = #map1}, {transform_indices = #map2}, {transform_indices = #map3}, {transform_indices = #map}, {transform_indices = #map}, {transform_indices = #map1}]} {
    %mul3A = arith.constant 640 : i32
    %mul3A_0 = arith.muli %arg1, %mul3A : i32
    "tpu.region"() ({
      %run_scoped3A = tpu.sem_alloc : memref<!tpu.dma_semaphore, #tpu.memory_space<semaphore_mem>>
      %dma_start3A = arith.constant 0 : i32
      %dma_start3A_64 = arith.constant 0 : i32
      %dma_start3A_65 = tpu.memref_slice %arg6[%arg0, %arg1, %dma_start3A, %dma_start3A_64] : memref<2x16x159x128xi32, #tpu.memory_space<hbm>> -> memref<1x1x159x128xi32, #tpu.memory_space<hbm>>
      %dma_start3A_66 = tpu.memref_squeeze %dma_start3A_65 : memref<1x1x159x128xi32, #tpu.memory_space<hbm>> -> memref<159x128xi32, #tpu.memory_space<hbm>>
      %dma_start3A_67 = arith.constant 0 : i32
      %dma_start3A_68 = arith.constant 0 : i32
      %dma_start3A_69 = tpu.memref_slice %arg6[%arg0, %arg1, %dma_start3A_67, %dma_start3A_68] : memref<2x16x159x128xi32, #tpu.memory_space<hbm>> -> memref<1x1x159x128xi32, #tpu.memory_space<hbm>>
      %dma_start3A_70 = tpu.memref_squeeze %dma_start3A_69 : memref<1x1x159x128xi32, #tpu.memory_space<hbm>> -> memref<159x128xi32, #tpu.memory_space<hbm>>
      tpu.enqueue_dma source(%dma_start3A_70 : memref<159x128xi32, #tpu.memory_space<hbm>>) target(%arg13 : memref<159x128xi32, #tpu.memory_space<vmem>>) target_semaphore(%run_scoped3A : memref<!tpu.dma_semaphore, #tpu.memory_space<semaphore_mem>>)
      %dma_wait3A = arith.constant 0 : i32
      %dma_wait3A_71 = arith.constant 0 : i32
      %dma_wait3A_72 = tpu.memref_slice %arg6[%arg0, %arg1, %dma_wait3A, %dma_wait3A_71] : memref<2x16x159x128xi32, #tpu.memory_space<hbm>> -> memref<1x1x159x128xi32, #tpu.memory_space<hbm>>
      %dma_wait3A_73 = tpu.memref_squeeze %dma_wait3A_72 : memref<1x1x159x128xi32, #tpu.memory_space<hbm>> -> memref<159x128xi32, #tpu.memory_space<hbm>>
      %dma_wait3A_74 = arith.constant 0 : i32
      %dma_wait3A_75 = arith.constant 0 : i32
      %dma_wait3A_76 = tpu.memref_slice %arg6[%arg0, %arg1, %dma_wait3A_74, %dma_wait3A_75] : memref<2x16x159x128xi32, #tpu.memory_space<hbm>> -> memref<1x1x159x128xi32, #tpu.memory_space<hbm>>
      %dma_wait3A_77 = tpu.memref_squeeze %dma_wait3A_76 : memref<1x1x159x128xi32, #tpu.memory_space<hbm>> -> memref<159x128xi32, #tpu.memory_space<hbm>>
      tpu.wait_dma2 semaphore(%run_scoped3A : memref<!tpu.dma_semaphore, #tpu.memory_space<semaphore_mem>>) src(%dma_wait3A_77 : memref<159x128xi32, #tpu.memory_space<hbm>>) dst(%arg13 : memref<159x128xi32, #tpu.memory_space<vmem>>)
      tpu.yield
    }) : () -> ()
    "tpu.region"() ({
      %run_scoped3A = tpu.sem_alloc : memref<!tpu.dma_semaphore, #tpu.memory_space<semaphore_mem>>
      %dma_start3A = arith.constant 0 : i32
      %dma_start3A_64 = arith.constant 0 : i32
      %dma_start3A_65 = tpu.memref_slice %arg7[%arg1, %dma_start3A, %dma_start3A_64] : memref<16x159x128xi32, #tpu.memory_space<hbm>> -> memref<1x159x128xi32, #tpu.memory_space<hbm>>
      %dma_start3A_66 = tpu.memref_squeeze %dma_start3A_65 : memref<1x159x128xi32, #tpu.memory_space<hbm>> -> memref<159x128xi32, #tpu.memory_space<hbm>>
      %dma_start3A_67 = arith.constant 0 : i32
      %dma_start3A_68 = arith.constant 0 : i32
      %dma_start3A_69 = tpu.memref_slice %arg7[%arg1, %dma_start3A_67, %dma_start3A_68] : memref<16x159x128xi32, #tpu.memory_space<hbm>> -> memref<1x159x128xi32, #tpu.memory_space<hbm>>
      %dma_start3A_70 = tpu.memref_squeeze %dma_start3A_69 : memref<1x159x128xi32, #tpu.memory_space<hbm>> -> memref<159x128xi32, #tpu.memory_space<hbm>>
      tpu.enqueue_dma source(%dma_start3A_70 : memref<159x128xi32, #tpu.memory_space<hbm>>) target(%arg14 : memref<159x128xi32, #tpu.memory_space<vmem>>) target_semaphore(%run_scoped3A : memref<!tpu.dma_semaphore, #tpu.memory_space<semaphore_mem>>)
      %dma_wait3A = arith.constant 0 : i32
      %dma_wait3A_71 = arith.constant 0 : i32
      %dma_wait3A_72 = tpu.memref_slice %arg7[%arg1, %dma_wait3A, %dma_wait3A_71] : memref<16x159x128xi32, #tpu.memory_space<hbm>> -> memref<1x159x128xi32, #tpu.memory_space<hbm>>
      %dma_wait3A_73 = tpu.memref_squeeze %dma_wait3A_72 : memref<1x159x128xi32, #tpu.memory_space<hbm>> -> memref<159x128xi32, #tpu.memory_space<hbm>>
      %dma_wait3A_74 = arith.constant 0 : i32
      %dma_wait3A_75 = arith.constant 0 : i32
      %dma_wait3A_76 = tpu.memref_slice %arg7[%arg1, %dma_wait3A_74, %dma_wait3A_75] : memref<16x159x128xi32, #tpu.memory_space<hbm>> -> memref<1x159x128xi32, #tpu.memory_space<hbm>>
      %dma_wait3A_77 = tpu.memref_squeeze %dma_wait3A_76 : memref<1x159x128xi32, #tpu.memory_space<hbm>> -> memref<159x128xi32, #tpu.memory_space<hbm>>
      tpu.wait_dma2 semaphore(%run_scoped3A : memref<!tpu.dma_semaphore, #tpu.memory_space<semaphore_mem>>) src(%dma_wait3A_77 : memref<159x128xi32, #tpu.memory_space<hbm>>) dst(%arg14 : memref<159x128xi32, #tpu.memory_space<vmem>>)
      tpu.yield
    }) : () -> ()
    "tpu.region"() ({
      %run_scoped3A = tpu.sem_alloc : memref<!tpu.dma_semaphore, #tpu.memory_space<semaphore_mem>>
      %dma_start3A = tpu.memref_slice %arg5[%mul3A_0] : memref<10240xf32, #tpu.memory_space<hbm>> -> memref<640xf32, #tpu.memory_space<hbm>>
      %dma_start3A_64 = tpu.memref_slice %arg5[%mul3A_0] : memref<10240xf32, #tpu.memory_space<hbm>> -> memref<640xf32, #tpu.memory_space<hbm>>
      tpu.enqueue_dma source(%dma_start3A_64 : memref<640xf32, #tpu.memory_space<hbm>>) target(%arg27 : memref<640xf32, #tpu.memory_space<vmem>>) target_semaphore(%run_scoped3A : memref<!tpu.dma_semaphore, #tpu.memory_space<semaphore_mem>>)
      %dma_wait3A = tpu.memref_slice %arg5[%mul3A_0] : memref<10240xf32, #tpu.memory_space<hbm>> -> memref<640xf32, #tpu.memory_space<hbm>>
      %dma_wait3A_65 = tpu.memref_slice %arg5[%mul3A_0] : memref<10240xf32, #tpu.memory_space<hbm>> -> memref<640xf32, #tpu.memory_space<hbm>>
      tpu.wait_dma2 semaphore(%run_scoped3A : memref<!tpu.dma_semaphore, #tpu.memory_space<semaphore_mem>>) src(%dma_wait3A_65 : memref<640xf32, #tpu.memory_space<hbm>>) dst(%arg27 : memref<640xf32, #tpu.memory_space<vmem>>)
      tpu.yield
    }) : () -> ()
    %broadcast_in_dim3A = arith.constant 0.000000e+00 : f32
    %broadcast_in_dim3A_1 = vector.broadcast %broadcast_in_dim3A : f32 to vector<16xf32>
    %swap3A = arith.constant 0 : index
    %swap3A_2 = tpu.vector_load %arg26[%swap3A] {strides = array<i32>} : memref<128xf32, #tpu.memory_space<vmem>>, vector<16xf32>,
    tpu.vector_store %arg26[%swap3A], %broadcast_in_dim3A_1 {strides = array<i32>} : memref<128xf32, #tpu.memory_space<vmem>>, vector<16xf32>,
    %broadcast_in_dim3A_3 = arith.constant 0.000000e+00 : f32
    %broadcast_in_dim3A_4 = vector.broadcast %broadcast_in_dim3A_3 : f32 to vector<16xf32>
    %swap3A_5 = arith.constant 16 : index
    %swap3A_6 = tpu.vector_load %arg26[%swap3A_5] {strides = array<i32>} : memref<128xf32, #tpu.memory_space<vmem>>, vector<16xf32>,
    tpu.vector_store %arg26[%swap3A_5], %broadcast_in_dim3A_4 {strides = array<i32>} : memref<128xf32, #tpu.memory_space<vmem>>, vector<16xf32>,
    %broadcast_in_dim3A_7 = arith.constant 0.000000e+00 : f32
    %broadcast_in_dim3A_8 = vector.broadcast %broadcast_in_dim3A_7 : f32 to vector<16xf32>
    %swap3A_9 = arith.constant 32 : index
    %swap3A_10 = tpu.vector_load %arg26[%swap3A_9] {strides = array<i32>} : memref<128xf32, #tpu.memory_space<vmem>>, vector<16xf32>,
    tpu.vector_store %arg26[%swap3A_9], %broadcast_in_dim3A_8 {strides = array<i32>} : memref<128xf32, #tpu.memory_space<vmem>>, vector<16xf32>,
    %broadcast_in_dim3A_11 = arith.constant 0.000000e+00 : f32
    %broadcast_in_dim3A_12 = vector.broadcast %broadcast_in_dim3A_11 : f32 to vector<16xf32>
    %swap3A_13 = arith.constant 48 : index
    %swap3A_14 = tpu.vector_load %arg26[%swap3A_13] {strides = array<i32>} : memref<128xf32, #tpu.memory_space<vmem>>, vector<16xf32>,
    tpu.vector_store %arg26[%swap3A_13], %broadcast_in_dim3A_12 {strides = array<i32>} : memref<128xf32, #tpu.memory_space<vmem>>, vector<16xf32>,
    %broadcast_in_dim3A_15 = arith.constant 0.000000e+00 : f32
    %broadcast_in_dim3A_16 = vector.broadcast %broadcast_in_dim3A_15 : f32 to vector<16xf32>
    %swap3A_17 = arith.constant 64 : index
    %swap3A_18 = tpu.vector_load %arg26[%swap3A_17] {strides = array<i32>} : memref<128xf32, #tpu.memory_space<vmem>>, vector<16xf32>,
    tpu.vector_store %arg26[%swap3A_17], %broadcast_in_dim3A_16 {strides = array<i32>} : memref<128xf32, #tpu.memory_space<vmem>>, vector<16xf32>,
    %broadcast_in_dim3A_19 = arith.constant 0.000000e+00 : f32
    %broadcast_in_dim3A_20 = vector.broadcast %broadcast_in_dim3A_19 : f32 to vector<16xf32>
    %swap3A_21 = arith.constant 80 : index
    %swap3A_22 = tpu.vector_load %arg26[%swap3A_21] {strides = array<i32>} : memref<128xf32, #tpu.memory_space<vmem>>, vector<16xf32>,
    tpu.vector_store %arg26[%swap3A_21], %broadcast_in_dim3A_20 {strides = array<i32>} : memref<128xf32, #tpu.memory_space<vmem>>, vector<16xf32>,
    %broadcast_in_dim3A_23 = arith.constant 0.000000e+00 : f32
    %broadcast_in_dim3A_24 = vector.broadcast %broadcast_in_dim3A_23 : f32 to vector<16xf32>
    %swap3A_25 = arith.constant 96 : index
    %swap3A_26 = tpu.vector_load %arg26[%swap3A_25] {strides = array<i32>} : memref<128xf32, #tpu.memory_space<vmem>>, vector<16xf32>,
    tpu.vector_store %arg26[%swap3A_25], %broadcast_in_dim3A_24 {strides = array<i32>} : memref<128xf32, #tpu.memory_space<vmem>>, vector<16xf32>,
    %broadcast_in_dim3A_27 = arith.constant 0.000000e+00 : f32
    %broadcast_in_dim3A_28 = vector.broadcast %broadcast_in_dim3A_27 : f32 to vector<16xf32>
    %swap3A_29 = arith.constant 112 : index
    %swap3A_30 = tpu.vector_load %arg26[%swap3A_29] {strides = array<i32>} : memref<128xf32, #tpu.memory_space<vmem>>, vector<16xf32>,
    tpu.vector_store %arg26[%swap3A_29], %broadcast_in_dim3A_28 {strides = array<i32>} : memref<128xf32, #tpu.memory_space<vmem>>, vector<16xf32>,
    %scan3A = arith.constant 0 : i32
    %scan3A_31 = arith.constant 128 : i32
    %scan3A_32 = arith.addi %scan3A, %scan3A_31 : i32
    %scan3A_33 = arith.constant 1 : i32
    scf.for %scan3A_64 = %scan3A to %scan3A_32 step %scan3A_33  : i32 {
      %mul3A_65 = arith.constant 1 : i32
      %mul3A_66 = arith.muli %scan3A_64, %mul3A_65 : i32
      %add3A_67 = arith.constant 0 : i32
      %add3A_68 = arith.addi %add3A_67, %mul3A_66 : i32
      %broadcast_in_dim3A_69 = arith.constant 0.000000e+00 : f32
      %broadcast_in_dim3A_70 = vector.broadcast %broadcast_in_dim3A_69 : f32 to vector<16xf32>
      %swap3A_71 = arith.index_cast %add3A_68 : i32 to index
      %swap3A_72 = arith.constant 0 : index
      %swap3A_73 = tpu.vector_load %arg19[%swap3A_71, %swap3A_72] {strides = array<i32>} : memref<128x64xf32, #tpu.memory_space<vmem>>, vector<16xf32>,
      tpu.vector_store %arg19[%swap3A_71, %swap3A_72], %broadcast_in_dim3A_70 {strides = array<i32>} : memref<128x64xf32, #tpu.memory_space<vmem>>, vector<16xf32>,
      %broadcast_in_dim3A_74 = arith.constant 0.000000e+00 : f32
      %broadcast_in_dim3A_75 = vector.broadcast %broadcast_in_dim3A_74 : f32 to vector<16xf32>
      %swap3A_76 = arith.index_cast %add3A_68 : i32 to index
      %swap3A_77 = arith.constant 16 : index
      %swap3A_78 = tpu.vector_load %arg19[%swap3A_76, %swap3A_77] {strides = array<i32>} : memref<128x64xf32, #tpu.memory_space<vmem>>, vector<16xf32>,
      tpu.vector_store %arg19[%swap3A_76, %swap3A_77], %broadcast_in_dim3A_75 {strides = array<i32>} : memref<128x64xf32, #tpu.memory_space<vmem>>, vector<16xf32>,
      %broadcast_in_dim3A_79 = arith.constant 0.000000e+00 : f32
      %broadcast_in_dim3A_80 = vector.broadcast %broadcast_in_dim3A_79 : f32 to vector<16xf32>
      %swap3A_81 = arith.index_cast %add3A_68 : i32 to index
      %swap3A_82 = arith.constant 32 : index
      %swap3A_83 = tpu.vector_load %arg19[%swap3A_81, %swap3A_82] {strides = array<i32>} : memref<128x64xf32, #tpu.memory_space<vmem>>, vector<16xf32>,
      tpu.vector_store %arg19[%swap3A_81, %swap3A_82], %broadcast_in_dim3A_80 {strides = array<i32>} : memref<128x64xf32, #tpu.memory_space<vmem>>, vector<16xf32>,
      %broadcast_in_dim3A_84 = arith.constant 0.000000e+00 : f32
      %broadcast_in_dim3A_85 = vector.broadcast %broadcast_in_dim3A_84 : f32 to vector<16xf32>
      %swap3A_86 = arith.index_cast %add3A_68 : i32 to index
      %swap3A_87 = arith.constant 48 : index
      %swap3A_88 = tpu.vector_load %arg19[%swap3A_86, %swap3A_87] {strides = array<i32>} : memref<128x64xf32, #tpu.memory_space<vmem>>, vector<16xf32>,
      tpu.vector_store %arg19[%swap3A_86, %swap3A_87], %broadcast_in_dim3A_85 {strides = array<i32>} : memref<128x64xf32, #tpu.memory_space<vmem>>, vector<16xf32>,
    }
    %scan3A_34 = arith.constant 128 : i32
    %add3A = arith.constant 0 : i32
    %add3A_35 = arith.addi %mul3A_0, %add3A : i32
    %mul3A_36 = arith.constant 10240 : i32
    %mul3A_37 = arith.muli %arg0, %mul3A_36 : i32
    %add3A_38 = arith.addi %mul3A_37, %add3A_35 : i32
    "tpu.region"() ({
      %run_scoped3A = tpu.sem_alloc : memref<!tpu.dma_semaphore, #tpu.memory_space<semaphore_mem>>
      %dma_start3A = arith.constant 0 : i32
      %dma_start3A_64 = tpu.memref_slice %arg3[%add3A_38, %dma_start3A] : memref<20480x64xf32, #tpu.memory_space<hbm>> -> memref<128x64xf32, #tpu.memory_space<hbm>>
      %dma_start3A_65 = arith.constant 0 : i32
      %dma_start3A_66 = tpu.memref_slice %arg3[%add3A_38, %dma_start3A_65] : memref<20480x64xf32, #tpu.memory_space<hbm>> -> memref<128x64xf32, #tpu.memory_space<hbm>>
      tpu.enqueue_dma source(%dma_start3A_66 : memref<128x64xf32, #tpu.memory_space<hbm>>) target(%arg16 : memref<128x64xf32, #tpu.memory_space<vmem>>) target_semaphore(%run_scoped3A : memref<!tpu.dma_semaphore, #tpu.memory_space<semaphore_mem>>)
      %dma_wait3A = arith.constant 0 : i32
      %dma_wait3A_67 = tpu.memref_slice %arg3[%add3A_38, %dma_wait3A] : memref<20480x64xf32, #tpu.memory_space<hbm>> -> memref<128x64xf32, #tpu.memory_space<hbm>>
      %dma_wait3A_68 = arith.constant 0 : i32
      %dma_wait3A_69 = tpu.memref_slice %arg3[%add3A_38, %dma_wait3A_68] : memref<20480x64xf32, #tpu.memory_space<hbm>> -> memref<128x64xf32, #tpu.memory_space<hbm>>
      tpu.wait_dma2 semaphore(%run_scoped3A : memref<!tpu.dma_semaphore, #tpu.memory_space<semaphore_mem>>) src(%dma_wait3A_69 : memref<128x64xf32, #tpu.memory_space<hbm>>) dst(%arg16 : memref<128x64xf32, #tpu.memory_space<vmem>>)
      tpu.yield
    }) : () -> ()
    "tpu.region"() ({
      %run_scoped3A = tpu.sem_alloc : memref<!tpu.dma_semaphore, #tpu.memory_space<semaphore_mem>>
      %dma_start3A = arith.constant 0 : i32
      %dma_start3A_64 = tpu.memref_slice %arg9[%add3A_38, %dma_start3A] : memref<20480x64xf32, #tpu.memory_space<hbm>> -> memref<128x64xf32, #tpu.memory_space<hbm>>
      %dma_start3A_65 = arith.constant 0 : i32
      %dma_start3A_66 = tpu.memref_slice %arg9[%add3A_38, %dma_start3A_65] : memref<20480x64xf32, #tpu.memory_space<hbm>> -> memref<128x64xf32, #tpu.memory_space<hbm>>
      tpu.enqueue_dma source(%arg16 : memref<128x64xf32, #tpu.memory_space<vmem>>) target(%dma_start3A_66 : memref<128x64xf32, #tpu.memory_space<hbm>>) target_semaphore(%run_scoped3A : memref<!tpu.dma_semaphore, #tpu.memory_space<semaphore_mem>>)
      %dma_wait3A = arith.constant 0 : i32
      %dma_wait3A_67 = tpu.memref_slice %arg9[%add3A_38, %dma_wait3A] : memref<20480x64xf32, #tpu.memory_space<hbm>> -> memref<128x64xf32, #tpu.memory_space<hbm>>
      %dma_wait3A_68 = arith.constant 0 : i32
      %dma_wait3A_69 = tpu.memref_slice %arg9[%add3A_38, %dma_wait3A_68] : memref<20480x64xf32, #tpu.memory_space<hbm>> -> memref<128x64xf32, #tpu.memory_space<hbm>>
      tpu.wait_dma2 semaphore(%run_scoped3A : memref<!tpu.dma_semaphore, #tpu.memory_space<semaphore_mem>>) src(%arg16 : memref<128x64xf32, #tpu.memory_space<vmem>>) dst(%dma_wait3A_69 : memref<128x64xf32, #tpu.memory_space<hbm>>)
      tpu.yield
    }) : () -> ()
    "tpu.region"() ({
      %run_scoped3A = tpu.sem_alloc : memref<!tpu.dma_semaphore, #tpu.memory_space<semaphore_mem>>
      %dma_start3A = arith.constant 0 : i32
      %dma_start3A_64 = tpu.memref_slice %arg2[%add3A_38, %dma_start3A] : memref<20480x64xf32, #tpu.memory_space<hbm>> -> memref<128x64xf32, #tpu.memory_space<hbm>>
      %dma_start3A_65 = arith.constant 0 : i32
      %dma_start3A_66 = tpu.memref_slice %arg2[%add3A_38, %dma_start3A_65] : memref<20480x64xf32, #tpu.memory_space<hbm>> -> memref<128x64xf32, #tpu.memory_space<hbm>>
      tpu.enqueue_dma source(%dma_start3A_66 : memref<128x64xf32, #tpu.memory_space<hbm>>) target(%arg18 : memref<128x64xf32, #tpu.memory_space<vmem>>) target_semaphore(%run_scoped3A : memref<!tpu.dma_semaphore, #tpu.memory_space<semaphore_mem>>)
      %dma_wait3A = arith.constant 0 : i32
      %dma_wait3A_67 = tpu.memref_slice %arg2[%add3A_38, %dma_wait3A] : memref<20480x64xf32, #tpu.memory_space<hbm>> -> memref<128x64xf32, #tpu.memory_space<hbm>>
      %dma_wait3A_68 = arith.constant 0 : i32
      %dma_wait3A_69 = tpu.memref_slice %arg2[%add3A_38, %dma_wait3A_68] : memref<20480x64xf32, #tpu.memory_space<hbm>> -> memref<128x64xf32, #tpu.memory_space<hbm>>
      tpu.wait_dma2 semaphore(%run_scoped3A : memref<!tpu.dma_semaphore, #tpu.memory_space<semaphore_mem>>) src(%dma_wait3A_69 : memref<128x64xf32, #tpu.memory_space<hbm>>) dst(%arg18 : memref<128x64xf32, #tpu.memory_space<vmem>>)
      tpu.yield
    }) : () -> ()
    "tpu.region"() ({
      %run_scoped3A = tpu.sem_alloc : memref<!tpu.dma_semaphore, #tpu.memory_space<semaphore_mem>>
      %dma_start3A = arith.constant 0 : i32
      %dma_start3A_64 = tpu.memref_slice %arg8[%add3A_38, %dma_start3A] : memref<20480x64xf32, #tpu.memory_space<hbm>> -> memref<128x64xf32, #tpu.memory_space<hbm>>
      %dma_start3A_65 = arith.constant 0 : i32
      %dma_start3A_66 = tpu.memref_slice %arg8[%add3A_38, %dma_start3A_65] : memref<20480x64xf32, #tpu.memory_space<hbm>> -> memref<128x64xf32, #tpu.memory_space<hbm>>
      tpu.enqueue_dma source(%arg18 : memref<128x64xf32, #tpu.memory_space<vmem>>) target(%dma_start3A_66 : memref<128x64xf32, #tpu.memory_space<hbm>>) target_semaphore(%run_scoped3A : memref<!tpu.dma_semaphore, #tpu.memory_space<semaphore_mem>>)
      %dma_wait3A = arith.constant 0 : i32
      %dma_wait3A_67 = tpu.memref_slice %arg8[%add3A_38, %dma_wait3A] : memref<20480x64xf32, #tpu.memory_space<hbm>> -> memref<128x64xf32, #tpu.memory_space<hbm>>
      %dma_wait3A_68 = arith.constant 0 : i32
      %dma_wait3A_69 = tpu.memref_slice %arg8[%add3A_38, %dma_wait3A_68] : memref<20480x64xf32, #tpu.memory_space<hbm>> -> memref<128x64xf32, #tpu.memory_space<hbm>>
      tpu.wait_dma2 semaphore(%run_scoped3A : memref<!tpu.dma_semaphore, #tpu.memory_space<semaphore_mem>>) src(%arg18 : memref<128x64xf32, #tpu.memory_space<vmem>>) dst(%dma_wait3A_69 : memref<128x64xf32, #tpu.memory_space<hbm>>)
      tpu.yield
    }) : () -> ()
    "tpu.region"() ({
      %run_scoped3A = tpu.sem_alloc : memref<!tpu.dma_semaphore, #tpu.memory_space<semaphore_mem>>
      %dma_start3A = tpu.memref_slice %arg4[%add3A_35] : memref<10240xf32, #tpu.memory_space<hbm>> -> memref<128xf32, #tpu.memory_space<hbm>>
      %dma_start3A_64 = tpu.memref_slice %arg4[%add3A_35] : memref<10240xf32, #tpu.memory_space<hbm>> -> memref<128xf32, #tpu.memory_space<hbm>>
      tpu.enqueue_dma source(%dma_start3A_64 : memref<128xf32, #tpu.memory_space<hbm>>) target(%arg24 : memref<128xf32, #tpu.memory_space<vmem>>) target_semaphore(%run_scoped3A : memref<!tpu.dma_semaphore, #tpu.memory_space<semaphore_mem>>)
      %dma_wait3A = tpu.memref_slice %arg4[%add3A_35] : memref<10240xf32, #tpu.memory_space<hbm>> -> memref<128xf32, #tpu.memory_space<hbm>>
      %dma_wait3A_65 = tpu.memref_slice %arg4[%add3A_35] : memref<10240xf32, #tpu.memory_space<hbm>> -> memref<128xf32, #tpu.memory_space<hbm>>
      tpu.wait_dma2 semaphore(%run_scoped3A : memref<!tpu.dma_semaphore, #tpu.memory_space<semaphore_mem>>) src(%dma_wait3A_65 : memref<128xf32, #tpu.memory_space<hbm>>) dst(%arg24 : memref<128xf32, #tpu.memory_space<vmem>>)
      tpu.yield
    }) : () -> ()
    "tpu.region"() ({
      %run_scoped3A = tpu.sem_alloc : memref<!tpu.dma_semaphore, #tpu.memory_space<semaphore_mem>>
      %dma_start3A = tpu.memref_slice %arg10[%add3A_38] : memref<20480xf32, #tpu.memory_space<hbm>> -> memref<128xf32, #tpu.memory_space<hbm>>
      %dma_start3A_64 = tpu.memref_slice %arg10[%add3A_38] : memref<20480xf32, #tpu.memory_space<hbm>> -> memref<128xf32, #tpu.memory_space<hbm>>
      tpu.enqueue_dma source(%arg24 : memref<128xf32, #tpu.memory_space<vmem>>) target(%dma_start3A_64 : memref<128xf32, #tpu.memory_space<hbm>>) target_semaphore(%run_scoped3A : memref<!tpu.dma_semaphore, #tpu.memory_space<semaphore_mem>>)
      %dma_wait3A = tpu.memref_slice %arg10[%add3A_38] : memref<20480xf32, #tpu.memory_space<hbm>> -> memref<128xf32, #tpu.memory_space<hbm>>
      %dma_wait3A_65 = tpu.memref_slice %arg10[%add3A_38] : memref<20480xf32, #tpu.memory_space<hbm>> -> memref<128xf32, #tpu.memory_space<hbm>>
      tpu.wait_dma2 semaphore(%run_scoped3A : memref<!tpu.dma_semaphore, #tpu.memory_space<semaphore_mem>>) src(%arg24 : memref<128xf32, #tpu.memory_space<vmem>>) dst(%dma_wait3A_65 : memref<128xf32, #tpu.memory_space<hbm>>)
      tpu.yield
    }) : () -> ()
    "tpu.region"() ({
      %run_scoped3A = tpu.sem_alloc : memref<!tpu.dma_semaphore, #tpu.memory_space<semaphore_mem>>
      %dma_start3A = arith.constant 0 : i32
      %dma_start3A_64 = tpu.memref_slice %arg11[%add3A_35, %dma_start3A] : memref<10240x64xf32, #tpu.memory_space<vmem_shared>> -> memref<128x64xf32, #tpu.memory_space<vmem_shared>>
      %dma_start3A_65 = arith.constant 0 : i32
      %dma_start3A_66 = tpu.memref_slice %arg11[%add3A_35, %dma_start3A_65] : memref<10240x64xf32, #tpu.memory_space<vmem_shared>> -> memref<128x64xf32, #tpu.memory_space<vmem_shared>>
      tpu.enqueue_dma source(%arg19 : memref<128x64xf32, #tpu.memory_space<vmem>>) target(%dma_start3A_66 : memref<128x64xf32, #tpu.memory_space<vmem_shared>>) target_semaphore(%run_scoped3A : memref<!tpu.dma_semaphore, #tpu.memory_space<semaphore_mem>>)
      %dma_wait3A = arith.constant 0 : i32
      %dma_wait3A_67 = tpu.memref_slice %arg11[%add3A_35, %dma_wait3A] : memref<10240x64xf32, #tpu.memory_space<vmem_shared>> -> memref<128x64xf32, #tpu.memory_space<vmem_shared>>
      %dma_wait3A_68 = arith.constant 0 : i32
      %dma_wait3A_69 = tpu.memref_slice %arg11[%add3A_35, %dma_wait3A_68] : memref<10240x64xf32, #tpu.memory_space<vmem_shared>> -> memref<128x64xf32, #tpu.memory_space<vmem_shared>>
      tpu.wait_dma2 semaphore(%run_scoped3A : memref<!tpu.dma_semaphore, #tpu.memory_space<semaphore_mem>>) src(%arg19 : memref<128x64xf32, #tpu.memory_space<vmem>>) dst(%dma_wait3A_69 : memref<128x64xf32, #tpu.memory_space<vmem_shared>>)
      tpu.yield
    }) : () -> ()
    "tpu.region"() ({
      %run_scoped3A = tpu.sem_alloc : memref<!tpu.dma_semaphore, #tpu.memory_space<semaphore_mem>>
      %dma_start3A = tpu.memref_slice %arg12[%add3A_35] : memref<10240xf32, #tpu.memory_space<vmem_shared>> -> memref<128xf32, #tpu.memory_space<vmem_shared>>
      %dma_start3A_64 = tpu.memref_slice %arg12[%add3A_35] : memref<10240xf32, #tpu.memory_space<vmem_shared>> -> memref<128xf32, #tpu.memory_space<vmem_shared>>
      tpu.enqueue_dma source(%arg26 : memref<128xf32, #tpu.memory_space<vmem>>) target(%dma_start3A_64 : memref<128xf32, #tpu.memory_space<vmem_shared>>) target_semaphore(%run_scoped3A : memref<!tpu.dma_semaphore, #tpu.memory_space<semaphore_mem>>)
      %dma_wait3A = tpu.memref_slice %arg12[%add3A_35] : memref<10240xf32, #tpu.memory_space<vmem_shared>> -> memref<128xf32, #tpu.memory_space<vmem_shared>>
      %dma_wait3A_65 = tpu.memref_slice %arg12[%add3A_35] : memref<10240xf32, #tpu.memory_space<vmem_shared>> -> memref<128xf32, #tpu.memory_space<vmem_shared>>
      tpu.wait_dma2 semaphore(%run_scoped3A : memref<!tpu.dma_semaphore, #tpu.memory_space<semaphore_mem>>) src(%arg26 : memref<128xf32, #tpu.memory_space<vmem>>) dst(%dma_wait3A_65 : memref<128xf32, #tpu.memory_space<vmem_shared>>)
      tpu.yield
    }) : () -> ()
    %add3A_39 = arith.constant 128 : i32
    %add3A_40 = arith.addi %mul3A_0, %add3A_39 : i32
    %mul3A_41 = arith.constant 10240 : i32
    %mul3A_42 = arith.muli %arg0, %mul3A_41 : i32
    %add3A_43 = arith.addi %mul3A_42, %add3A_40 : i32
    "tpu.region"() ({
      %run_scoped3A = tpu.sem_alloc : memref<!tpu.dma_semaphore, #tpu.memory_space<semaphore_mem>>
      %dma_start3A = arith.constant 0 : i32
      %dma_start3A_64 = tpu.memref_slice %arg3[%add3A_43, %dma_start3A] : memref<20480x64xf32, #tpu.memory_space<hbm>> -> memref<128x64xf32, #tpu.memory_space<hbm>>
      %dma_start3A_65 = arith.constant 0 : i32
      %dma_start3A_66 = tpu.memref_slice %arg3[%add3A_43, %dma_start3A_65] : memref<20480x64xf32, #tpu.memory_space<hbm>> -> memref<128x64xf32, #tpu.memory_space<hbm>>
      tpu.enqueue_dma source(%dma_start3A_66 : memref<128x64xf32, #tpu.memory_space<hbm>>) target(%arg16 : memref<128x64xf32, #tpu.memory_space<vmem>>) target_semaphore(%run_scoped3A : memref<!tpu.dma_semaphore, #tpu.memory_space<semaphore_mem>>)
      %dma_wait3A = arith.constant 0 : i32
      %dma_wait3A_67 = tpu.memref_slice %arg3[%add3A_43, %dma_wait3A] : memref<20480x64xf32, #tpu.memory_space<hbm>> -> memref<128x64xf32, #tpu.memory_space<hbm>>
      %dma_wait3A_68 = arith.constant 0 : i32
      %dma_wait3A_69 = tpu.memref_slice %arg3[%add3A_43, %dma_wait3A_68] : memref<20480x64xf32, #tpu.memory_space<hbm>> -> memref<128x64xf32, #tpu.memory_space<hbm>>
      tpu.wait_dma2 semaphore(%run_scoped3A : memref<!tpu.dma_semaphore, #tpu.memory_space<semaphore_mem>>) src(%dma_wait3A_69 : memref<128x64xf32, #tpu.memory_space<hbm>>) dst(%arg16 : memref<128x64xf32, #tpu.memory_space<vmem>>)
      tpu.yield
    }) : () -> ()
    "tpu.region"() ({
      %run_scoped3A = tpu.sem_alloc : memref<!tpu.dma_semaphore, #tpu.memory_space<semaphore_mem>>
      %dma_start3A = arith.constant 0 : i32
      %dma_start3A_64 = tpu.memref_slice %arg9[%add3A_43, %dma_start3A] : memref<20480x64xf32, #tpu.memory_space<hbm>> -> memref<128x64xf32, #tpu.memory_space<hbm>>
      %dma_start3A_65 = arith.constant 0 : i32
      %dma_start3A_66 = tpu.memref_slice %arg9[%add3A_43, %dma_start3A_65] : memref<20480x64xf32, #tpu.memory_space<hbm>> -> memref<128x64xf32, #tpu.memory_space<hbm>>
      tpu.enqueue_dma source(%arg16 : memref<128x64xf32, #tpu.memory_space<vmem>>) target(%dma_start3A_66 : memref<128x64xf32, #tpu.memory_space<hbm>>) target_semaphore(%run_scoped3A : memref<!tpu.dma_semaphore, #tpu.memory_space<semaphore_mem>>)
      %dma_wait3A = arith.constant 0 : i32
      %dma_wait3A_67 = tpu.memref_slice %arg9[%add3A_43, %dma_wait3A] : memref<20480x64xf32, #tpu.memory_space<hbm>> -> memref<128x64xf32, #tpu.memory_space<hbm>>
      %dma_wait3A_68 = arith.constant 0 : i32
      %dma_wait3A_69 = tpu.memref_slice %arg9[%add3A_43, %dma_wait3A_68] : memref<20480x64xf32, #tpu.memory_space<hbm>> -> memref<128x64xf32, #tpu.memory_space<hbm>>
      tpu.wait_dma2 semaphore(%run_scoped3A : memref<!tpu.dma_semaphore, #tpu.memory_space<semaphore_mem>>) src(%arg16 : memref<128x64xf32, #tpu.memory_space<vmem>>) dst(%dma_wait3A_69 : memref<128x64xf32, #tpu.memory_space<hbm>>)
      tpu.yield
    }) : () -> ()
    "tpu.region"() ({
      %run_scoped3A = tpu.sem_alloc : memref<!tpu.dma_semaphore, #tpu.memory_space<semaphore_mem>>
      %dma_start3A = arith.constant 0 : i32
      %dma_start3A_64 = tpu.memref_slice %arg2[%add3A_43, %dma_start3A] : memref<20480x64xf32, #tpu.memory_space<hbm>> -> memref<128x64xf32, #tpu.memory_space<hbm>>
      %dma_start3A_65 = arith.constant 0 : i32
      %dma_start3A_66 = tpu.memref_slice %arg2[%add3A_43, %dma_start3A_65] : memref<20480x64xf32, #tpu.memory_space<hbm>> -> memref<128x64xf32, #tpu.memory_space<hbm>>
      tpu.enqueue_dma source(%dma_start3A_66 : memref<128x64xf32, #tpu.memory_space<hbm>>) target(%arg18 : memref<128x64xf32, #tpu.memory_space<vmem>>) target_semaphore(%run_scoped3A : memref<!tpu.dma_semaphore, #tpu.memory_space<semaphore_mem>>)
      %dma_wait3A = arith.constant 0 : i32
      %dma_wait3A_67 = tpu.memref_slice %arg2[%add3A_43, %dma_wait3A] : memref<20480x64xf32, #tpu.memory_space<hbm>> -> memref<128x64xf32, #tpu.memory_space<hbm>>
      %dma_wait3A_68 = arith.constant 0 : i32
      %dma_wait3A_69 = tpu.memref_slice %arg2[%add3A_43, %dma_wait3A_68] : memref<20480x64xf32, #tpu.memory_space<hbm>> -> memref<128x64xf32, #tpu.memory_space<hbm>>
      tpu.wait_dma2 semaphore(%run_scoped3A : memref<!tpu.dma_semaphore, #tpu.memory_space<semaphore_mem>>) src(%dma_wait3A_69 : memref<128x64xf32, #tpu.memory_space<hbm>>) dst(%arg18 : memref<128x64xf32, #tpu.memory_space<vmem>>)
      tpu.yield
    }) : () -> ()
    "tpu.region"() ({
      %run_scoped3A = tpu.sem_alloc : memref<!tpu.dma_semaphore, #tpu.memory_space<semaphore_mem>>
      %dma_start3A = arith.constant 0 : i32
      %dma_start3A_64 = tpu.memref_slice %arg8[%add3A_43, %dma_start3A] : memref<20480x64xf32, #tpu.memory_space<hbm>> -> memref<128x64xf32, #tpu.memory_space<hbm>>
      %dma_start3A_65 = arith.constant 0 : i32
      %dma_start3A_66 = tpu.memref_slice %arg8[%add3A_43, %dma_start3A_65] : memref<20480x64xf32, #tpu.memory_space<hbm>> -> memref<128x64xf32, #tpu.memory_space<hbm>>
      tpu.enqueue_dma source(%arg18 : memref<128x64xf32, #tpu.memory_space<vmem>>) target(%dma_start3A_66 : memref<128x64xf32, #tpu.memory_space<hbm>>) target_semaphore(%run_scoped3A : memref<!tpu.dma_semaphore, #tpu.memory_space<semaphore_mem>>)
      %dma_wait3A = arith.constant 0 : i32
      %dma_wait3A_67 = tpu.memref_slice %arg8[%add3A_43, %dma_wait3A] : memref<20480x64xf32, #tpu.memory_space<hbm>> -> memref<128x64xf32, #tpu.memory_space<hbm>>
      %dma_wait3A_68 = arith.constant 0 : i32
      %dma_wait3A_69 = tpu.memref_slice %arg8[%add3A_43, %dma_wait3A_68] : memref<20480x64xf32, #tpu.memory_space<hbm>> -> memref<128x64xf32, #tpu.memory_space<hbm>>
      tpu.wait_dma2 semaphore(%run_scoped3A : memref<!tpu.dma_semaphore, #tpu.memory_space<semaphore_mem>>) src(%arg18 : memref<128x64xf32, #tpu.memory_space<vmem>>) dst(%dma_wait3A_69 : memref<128x64xf32, #tpu.memory_space<hbm>>)
      tpu.yield
    }) : () -> ()
    "tpu.region"() ({
      %run_scoped3A = tpu.sem_alloc : memref<!tpu.dma_semaphore, #tpu.memory_space<semaphore_mem>>
      %dma_start3A = tpu.memref_slice %arg4[%add3A_40] : memref<10240xf32, #tpu.memory_space<hbm>> -> memref<128xf32, #tpu.memory_space<hbm>>
      %dma_start3A_64 = tpu.memref_slice %arg4[%add3A_40] : memref<10240xf32, #tpu.memory_space<hbm>> -> memref<128xf32, #tpu.memory_space<hbm>>
      tpu.enqueue_dma source(%dma_start3A_64 : memref<128xf32, #tpu.memory_space<hbm>>) target(%arg24 : memref<128xf32, #tpu.memory_space<vmem>>) target_semaphore(%run_scoped3A : memref<!tpu.dma_semaphore, #tpu.memory_space<semaphore_mem>>)
      %dma_wait3A = tpu.memref_slice %arg4[%add3A_40] : memref<10240xf32, #tpu.memory_space<hbm>> -> memref<128xf32, #tpu.memory_space<hbm>>
      %dma_wait3A_65 = tpu.memref_slice %arg4[%add3A_40] : memref<10240xf32, #tpu.memory_space<hbm>> -> memref<128xf32, #tpu.memory_space<hbm>>
      tpu.wait_dma2 semaphore(%run_scoped3A : memref<!tpu.dma_semaphore, #tpu.memory_space<semaphore_mem>>) src(%dma_wait3A_65 : memref<128xf32, #tpu.memory_space<hbm>>) dst(%arg24 : memref<128xf32, #tpu.memory_space<vmem>>)
      tpu.yield
    }) : () -> ()
    "tpu.region"() ({
      %run_scoped3A = tpu.sem_alloc : memref<!tpu.dma_semaphore, #tpu.memory_space<semaphore_mem>>
      %dma_start3A = tpu.memref_slice %arg10[%add3A_43] : memref<20480xf32, #tpu.memory_space<hbm>> -> memref<128xf32, #tpu.memory_space<hbm>>
      %dma_start3A_64 = tpu.memref_slice %arg10[%add3A_43] : memref<20480xf32, #tpu.memory_space<hbm>> -> memref<128xf32, #tpu.memory_space<hbm>>
      tpu.enqueue_dma source(%arg24 : memref<128xf32, #tpu.memory_space<vmem>>) target(%dma_start3A_64 : memref<128xf32, #tpu.memory_space<hbm>>) target_semaphore(%run_scoped3A : memref<!tpu.dma_semaphore, #tpu.memory_space<semaphore_mem>>)
      %dma_wait3A = tpu.memref_slice %arg10[%add3A_43] : memref<20480xf32, #tpu.memory_space<hbm>> -> memref<128xf32, #tpu.memory_space<hbm>>
      %dma_wait3A_65 = tpu.memref_slice %arg10[%add3A_43] : memref<20480xf32, #tpu.memory_space<hbm>> -> memref<128xf32, #tpu.memory_space<hbm>>
      tpu.wait_dma2 semaphore(%run_scoped3A : memref<!tpu.dma_semaphore, #tpu.memory_space<semaphore_mem>>) src(%arg24 : memref<128xf32, #tpu.memory_space<vmem>>) dst(%dma_wait3A_65 : memref<128xf32, #tpu.memory_space<hbm>>)
      tpu.yield
    }) : () -> ()
    "tpu.region"() ({
      %run_scoped3A = tpu.sem_alloc : memref<!tpu.dma_semaphore, #tpu.memory_space<semaphore_mem>>
      %dma_start3A = arith.constant 0 : i32
      %dma_start3A_64 = tpu.memref_slice %arg11[%add3A_40, %dma_start3A] : memref<10240x64xf32, #tpu.memory_space<vmem_shared>> -> memref<128x64xf32, #tpu.memory_space<vmem_shared>>
      %dma_start3A_65 = arith.constant 0 : i32
      %dma_start3A_66 = tpu.memref_slice %arg11[%add3A_40, %dma_start3A_65] : memref<10240x64xf32, #tpu.memory_space<vmem_shared>> -> memref<128x64xf32, #tpu.memory_space<vmem_shared>>
      tpu.enqueue_dma source(%arg19 : memref<128x64xf32, #tpu.memory_space<vmem>>) target(%dma_start3A_66 : memref<128x64xf32, #tpu.memory_space<vmem_shared>>) target_semaphore(%run_scoped3A : memref<!tpu.dma_semaphore, #tpu.memory_space<semaphore_mem>>)
      %dma_wait3A = arith.constant 0 : i32
      %dma_wait3A_67 = tpu.memref_slice %arg11[%add3A_40, %dma_wait3A] : memref<10240x64xf32, #tpu.memory_space<vmem_shared>> -> memref<128x64xf32, #tpu.memory_space<vmem_shared>>
      %dma_wait3A_68 = arith.constant 0 : i32
      %dma_wait3A_69 = tpu.memref_slice %arg11[%add3A_40, %dma_wait3A_68] : memref<10240x64xf32, #tpu.memory_space<vmem_shared>> -> memref<128x64xf32, #tpu.memory_space<vmem_shared>>
      tpu.wait_dma2 semaphore(%run_scoped3A : memref<!tpu.dma_semaphore, #tpu.memory_space<semaphore_mem>>) src(%arg19 : memref<128x64xf32, #tpu.memory_space<vmem>>) dst(%dma_wait3A_69 : memref<128x64xf32, #tpu.memory_space<vmem_shared>>)
      tpu.yield
    }) : () -> ()
    "tpu.region"() ({
      %run_scoped3A = tpu.sem_alloc : memref<!tpu.dma_semaphore, #tpu.memory_space<semaphore_mem>>
      %dma_start3A = tpu.memref_slice %arg12[%add3A_40] : memref<10240xf32, #tpu.memory_space<vmem_shared>> -> memref<128xf32, #tpu.memory_space<vmem_shared>>
      %dma_start3A_64 = tpu.memref_slice %arg12[%add3A_40] : memref<10240xf32, #tpu.memory_space<vmem_shared>> -> memref<128xf32, #tpu.memory_space<vmem_shared>>
      tpu.enqueue_dma source(%arg26 : memref<128xf32, #tpu.memory_space<vmem>>) target(%dma_start3A_64 : memref<128xf32, #tpu.memory_space<vmem_shared>>) target_semaphore(%run_scoped3A : memref<!tpu.dma_semaphore, #tpu.memory_space<semaphore_mem>>)
      %dma_wait3A = tpu.memref_slice %arg12[%add3A_40] : memref<10240xf32, #tpu.memory_space<vmem_shared>> -> memref<128xf32, #tpu.memory_space<vmem_shared>>
      %dma_wait3A_65 = tpu.memref_slice %arg12[%add3A_40] : memref<10240xf32, #tpu.memory_space<vmem_shared>> -> memref<128xf32, #tpu.memory_space<vmem_shared>>
      tpu.wait_dma2 semaphore(%run_scoped3A : memref<!tpu.dma_semaphore, #tpu.memory_space<semaphore_mem>>) src(%arg26 : memref<128xf32, #tpu.memory_space<vmem>>) dst(%dma_wait3A_65 : memref<128xf32, #tpu.memory_space<vmem_shared>>)
      tpu.yield
    }) : () -> ()
    %add3A_44 = arith.constant 256 : i32
    %add3A_45 = arith.addi %mul3A_0, %add3A_44 : i32
    %mul3A_46 = arith.constant 10240 : i32
    %mul3A_47 = arith.muli %arg0, %mul3A_46 : i32
    %add3A_48 = arith.addi %mul3A_47, %add3A_45 : i32
    "tpu.region"() ({
      %run_scoped3A = tpu.sem_alloc : memref<!tpu.dma_semaphore, #tpu.memory_space<semaphore_mem>>
      %dma_start3A = arith.constant 0 : i32
      %dma_start3A_64 = tpu.memref_slice %arg3[%add3A_48, %dma_start3A] : memref<20480x64xf32, #tpu.memory_space<hbm>> -> memref<128x64xf32, #tpu.memory_space<hbm>>
      %dma_start3A_65 = arith.constant 0 : i32
      %dma_start3A_66 = tpu.memref_slice %arg3[%add3A_48, %dma_start3A_65] : memref<20480x64xf32, #tpu.memory_space<hbm>> -> memref<128x64xf32, #tpu.memory_space<hbm>>
      tpu.enqueue_dma source(%dma_start3A_66 : memref<128x64xf32, #tpu.memory_space<hbm>>) target(%arg16 : memref<128x64xf32, #tpu.memory_space<vmem>>) target_semaphore(%run_scoped3A : memref<!tpu.dma_semaphore, #tpu.memory_space<semaphore_mem>>)
      %dma_wait3A = arith.constant 0 : i32
      %dma_wait3A_67 = tpu.memref_slice %arg3[%add3A_48, %dma_wait3A] : memref<20480x64xf32, #tpu.memory_space<hbm>> -> memref<128x64xf32, #tpu.memory_space<hbm>>
      %dma_wait3A_68 = arith.constant 0 : i32
      %dma_wait3A_69 = tpu.memref_slice %arg3[%add3A_48, %dma_wait3A_68] : memref<20480x64xf32, #tpu.memory_space<hbm>> -> memref<128x64xf32, #tpu.memory_space<hbm>>
      tpu.wait_dma2 semaphore(%run_scoped3A : memref<!tpu.dma_semaphore, #tpu.memory_space<semaphore_mem>>) src(%dma_wait3A_69 : memref<128x64xf32, #tpu.memory_space<hbm>>) dst(%arg16 : memref<128x64xf32, #tpu.memory_space<vmem>>)
      tpu.yield
    }) : () -> ()
    "tpu.region"() ({
      %run_scoped3A = tpu.sem_alloc : memref<!tpu.dma_semaphore, #tpu.memory_space<semaphore_mem>>
      %dma_start3A = arith.constant 0 : i32
      %dma_start3A_64 = tpu.memref_slice %arg9[%add3A_48, %dma_start3A] : memref<20480x64xf32, #tpu.memory_space<hbm>> -> memref<128x64xf32, #tpu.memory_space<hbm>>
      %dma_start3A_65 = arith.constant 0 : i32
      %dma_start3A_66 = tpu.memref_slice %arg9[%add3A_48, %dma_start3A_65] : memref<20480x64xf32, #tpu.memory_space<hbm>> -> memref<128x64xf32, #tpu.memory_space<hbm>>
      tpu.enqueue_dma source(%arg16 : memref<128x64xf32, #tpu.memory_space<vmem>>) target(%dma_start3A_66 : memref<128x64xf32, #tpu.memory_space<hbm>>) target_semaphore(%run_scoped3A : memref<!tpu.dma_semaphore, #tpu.memory_space<semaphore_mem>>)
      %dma_wait3A = arith.constant 0 : i32
      %dma_wait3A_67 = tpu.memref_slice %arg9[%add3A_48, %dma_wait3A] : memref<20480x64xf32, #tpu.memory_space<hbm>> -> memref<128x64xf32, #tpu.memory_space<hbm>>
      %dma_wait3A_68 = arith.constant 0 : i32
      %dma_wait3A_69 = tpu.memref_slice %arg9[%add3A_48, %dma_wait3A_68] : memref<20480x64xf32, #tpu.memory_space<hbm>> -> memref<128x64xf32, #tpu.memory_space<hbm>>
      tpu.wait_dma2 semaphore(%run_scoped3A : memref<!tpu.dma_semaphore, #tpu.memory_space<semaphore_mem>>) src(%arg16 : memref<128x64xf32, #tpu.memory_space<vmem>>) dst(%dma_wait3A_69 : memref<128x64xf32, #tpu.memory_space<hbm>>)
      tpu.yield
    }) : () -> ()
    "tpu.region"() ({
      %run_scoped3A = tpu.sem_alloc : memref<!tpu.dma_semaphore, #tpu.memory_space<semaphore_mem>>
      %dma_start3A = arith.constant 0 : i32
      %dma_start3A_64 = tpu.memref_slice %arg2[%add3A_48, %dma_start3A] : memref<20480x64xf32, #tpu.memory_space<hbm>> -> memref<128x64xf32, #tpu.memory_space<hbm>>
      %dma_start3A_65 = arith.constant 0 : i32
      %dma_start3A_66 = tpu.memref_slice %arg2[%add3A_48, %dma_start3A_65] : memref<20480x64xf32, #tpu.memory_space<hbm>> -> memref<128x64xf32, #tpu.memory_space<hbm>>
      tpu.enqueue_dma source(%dma_start3A_66 : memref<128x64xf32, #tpu.memory_space<hbm>>) target(%arg18 : memref<128x64xf32, #tpu.memory_space<vmem>>) target_semaphore(%run_scoped3A : memref<!tpu.dma_semaphore, #tpu.memory_space<semaphore_mem>>)
      %dma_wait3A = arith.constant 0 : i32
      %dma_wait3A_67 = tpu.memref_slice %arg2[%add3A_48, %dma_wait3A] : memref<20480x64xf32, #tpu.memory_space<hbm>> -> memref<128x64xf32, #tpu.memory_space<hbm>>
      %dma_wait3A_68 = arith.constant 0 : i32
      %dma_wait3A_69 = tpu.memref_slice %arg2[%add3A_48, %dma_wait3A_68] : memref<20480x64xf32, #tpu.memory_space<hbm>> -> memref<128x64xf32, #tpu.memory_space<hbm>>
      tpu.wait_dma2 semaphore(%run_scoped3A : memref<!tpu.dma_semaphore, #tpu.memory_space<semaphore_mem>>) src(%dma_wait3A_69 : memref<128x64xf32, #tpu.memory_space<hbm>>) dst(%arg18 : memref<128x64xf32, #tpu.memory_space<vmem>>)
      tpu.yield
    }) : () -> ()
    "tpu.region"() ({
      %run_scoped3A = tpu.sem_alloc : memref<!tpu.dma_semaphore, #tpu.memory_space<semaphore_mem>>
      %dma_start3A = arith.constant 0 : i32
      %dma_start3A_64 = tpu.memref_slice %arg8[%add3A_48, %dma_start3A] : memref<20480x64xf32, #tpu.memory_space<hbm>> -> memref<128x64xf32, #tpu.memory_space<hbm>>
      %dma_start3A_65 = arith.constant 0 : i32
      %dma_start3A_66 = tpu.memref_slice %arg8[%add3A_48, %dma_start3A_65] : memref<20480x64xf32, #tpu.memory_space<hbm>> -> memref<128x64xf32, #tpu.memory_space<hbm>>
      tpu.enqueue_dma source(%arg18 : memref<128x64xf32, #tpu.memory_space<vmem>>) target(%dma_start3A_66 : memref<128x64xf32, #tpu.memory_space<hbm>>) target_semaphore(%run_scoped3A : memref<!tpu.dma_semaphore, #tpu.memory_space<semaphore_mem>>)
      %dma_wait3A = arith.constant 0 : i32
      %dma_wait3A_67 = tpu.memref_slice %arg8[%add3A_48, %dma_wait3A] : memref<20480x64xf32, #tpu.memory_space<hbm>> -> memref<128x64xf32, #tpu.memory_space<hbm>>
      %dma_wait3A_68 = arith.constant 0 : i32
      %dma_wait3A_69 = tpu.memref_slice %arg8[%add3A_48, %dma_wait3A_68] : memref<20480x64xf32, #tpu.memory_space<hbm>> -> memref<128x64xf32, #tpu.memory_space<hbm>>
      tpu.wait_dma2 semaphore(%run_scoped3A : memref<!tpu.dma_semaphore, #tpu.memory_space<semaphore_mem>>) src(%arg18 : memref<128x64xf32, #tpu.memory_space<vmem>>) dst(%dma_wait3A_69 : memref<128x64xf32, #tpu.memory_space<hbm>>)
      tpu.yield
    }) : () -> ()
    "tpu.region"() ({
      %run_scoped3A = tpu.sem_alloc : memref<!tpu.dma_semaphore, #tpu.memory_space<semaphore_mem>>
      %dma_start3A = tpu.memref_slice %arg4[%add3A_45] : memref<10240xf32, #tpu.memory_space<hbm>> -> memref<128xf32, #tpu.memory_space<hbm>>
      %dma_start3A_64 = tpu.memref_slice %arg4[%add3A_45] : memref<10240xf32, #tpu.memory_space<hbm>> -> memref<128xf32, #tpu.memory_space<hbm>>
      tpu.enqueue_dma source(%dma_start3A_64 : memref<128xf32, #tpu.memory_space<hbm>>) target(%arg24 : memref<128xf32, #tpu.memory_space<vmem>>) target_semaphore(%run_scoped3A : memref<!tpu.dma_semaphore, #tpu.memory_space<semaphore_mem>>)
      %dma_wait3A = tpu.memref_slice %arg4[%add3A_45] : memref<10240xf32, #tpu.memory_space<hbm>> -> memref<128xf32, #tpu.memory_space<hbm>>
      %dma_wait3A_65 = tpu.memref_slice %arg4[%add3A_45] : memref<10240xf32, #tpu.memory_space<hbm>> -> memref<128xf32, #tpu.memory_space<hbm>>
      tpu.wait_dma2 semaphore(%run_scoped3A : memref<!tpu.dma_semaphore, #tpu.memory_space<semaphore_mem>>) src(%dma_wait3A_65 : memref<128xf32, #tpu.memory_space<hbm>>) dst(%arg24 : memref<128xf32, #tpu.memory_space<vmem>>)
      tpu.yield
    }) : () -> ()
    "tpu.region"() ({
      %run_scoped3A = tpu.sem_alloc : memref<!tpu.dma_semaphore, #tpu.memory_space<semaphore_mem>>
      %dma_start3A = tpu.memref_slice %arg10[%add3A_48] : memref<20480xf32, #tpu.memory_space<hbm>> -> memref<128xf32, #tpu.memory_space<hbm>>
      %dma_start3A_64 = tpu.memref_slice %arg10[%add3A_48] : memref<20480xf32, #tpu.memory_space<hbm>> -> memref<128xf32, #tpu.memory_space<hbm>>
      tpu.enqueue_dma source(%arg24 : memref<128xf32, #tpu.memory_space<vmem>>) target(%dma_start3A_64 : memref<128xf32, #tpu.memory_space<hbm>>) target_semaphore(%run_scoped3A : memref<!tpu.dma_semaphore, #tpu.memory_space<semaphore_mem>>)
      %dma_wait3A = tpu.memref_slice %arg10[%add3A_48] : memref<20480xf32, #tpu.memory_space<hbm>> -> memref<128xf32, #tpu.memory_space<hbm>>
      %dma_wait3A_65 = tpu.memref_slice %arg10[%add3A_48] : memref<20480xf32, #tpu.memory_space<hbm>> -> memref<128xf32, #tpu.memory_space<hbm>>
      tpu.wait_dma2 semaphore(%run_scoped3A : memref<!tpu.dma_semaphore, #tpu.memory_space<semaphore_mem>>) src(%arg24 : memref<128xf32, #tpu.memory_space<vmem>>) dst(%dma_wait3A_65 : memref<128xf32, #tpu.memory_space<hbm>>)
      tpu.yield
    }) : () -> ()
    "tpu.region"() ({
      %run_scoped3A = tpu.sem_alloc : memref<!tpu.dma_semaphore, #tpu.memory_space<semaphore_mem>>
      %dma_start3A = arith.constant 0 : i32
      %dma_start3A_64 = tpu.memref_slice %arg11[%add3A_45, %dma_start3A] : memref<10240x64xf32, #tpu.memory_space<vmem_shared>> -> memref<128x64xf32, #tpu.memory_space<vmem_shared>>
      %dma_start3A_65 = arith.constant 0 : i32
      %dma_start3A_66 = tpu.memref_slice %arg11[%add3A_45, %dma_start3A_65] : memref<10240x64xf32, #tpu.memory_space<vmem_shared>> -> memref<128x64xf32, #tpu.memory_space<vmem_shared>>
      tpu.enqueue_dma source(%arg19 : memref<128x64xf32, #tpu.memory_space<vmem>>) target(%dma_start3A_66 : memref<128x64xf32, #tpu.memory_space<vmem_shared>>) target_semaphore(%run_scoped3A : memref<!tpu.dma_semaphore, #tpu.memory_space<semaphore_mem>>)
      %dma_wait3A = arith.constant 0 : i32
      %dma_wait3A_67 = tpu.memref_slice %arg11[%add3A_45, %dma_wait3A] : memref<10240x64xf32, #tpu.memory_space<vmem_shared>> -> memref<128x64xf32, #tpu.memory_space<vmem_shared>>
      %dma_wait3A_68 = arith.constant 0 : i32
      %dma_wait3A_69 = tpu.memref_slice %arg11[%add3A_45, %dma_wait3A_68] : memref<10240x64xf32, #tpu.memory_space<vmem_shared>> -> memref<128x64xf32, #tpu.memory_space<vmem_shared>>
      tpu.wait_dma2 semaphore(%run_scoped3A : memref<!tpu.dma_semaphore, #tpu.memory_space<semaphore_mem>>) src(%arg19 : memref<128x64xf32, #tpu.memory_space<vmem>>) dst(%dma_wait3A_69 : memref<128x64xf32, #tpu.memory_space<vmem_shared>>)
      tpu.yield
    }) : () -> ()
    "tpu.region"() ({
      %run_scoped3A = tpu.sem_alloc : memref<!tpu.dma_semaphore, #tpu.memory_space<semaphore_mem>>
      %dma_start3A = tpu.memref_slice %arg12[%add3A_45] : memref<10240xf32, #tpu.memory_space<vmem_shared>> -> memref<128xf32, #tpu.memory_space<vmem_shared>>
      %dma_start3A_64 = tpu.memref_slice %arg12[%add3A_45] : memref<10240xf32, #tpu.memory_space<vmem_shared>> -> memref<128xf32, #tpu.memory_space<vmem_shared>>
      tpu.enqueue_dma source(%arg26 : memref<128xf32, #tpu.memory_space<vmem>>) target(%dma_start3A_64 : memref<128xf32, #tpu.memory_space<vmem_shared>>) target_semaphore(%run_scoped3A : memref<!tpu.dma_semaphore, #tpu.memory_space<semaphore_mem>>)
      %dma_wait3A = tpu.memref_slice %arg12[%add3A_45] : memref<10240xf32, #tpu.memory_space<vmem_shared>> -> memref<128xf32, #tpu.memory_space<vmem_shared>>
      %dma_wait3A_65 = tpu.memref_slice %arg12[%add3A_45] : memref<10240xf32, #tpu.memory_space<vmem_shared>> -> memref<128xf32, #tpu.memory_space<vmem_shared>>
      tpu.wait_dma2 semaphore(%run_scoped3A : memref<!tpu.dma_semaphore, #tpu.memory_space<semaphore_mem>>) src(%arg26 : memref<128xf32, #tpu.memory_space<vmem>>) dst(%dma_wait3A_65 : memref<128xf32, #tpu.memory_space<vmem_shared>>)
      tpu.yield
    }) : () -> ()
    %add3A_49 = arith.constant 384 : i32
    %add3A_50 = arith.addi %mul3A_0, %add3A_49 : i32
    %mul3A_51 = arith.constant 10240 : i32
    %mul3A_52 = arith.muli %arg0, %mul3A_51 : i32
    %add3A_53 = arith.addi %mul3A_52, %add3A_50 : i32
    "tpu.region"() ({
      %run_scoped3A = tpu.sem_alloc : memref<!tpu.dma_semaphore, #tpu.memory_space<semaphore_mem>>
      %dma_start3A = arith.constant 0 : i32
      %dma_start3A_64 = tpu.memref_slice %arg3[%add3A_53, %dma_start3A] : memref<20480x64xf32, #tpu.memory_space<hbm>> -> memref<128x64xf32, #tpu.memory_space<hbm>>
      %dma_start3A_65 = arith.constant 0 : i32
      %dma_start3A_66 = tpu.memref_slice %arg3[%add3A_53, %dma_start3A_65] : memref<20480x64xf32, #tpu.memory_space<hbm>> -> memref<128x64xf32, #tpu.memory_space<hbm>>
      tpu.enqueue_dma source(%dma_start3A_66 : memref<128x64xf32, #tpu.memory_space<hbm>>) target(%arg16 : memref<128x64xf32, #tpu.memory_space<vmem>>) target_semaphore(%run_scoped3A : memref<!tpu.dma_semaphore, #tpu.memory_space<semaphore_mem>>)
      %dma_wait3A = arith.constant 0 : i32
      %dma_wait3A_67 = tpu.memref_slice %arg3[%add3A_53, %dma_wait3A] : memref<20480x64xf32, #tpu.memory_space<hbm>> -> memref<128x64xf32, #tpu.memory_space<hbm>>
      %dma_wait3A_68 = arith.constant 0 : i32
      %dma_wait3A_69 = tpu.memref_slice %arg3[%add3A_53, %dma_wait3A_68] : memref<20480x64xf32, #tpu.memory_space<hbm>> -> memref<128x64xf32, #tpu.memory_space<hbm>>
      tpu.wait_dma2 semaphore(%run_scoped3A : memref<!tpu.dma_semaphore, #tpu.memory_space<semaphore_mem>>) src(%dma_wait3A_69 : memref<128x64xf32, #tpu.memory_space<hbm>>) dst(%arg16 : memref<128x64xf32, #tpu.memory_space<vmem>>)
      tpu.yield
    }) : () -> ()
    "tpu.region"() ({
      %run_scoped3A = tpu.sem_alloc : memref<!tpu.dma_semaphore, #tpu.memory_space<semaphore_mem>>
      %dma_start3A = arith.constant 0 : i32
      %dma_start3A_64 = tpu.memref_slice %arg9[%add3A_53, %dma_start3A] : memref<20480x64xf32, #tpu.memory_space<hbm>> -> memref<128x64xf32, #tpu.memory_space<hbm>>
      %dma_start3A_65 = arith.constant 0 : i32
      %dma_start3A_66 = tpu.memref_slice %arg9[%add3A_53, %dma_start3A_65] : memref<20480x64xf32, #tpu.memory_space<hbm>> -> memref<128x64xf32, #tpu.memory_space<hbm>>
      tpu.enqueue_dma source(%arg16 : memref<128x64xf32, #tpu.memory_space<vmem>>) target(%dma_start3A_66 : memref<128x64xf32, #tpu.memory_space<hbm>>) target_semaphore(%run_scoped3A : memref<!tpu.dma_semaphore, #tpu.memory_space<semaphore_mem>>)
      %dma_wait3A = arith.constant 0 : i32
      %dma_wait3A_67 = tpu.memref_slice %arg9[%add3A_53, %dma_wait3A] : memref<20480x64xf32, #tpu.memory_space<hbm>> -> memref<128x64xf32, #tpu.memory_space<hbm>>
      %dma_wait3A_68 = arith.constant 0 : i32
      %dma_wait3A_69 = tpu.memref_slice %arg9[%add3A_53, %dma_wait3A_68] : memref<20480x64xf32, #tpu.memory_space<hbm>> -> memref<128x64xf32, #tpu.memory_space<hbm>>
      tpu.wait_dma2 semaphore(%run_scoped3A : memref<!tpu.dma_semaphore, #tpu.memory_space<semaphore_mem>>) src(%arg16 : memref<128x64xf32, #tpu.memory_space<vmem>>) dst(%dma_wait3A_69 : memref<128x64xf32, #tpu.memory_space<hbm>>)
      tpu.yield
    }) : () -> ()
    "tpu.region"() ({
      %run_scoped3A = tpu.sem_alloc : memref<!tpu.dma_semaphore, #tpu.memory_space<semaphore_mem>>
      %dma_start3A = arith.constant 0 : i32
      %dma_start3A_64 = tpu.memref_slice %arg2[%add3A_53, %dma_start3A] : memref<20480x64xf32, #tpu.memory_space<hbm>> -> memref<128x64xf32, #tpu.memory_space<hbm>>
      %dma_start3A_65 = arith.constant 0 : i32
      %dma_start3A_66 = tpu.memref_slice %arg2[%add3A_53, %dma_start3A_65] : memref<20480x64xf32, #tpu.memory_space<hbm>> -> memref<128x64xf32, #tpu.memory_space<hbm>>
      tpu.enqueue_dma source(%dma_start3A_66 : memref<128x64xf32, #tpu.memory_space<hbm>>) target(%arg18 : memref<128x64xf32, #tpu.memory_space<vmem>>) target_semaphore(%run_scoped3A : memref<!tpu.dma_semaphore, #tpu.memory_space<semaphore_mem>>)
      %dma_wait3A = arith.constant 0 : i32
      %dma_wait3A_67 = tpu.memref_slice %arg2[%add3A_53, %dma_wait3A] : memref<20480x64xf32, #tpu.memory_space<hbm>> -> memref<128x64xf32, #tpu.memory_space<hbm>>
      %dma_wait3A_68 = arith.constant 0 : i32
      %dma_wait3A_69 = tpu.memref_slice %arg2[%add3A_53, %dma_wait3A_68] : memref<20480x64xf32, #tpu.memory_space<hbm>> -> memref<128x64xf32, #tpu.memory_space<hbm>>
      tpu.wait_dma2 semaphore(%run_scoped3A : memref<!tpu.dma_semaphore, #tpu.memory_space<semaphore_mem>>) src(%dma_wait3A_69 : memref<128x64xf32, #tpu.memory_space<hbm>>) dst(%arg18 : memref<128x64xf32, #tpu.memory_space<vmem>>)
      tpu.yield
    }) : () -> ()
    "tpu.region"() ({
      %run_scoped3A = tpu.sem_alloc : memref<!tpu.dma_semaphore, #tpu.memory_space<semaphore_mem>>
      %dma_start3A = arith.constant 0 : i32
      %dma_start3A_64 = tpu.memref_slice %arg8[%add3A_53, %dma_start3A] : memref<20480x64xf32, #tpu.memory_space<hbm>> -> memref<128x64xf32, #tpu.memory_space<hbm>>
      %dma_start3A_65 = arith.constant 0 : i32
      %dma_start3A_66 = tpu.memref_slice %arg8[%add3A_53, %dma_start3A_65] : memref<20480x64xf32, #tpu.memory_space<hbm>> -> memref<128x64xf32, #tpu.memory_space<hbm>>
      tpu.enqueue_dma source(%arg18 : memref<128x64xf32, #tpu.memory_space<vmem>>) target(%dma_start3A_66 : memref<128x64xf32, #tpu.memory_space<hbm>>) target_semaphore(%run_scoped3A : memref<!tpu.dma_semaphore, #tpu.memory_space<semaphore_mem>>)
      %dma_wait3A = arith.constant 0 : i32
      %dma_wait3A_67 = tpu.memref_slice %arg8[%add3A_53, %dma_wait3A] : memref<20480x64xf32, #tpu.memory_space<hbm>> -> memref<128x64xf32, #tpu.memory_space<hbm>>
      %dma_wait3A_68 = arith.constant 0 : i32
      %dma_wait3A_69 = tpu.memref_slice %arg8[%add3A_53, %dma_wait3A_68] : memref<20480x64xf32, #tpu.memory_space<hbm>> -> memref<128x64xf32, #tpu.memory_space<hbm>>
      tpu.wait_dma2 semaphore(%run_scoped3A : memref<!tpu.dma_semaphore, #tpu.memory_space<semaphore_mem>>) src(%arg18 : memref<128x64xf32, #tpu.memory_space<vmem>>) dst(%dma_wait3A_69 : memref<128x64xf32, #tpu.memory_space<hbm>>)
      tpu.yield
    }) : () -> ()
    "tpu.region"() ({
      %run_scoped3A = tpu.sem_alloc : memref<!tpu.dma_semaphore, #tpu.memory_space<semaphore_mem>>
      %dma_start3A = tpu.memref_slice %arg4[%add3A_50] : memref<10240xf32, #tpu.memory_space<hbm>> -> memref<128xf32, #tpu.memory_space<hbm>>
      %dma_start3A_64 = tpu.memref_slice %arg4[%add3A_50] : memref<10240xf32, #tpu.memory_space<hbm>> -> memref<128xf32, #tpu.memory_space<hbm>>
      tpu.enqueue_dma source(%dma_start3A_64 : memref<128xf32, #tpu.memory_space<hbm>>) target(%arg24 : memref<128xf32, #tpu.memory_space<vmem>>) target_semaphore(%run_scoped3A : memref<!tpu.dma_semaphore, #tpu.memory_space<semaphore_mem>>)
      %dma_wait3A = tpu.memref_slice %arg4[%add3A_50] : memref<10240xf32, #tpu.memory_space<hbm>> -> memref<128xf32, #tpu.memory_space<hbm>>
      %dma_wait3A_65 = tpu.memref_slice %arg4[%add3A_50] : memref<10240xf32, #tpu.memory_space<hbm>> -> memref<128xf32, #tpu.memory_space<hbm>>
      tpu.wait_dma2 semaphore(%run_scoped3A : memref<!tpu.dma_semaphore, #tpu.memory_space<semaphore_mem>>) src(%dma_wait3A_65 : memref<128xf32, #tpu.memory_space<hbm>>) dst(%arg24 : memref<128xf32, #tpu.memory_space<vmem>>)
      tpu.yield
    }) : () -> ()
    "tpu.region"() ({
      %run_scoped3A = tpu.sem_alloc : memref<!tpu.dma_semaphore, #tpu.memory_space<semaphore_mem>>
      %dma_start3A = tpu.memref_slice %arg10[%add3A_53] : memref<20480xf32, #tpu.memory_space<hbm>> -> memref<128xf32, #tpu.memory_space<hbm>>
      %dma_start3A_64 = tpu.memref_slice %arg10[%add3A_53] : memref<20480xf32, #tpu.memory_space<hbm>> -> memref<128xf32, #tpu.memory_space<hbm>>
      tpu.enqueue_dma source(%arg24 : memref<128xf32, #tpu.memory_space<vmem>>) target(%dma_start3A_64 : memref<128xf32, #tpu.memory_space<hbm>>) target_semaphore(%run_scoped3A : memref<!tpu.dma_semaphore, #tpu.memory_space<semaphore_mem>>)
      %dma_wait3A = tpu.memref_slice %arg10[%add3A_53] : memref<20480xf32, #tpu.memory_space<hbm>> -> memref<128xf32, #tpu.memory_space<hbm>>
      %dma_wait3A_65 = tpu.memref_slice %arg10[%add3A_53] : memref<20480xf32, #tpu.memory_space<hbm>> -> memref<128xf32, #tpu.memory_space<hbm>>
      tpu.wait_dma2 semaphore(%run_scoped3A : memref<!tpu.dma_semaphore, #tpu.memory_space<semaphore_mem>>) src(%arg24 : memref<128xf32, #tpu.memory_space<vmem>>) dst(%dma_wait3A_65 : memref<128xf32, #tpu.memory_space<hbm>>)
      tpu.yield
    }) : () -> ()
    "tpu.region"() ({
      %run_scoped3A = tpu.sem_alloc : memref<!tpu.dma_semaphore, #tpu.memory_space<semaphore_mem>>
      %dma_start3A = arith.constant 0 : i32
      %dma_start3A_64 = tpu.memref_slice %arg11[%add3A_50, %dma_start3A] : memref<10240x64xf32, #tpu.memory_space<vmem_shared>> -> memref<128x64xf32, #tpu.memory_space<vmem_shared>>
      %dma_start3A_65 = arith.constant 0 : i32
      %dma_start3A_66 = tpu.memref_slice %arg11[%add3A_50, %dma_start3A_65] : memref<10240x64xf32, #tpu.memory_space<vmem_shared>> -> memref<128x64xf32, #tpu.memory_space<vmem_shared>>
      tpu.enqueue_dma source(%arg19 : memref<128x64xf32, #tpu.memory_space<vmem>>) target(%dma_start3A_66 : memref<128x64xf32, #tpu.memory_space<vmem_shared>>) target_semaphore(%run_scoped3A : memref<!tpu.dma_semaphore, #tpu.memory_space<semaphore_mem>>)
      %dma_wait3A = arith.constant 0 : i32
      %dma_wait3A_67 = tpu.memref_slice %arg11[%add3A_50, %dma_wait3A] : memref<10240x64xf32, #tpu.memory_space<vmem_shared>> -> memref<128x64xf32, #tpu.memory_space<vmem_shared>>
      %dma_wait3A_68 = arith.constant 0 : i32
      %dma_wait3A_69 = tpu.memref_slice %arg11[%add3A_50, %dma_wait3A_68] : memref<10240x64xf32, #tpu.memory_space<vmem_shared>> -> memref<128x64xf32, #tpu.memory_space<vmem_shared>>
      tpu.wait_dma2 semaphore(%run_scoped3A : memref<!tpu.dma_semaphore, #tpu.memory_space<semaphore_mem>>) src(%arg19 : memref<128x64xf32, #tpu.memory_space<vmem>>) dst(%dma_wait3A_69 : memref<128x64xf32, #tpu.memory_space<vmem_shared>>)
      tpu.yield
    }) : () -> ()
    "tpu.region"() ({
      %run_scoped3A = tpu.sem_alloc : memref<!tpu.dma_semaphore, #tpu.memory_space<semaphore_mem>>
      %dma_start3A = tpu.memref_slice %arg12[%add3A_50] : memref<10240xf32, #tpu.memory_space<vmem_shared>> -> memref<128xf32, #tpu.memory_space<vmem_shared>>
      %dma_start3A_64 = tpu.memref_slice %arg12[%add3A_50] : memref<10240xf32, #tpu.memory_space<vmem_shared>> -> memref<128xf32, #tpu.memory_space<vmem_shared>>
      tpu.enqueue_dma source(%arg26 : memref<128xf32, #tpu.memory_space<vmem>>) target(%dma_start3A_64 : memref<128xf32, #tpu.memory_space<vmem_shared>>) target_semaphore(%run_scoped3A : memref<!tpu.dma_semaphore, #tpu.memory_space<semaphore_mem>>)
      %dma_wait3A = tpu.memref_slice %arg12[%add3A_50] : memref<10240xf32, #tpu.memory_space<vmem_shared>> -> memref<128xf32, #tpu.memory_space<vmem_shared>>
      %dma_wait3A_65 = tpu.memref_slice %arg12[%add3A_50] : memref<10240xf32, #tpu.memory_space<vmem_shared>> -> memref<128xf32, #tpu.memory_space<vmem_shared>>
      tpu.wait_dma2 semaphore(%run_scoped3A : memref<!tpu.dma_semaphore, #tpu.memory_space<semaphore_mem>>) src(%arg26 : memref<128xf32, #tpu.memory_space<vmem>>) dst(%dma_wait3A_65 : memref<128xf32, #tpu.memory_space<vmem_shared>>)
      tpu.yield
    }) : () -> ()
    %add3A_54 = arith.constant 512 : i32
    %add3A_55 = arith.addi %mul3A_0, %add3A_54 : i32
    %mul3A_56 = arith.constant 10240 : i32
    %mul3A_57 = arith.muli %arg0, %mul3A_56 : i32
    %add3A_58 = arith.addi %mul3A_57, %add3A_55 : i32
    "tpu.region"() ({
      %run_scoped3A = tpu.sem_alloc : memref<!tpu.dma_semaphore, #tpu.memory_space<semaphore_mem>>
      %dma_start3A = arith.constant 0 : i32
      %dma_start3A_64 = tpu.memref_slice %arg3[%add3A_58, %dma_start3A] : memref<20480x64xf32, #tpu.memory_space<hbm>> -> memref<128x64xf32, #tpu.memory_space<hbm>>
      %dma_start3A_65 = arith.constant 0 : i32
      %dma_start3A_66 = tpu.memref_slice %arg3[%add3A_58, %dma_start3A_65] : memref<20480x64xf32, #tpu.memory_space<hbm>> -> memref<128x64xf32, #tpu.memory_space<hbm>>
      tpu.enqueue_dma source(%dma_start3A_66 : memref<128x64xf32, #tpu.memory_space<hbm>>) target(%arg16 : memref<128x64xf32, #tpu.memory_space<vmem>>) target_semaphore(%run_scoped3A : memref<!tpu.dma_semaphore, #tpu.memory_space<semaphore_mem>>)
      %dma_wait3A = arith.constant 0 : i32
      %dma_wait3A_67 = tpu.memref_slice %arg3[%add3A_58, %dma_wait3A] : memref<20480x64xf32, #tpu.memory_space<hbm>> -> memref<128x64xf32, #tpu.memory_space<hbm>>
      %dma_wait3A_68 = arith.constant 0 : i32
      %dma_wait3A_69 = tpu.memref_slice %arg3[%add3A_58, %dma_wait3A_68] : memref<20480x64xf32, #tpu.memory_space<hbm>> -> memref<128x64xf32, #tpu.memory_space<hbm>>
      tpu.wait_dma2 semaphore(%run_scoped3A : memref<!tpu.dma_semaphore, #tpu.memory_space<semaphore_mem>>) src(%dma_wait3A_69 : memref<128x64xf32, #tpu.memory_space<hbm>>) dst(%arg16 : memref<128x64xf32, #tpu.memory_space<vmem>>)
      tpu.yield
    }) : () -> ()
    "tpu.region"() ({
      %run_scoped3A = tpu.sem_alloc : memref<!tpu.dma_semaphore, #tpu.memory_space<semaphore_mem>>
      %dma_start3A = arith.constant 0 : i32
      %dma_start3A_64 = tpu.memref_slice %arg9[%add3A_58, %dma_start3A] : memref<20480x64xf32, #tpu.memory_space<hbm>> -> memref<128x64xf32, #tpu.memory_space<hbm>>
      %dma_start3A_65 = arith.constant 0 : i32
      %dma_start3A_66 = tpu.memref_slice %arg9[%add3A_58, %dma_start3A_65] : memref<20480x64xf32, #tpu.memory_space<hbm>> -> memref<128x64xf32, #tpu.memory_space<hbm>>
      tpu.enqueue_dma source(%arg16 : memref<128x64xf32, #tpu.memory_space<vmem>>) target(%dma_start3A_66 : memref<128x64xf32, #tpu.memory_space<hbm>>) target_semaphore(%run_scoped3A : memref<!tpu.dma_semaphore, #tpu.memory_space<semaphore_mem>>)
      %dma_wait3A = arith.constant 0 : i32
      %dma_wait3A_67 = tpu.memref_slice %arg9[%add3A_58, %dma_wait3A] : memref<20480x64xf32, #tpu.memory_space<hbm>> -> memref<128x64xf32, #tpu.memory_space<hbm>>
      %dma_wait3A_68 = arith.constant 0 : i32
      %dma_wait3A_69 = tpu.memref_slice %arg9[%add3A_58, %dma_wait3A_68] : memref<20480x64xf32, #tpu.memory_space<hbm>> -> memref<128x64xf32, #tpu.memory_space<hbm>>
      tpu.wait_dma2 semaphore(%run_scoped3A : memref<!tpu.dma_semaphore, #tpu.memory_space<semaphore_mem>>) src(%arg16 : memref<128x64xf32, #tpu.memory_space<vmem>>) dst(%dma_wait3A_69 : memref<128x64xf32, #tpu.memory_space<hbm>>)
      tpu.yield
    }) : () -> ()
    "tpu.region"() ({
      %run_scoped3A = tpu.sem_alloc : memref<!tpu.dma_semaphore, #tpu.memory_space<semaphore_mem>>
      %dma_start3A = arith.constant 0 : i32
      %dma_start3A_64 = tpu.memref_slice %arg2[%add3A_58, %dma_start3A] : memref<20480x64xf32, #tpu.memory_space<hbm>> -> memref<128x64xf32, #tpu.memory_space<hbm>>
      %dma_start3A_65 = arith.constant 0 : i32
      %dma_start3A_66 = tpu.memref_slice %arg2[%add3A_58, %dma_start3A_65] : memref<20480x64xf32, #tpu.memory_space<hbm>> -> memref<128x64xf32, #tpu.memory_space<hbm>>
      tpu.enqueue_dma source(%dma_start3A_66 : memref<128x64xf32, #tpu.memory_space<hbm>>) target(%arg18 : memref<128x64xf32, #tpu.memory_space<vmem>>) target_semaphore(%run_scoped3A : memref<!tpu.dma_semaphore, #tpu.memory_space<semaphore_mem>>)
      %dma_wait3A = arith.constant 0 : i32
      %dma_wait3A_67 = tpu.memref_slice %arg2[%add3A_58, %dma_wait3A] : memref<20480x64xf32, #tpu.memory_space<hbm>> -> memref<128x64xf32, #tpu.memory_space<hbm>>
      %dma_wait3A_68 = arith.constant 0 : i32
      %dma_wait3A_69 = tpu.memref_slice %arg2[%add3A_58, %dma_wait3A_68] : memref<20480x64xf32, #tpu.memory_space<hbm>> -> memref<128x64xf32, #tpu.memory_space<hbm>>
      tpu.wait_dma2 semaphore(%run_scoped3A : memref<!tpu.dma_semaphore, #tpu.memory_space<semaphore_mem>>) src(%dma_wait3A_69 : memref<128x64xf32, #tpu.memory_space<hbm>>) dst(%arg18 : memref<128x64xf32, #tpu.memory_space<vmem>>)
      tpu.yield
    }) : () -> ()
    "tpu.region"() ({
      %run_scoped3A = tpu.sem_alloc : memref<!tpu.dma_semaphore, #tpu.memory_space<semaphore_mem>>
      %dma_start3A = arith.constant 0 : i32
      %dma_start3A_64 = tpu.memref_slice %arg8[%add3A_58, %dma_start3A] : memref<20480x64xf32, #tpu.memory_space<hbm>> -> memref<128x64xf32, #tpu.memory_space<hbm>>
      %dma_start3A_65 = arith.constant 0 : i32
      %dma_start3A_66 = tpu.memref_slice %arg8[%add3A_58, %dma_start3A_65] : memref<20480x64xf32, #tpu.memory_space<hbm>> -> memref<128x64xf32, #tpu.memory_space<hbm>>
      tpu.enqueue_dma source(%arg18 : memref<128x64xf32, #tpu.memory_space<vmem>>) target(%dma_start3A_66 : memref<128x64xf32, #tpu.memory_space<hbm>>) target_semaphore(%run_scoped3A : memref<!tpu.dma_semaphore, #tpu.memory_space<semaphore_mem>>)
      %dma_wait3A = arith.constant 0 : i32
      %dma_wait3A_67 = tpu.memref_slice %arg8[%add3A_58, %dma_wait3A] : memref<20480x64xf32, #tpu.memory_space<hbm>> -> memref<128x64xf32, #tpu.memory_space<hbm>>
      %dma_wait3A_68 = arith.constant 0 : i32
      %dma_wait3A_69 = tpu.memref_slice %arg8[%add3A_58, %dma_wait3A_68] : memref<20480x64xf32, #tpu.memory_space<hbm>> -> memref<128x64xf32, #tpu.memory_space<hbm>>
      tpu.wait_dma2 semaphore(%run_scoped3A : memref<!tpu.dma_semaphore, #tpu.memory_space<semaphore_mem>>) src(%arg18 : memref<128x64xf32, #tpu.memory_space<vmem>>) dst(%dma_wait3A_69 : memref<128x64xf32, #tpu.memory_space<hbm>>)
      tpu.yield
    }) : () -> ()
    "tpu.region"() ({
      %run_scoped3A = tpu.sem_alloc : memref<!tpu.dma_semaphore, #tpu.memory_space<semaphore_mem>>
      %dma_start3A = tpu.memref_slice %arg4[%add3A_55] : memref<10240xf32, #tpu.memory_space<hbm>> -> memref<128xf32, #tpu.memory_space<hbm>>
      %dma_start3A_64 = tpu.memref_slice %arg4[%add3A_55] : memref<10240xf32, #tpu.memory_space<hbm>> -> memref<128xf32, #tpu.memory_space<hbm>>
      tpu.enqueue_dma source(%dma_start3A_64 : memref<128xf32, #tpu.memory_space<hbm>>) target(%arg24 : memref<128xf32, #tpu.memory_space<vmem>>) target_semaphore(%run_scoped3A : memref<!tpu.dma_semaphore, #tpu.memory_space<semaphore_mem>>)
      %dma_wait3A = tpu.memref_slice %arg4[%add3A_55] : memref<10240xf32, #tpu.memory_space<hbm>> -> memref<128xf32, #tpu.memory_space<hbm>>
      %dma_wait3A_65 = tpu.memref_slice %arg4[%add3A_55] : memref<10240xf32, #tpu.memory_space<hbm>> -> memref<128xf32, #tpu.memory_space<hbm>>
      tpu.wait_dma2 semaphore(%run_scoped3A : memref<!tpu.dma_semaphore, #tpu.memory_space<semaphore_mem>>) src(%dma_wait3A_65 : memref<128xf32, #tpu.memory_space<hbm>>) dst(%arg24 : memref<128xf32, #tpu.memory_space<vmem>>)
      tpu.yield
    }) : () -> ()
    "tpu.region"() ({
      %run_scoped3A = tpu.sem_alloc : memref<!tpu.dma_semaphore, #tpu.memory_space<semaphore_mem>>
      %dma_start3A = tpu.memref_slice %arg10[%add3A_58] : memref<20480xf32, #tpu.memory_space<hbm>> -> memref<128xf32, #tpu.memory_space<hbm>>
      %dma_start3A_64 = tpu.memref_slice %arg10[%add3A_58] : memref<20480xf32, #tpu.memory_space<hbm>> -> memref<128xf32, #tpu.memory_space<hbm>>
      tpu.enqueue_dma source(%arg24 : memref<128xf32, #tpu.memory_space<vmem>>) target(%dma_start3A_64 : memref<128xf32, #tpu.memory_space<hbm>>) target_semaphore(%run_scoped3A : memref<!tpu.dma_semaphore, #tpu.memory_space<semaphore_mem>>)
      %dma_wait3A = tpu.memref_slice %arg10[%add3A_58] : memref<20480xf32, #tpu.memory_space<hbm>> -> memref<128xf32, #tpu.memory_space<hbm>>
      %dma_wait3A_65 = tpu.memref_slice %arg10[%add3A_58] : memref<20480xf32, #tpu.memory_space<hbm>> -> memref<128xf32, #tpu.memory_space<hbm>>
      tpu.wait_dma2 semaphore(%run_scoped3A : memref<!tpu.dma_semaphore, #tpu.memory_space<semaphore_mem>>) src(%arg24 : memref<128xf32, #tpu.memory_space<vmem>>) dst(%dma_wait3A_65 : memref<128xf32, #tpu.memory_space<hbm>>)
      tpu.yield
    }) : () -> ()
    "tpu.region"() ({
      %run_scoped3A = tpu.sem_alloc : memref<!tpu.dma_semaphore, #tpu.memory_space<semaphore_mem>>
      %dma_start3A = arith.constant 0 : i32
      %dma_start3A_64 = tpu.memref_slice %arg11[%add3A_55, %dma_start3A] : memref<10240x64xf32, #tpu.memory_space<vmem_shared>> -> memref<128x64xf32, #tpu.memory_space<vmem_shared>>
      %dma_start3A_65 = arith.constant 0 : i32
      %dma_start3A_66 = tpu.memref_slice %arg11[%add3A_55, %dma_start3A_65] : memref<10240x64xf32, #tpu.memory_space<vmem_shared>> -> memref<128x64xf32, #tpu.memory_space<vmem_shared>>
      tpu.enqueue_dma source(%arg19 : memref<128x64xf32, #tpu.memory_space<vmem>>) target(%dma_start3A_66 : memref<128x64xf32, #tpu.memory_space<vmem_shared>>) target_semaphore(%run_scoped3A : memref<!tpu.dma_semaphore, #tpu.memory_space<semaphore_mem>>)
      %dma_wait3A = arith.constant 0 : i32
      %dma_wait3A_67 = tpu.memref_slice %arg11[%add3A_55, %dma_wait3A] : memref<10240x64xf32, #tpu.memory_space<vmem_shared>> -> memref<128x64xf32, #tpu.memory_space<vmem_shared>>
      %dma_wait3A_68 = arith.constant 0 : i32
      %dma_wait3A_69 = tpu.memref_slice %arg11[%add3A_55, %dma_wait3A_68] : memref<10240x64xf32, #tpu.memory_space<vmem_shared>> -> memref<128x64xf32, #tpu.memory_space<vmem_shared>>
      tpu.wait_dma2 semaphore(%run_scoped3A : memref<!tpu.dma_semaphore, #tpu.memory_space<semaphore_mem>>) src(%arg19 : memref<128x64xf32, #tpu.memory_space<vmem>>) dst(%dma_wait3A_69 : memref<128x64xf32, #tpu.memory_space<vmem_shared>>)
      tpu.yield
    }) : () -> ()
    "tpu.region"() ({
      %run_scoped3A = tpu.sem_alloc : memref<!tpu.dma_semaphore, #tpu.memory_space<semaphore_mem>>
      %dma_start3A = tpu.memref_slice %arg12[%add3A_55] : memref<10240xf32, #tpu.memory_space<vmem_shared>> -> memref<128xf32, #tpu.memory_space<vmem_shared>>
      %dma_start3A_64 = tpu.memref_slice %arg12[%add3A_55] : memref<10240xf32, #tpu.memory_space<vmem_shared>> -> memref<128xf32, #tpu.memory_space<vmem_shared>>
      tpu.enqueue_dma source(%arg26 : memref<128xf32, #tpu.memory_space<vmem>>) target(%dma_start3A_64 : memref<128xf32, #tpu.memory_space<vmem_shared>>) target_semaphore(%run_scoped3A : memref<!tpu.dma_semaphore, #tpu.memory_space<semaphore_mem>>)
      %dma_wait3A = tpu.memref_slice %arg12[%add3A_55] : memref<10240xf32, #tpu.memory_space<vmem_shared>> -> memref<128xf32, #tpu.memory_space<vmem_shared>>
      %dma_wait3A_65 = tpu.memref_slice %arg12[%add3A_55] : memref<10240xf32, #tpu.memory_space<vmem_shared>> -> memref<128xf32, #tpu.memory_space<vmem_shared>>
      tpu.wait_dma2 semaphore(%run_scoped3A : memref<!tpu.dma_semaphore, #tpu.memory_space<semaphore_mem>>) src(%arg26 : memref<128xf32, #tpu.memory_space<vmem>>) dst(%dma_wait3A_65 : memref<128xf32, #tpu.memory_space<vmem_shared>>)
      tpu.yield
    }) : () -> ()
    %barrier3A = arith.constant 0 : index
    tpu.barrier barrier_id(%barrier3A)
    %scan3A_59 = arith.constant 0 : i32
    %scan3A_60 = arith.constant 10 : i32
    %scan3A_61 = arith.addi %scan3A_59, %scan3A_60 : i32
    %scan3A_62 = arith.constant 1 : i32
    scf.for %scan3A_64 = %scan3A_59 to %scan3A_61 step %scan3A_62  : i32 {
      %mul3A_65 = arith.constant 1 : i32
      %mul3A_66 = arith.muli %scan3A_64, %mul3A_65 : i32
      %add3A_67 = arith.constant 0 : i32
      %add3A_68 = arith.addi %add3A_67, %mul3A_66 : i32
      %dma_start3A = arith.constant 0 : i32
      %dma_start3A_69 = arith.constant 0 : i32
      %dma_start3A_70 = arith.constant 0 : i32
      %dma_start3A_71 = tpu.memref_slice %arg15[%dma_start3A_69, %dma_start3A_70] : memref<128x64xf32, #tpu.memory_space<vmem>> -> memref<128x64xf32, #tpu.memory_space<vmem>>
      %dma_start3A_72 = arith.constant 0 : i32
      %dma_start3A_73 = tpu.memref_slice %arg13[%dma_start3A, %dma_start3A_72] : memref<159x128xi32, #tpu.memory_space<vmem>> -> memref<1x128xi32, #tpu.memory_space<vmem>>
      %dma_start3A_74 = tpu.memref_squeeze %dma_start3A_73 : memref<1x128xi32, #tpu.memory_space<vmem>> -> memref<128xi32, #tpu.memory_space<vmem>>
      %dma_start3A_75 = arith.constant 0 : i32
      %dma_start3A_76 = arith.constant 0 : i32
      %dma_start3A_77 = tpu.memref_slice %arg9[%dma_start3A_75, %dma_start3A_76] : memref<20480x64xf32, #tpu.memory_space<hbm>> -> memref<20480x64xf32, #tpu.memory_space<hbm>>
      tpu.enqueue_indirect_dma source(%dma_start3A_77 : memref<20480x64xf32, #tpu.memory_space<hbm>>) target(%dma_start3A_71 : memref<128x64xf32, #tpu.memory_space<vmem>>) offsets(%dma_start3A_74 : memref<128xi32, #tpu.memory_space<vmem>>) semaphore(%arg28 : memref<!tpu.dma_semaphore, #tpu.memory_space<semaphore_mem>>)
      %dma_start3A_78 = arith.constant 0 : i32
      %dma_start3A_79 = arith.constant 0 : i32
      %dma_start3A_80 = tpu.memref_slice %arg13[%dma_start3A_78, %dma_start3A_79] : memref<159x128xi32, #tpu.memory_space<vmem>> -> memref<1x128xi32, #tpu.memory_space<vmem>>
      %dma_start3A_81 = tpu.memref_squeeze %dma_start3A_80 : memref<1x128xi32, #tpu.memory_space<vmem>> -> memref<128xi32, #tpu.memory_space<vmem>>
      %dma_start3A_82 = arith.constant 0 : i32
      %dma_start3A_83 = tpu.memref_slice %arg10[%dma_start3A_82] : memref<20480xf32, #tpu.memory_space<hbm>> -> memref<20480xf32, #tpu.memory_space<hbm>>
      tpu.enqueue_indirect_dma source(%dma_start3A_83 : memref<20480xf32, #tpu.memory_space<hbm>>) target(%arg20 : memref<128xf32, #tpu.memory_space<vmem>>) offsets(%dma_start3A_81 : memref<128xi32, #tpu.memory_space<vmem>>) semaphore(%arg28 : memref<!tpu.dma_semaphore, #tpu.memory_space<semaphore_mem>>)
      %dma_start3A_84 = arith.constant 1 : i32
      %dma_start3A_85 = arith.constant 0 : i32
      %dma_start3A_86 = arith.constant 0 : i32
      %dma_start3A_87 = tpu.memref_slice %arg16[%dma_start3A_85, %dma_start3A_86] : memref<128x64xf32, #tpu.memory_space<vmem>> -> memref<128x64xf32, #tpu.memory_space<vmem>>
      %dma_start3A_88 = arith.constant 0 : i32
      %dma_start3A_89 = tpu.memref_slice %arg13[%dma_start3A_84, %dma_start3A_88] : memref<159x128xi32, #tpu.memory_space<vmem>> -> memref<1x128xi32, #tpu.memory_space<vmem>>
      %dma_start3A_90 = tpu.memref_squeeze %dma_start3A_89 : memref<1x128xi32, #tpu.memory_space<vmem>> -> memref<128xi32, #tpu.memory_space<vmem>>
      %dma_start3A_91 = arith.constant 0 : i32
      %dma_start3A_92 = arith.constant 0 : i32
      %dma_start3A_93 = tpu.memref_slice %arg9[%dma_start3A_91, %dma_start3A_92] : memref<20480x64xf32, #tpu.memory_space<hbm>> -> memref<20480x64xf32, #tpu.memory_space<hbm>>
      tpu.enqueue_indirect_dma source(%dma_start3A_93 : memref<20480x64xf32, #tpu.memory_space<hbm>>) target(%dma_start3A_87 : memref<128x64xf32, #tpu.memory_space<vmem>>) offsets(%dma_start3A_90 : memref<128xi32, #tpu.memory_space<vmem>>) semaphore(%arg29 : memref<!tpu.dma_semaphore, #tpu.memory_space<semaphore_mem>>)
      %dma_start3A_94 = arith.constant 1 : i32
      %dma_start3A_95 = arith.constant 0 : i32
      %dma_start3A_96 = tpu.memref_slice %arg13[%dma_start3A_94, %dma_start3A_95] : memref<159x128xi32, #tpu.memory_space<vmem>> -> memref<1x128xi32, #tpu.memory_space<vmem>>
      %dma_start3A_97 = tpu.memref_squeeze %dma_start3A_96 : memref<1x128xi32, #tpu.memory_space<vmem>> -> memref<128xi32, #tpu.memory_space<vmem>>
      %dma_start3A_98 = arith.constant 0 : i32
      %dma_start3A_99 = tpu.memref_slice %arg10[%dma_start3A_98] : memref<20480xf32, #tpu.memory_space<hbm>> -> memref<20480xf32, #tpu.memory_space<hbm>>
      tpu.enqueue_indirect_dma source(%dma_start3A_99 : memref<20480xf32, #tpu.memory_space<hbm>>) target(%arg21 : memref<128xf32, #tpu.memory_space<vmem>>) offsets(%dma_start3A_97 : memref<128xi32, #tpu.memory_space<vmem>>) semaphore(%arg29 : memref<!tpu.dma_semaphore, #tpu.memory_space<semaphore_mem>>)
      %dma_start3A_100 = arith.constant 2 : i32
      %dma_start3A_101 = arith.constant 0 : i32
      %dma_start3A_102 = arith.constant 0 : i32
      %dma_start3A_103 = tpu.memref_slice %arg17[%dma_start3A_101, %dma_start3A_102] : memref<128x64xf32, #tpu.memory_space<vmem>> -> memref<128x64xf32, #tpu.memory_space<vmem>>
      %dma_start3A_104 = arith.constant 0 : i32
      %dma_start3A_105 = tpu.memref_slice %arg13[%dma_start3A_100, %dma_start3A_104] : memref<159x128xi32, #tpu.memory_space<vmem>> -> memref<1x128xi32, #tpu.memory_space<vmem>>
      %dma_start3A_106 = tpu.memref_squeeze %dma_start3A_105 : memref<1x128xi32, #tpu.memory_space<vmem>> -> memref<128xi32, #tpu.memory_space<vmem>>
      %dma_start3A_107 = arith.constant 0 : i32
      %dma_start3A_108 = arith.constant 0 : i32
      %dma_start3A_109 = tpu.memref_slice %arg9[%dma_start3A_107, %dma_start3A_108] : memref<20480x64xf32, #tpu.memory_space<hbm>> -> memref<20480x64xf32, #tpu.memory_space<hbm>>
      tpu.enqueue_indirect_dma source(%dma_start3A_109 : memref<20480x64xf32, #tpu.memory_space<hbm>>) target(%dma_start3A_103 : memref<128x64xf32, #tpu.memory_space<vmem>>) offsets(%dma_start3A_106 : memref<128xi32, #tpu.memory_space<vmem>>) semaphore(%arg30 : memref<!tpu.dma_semaphore, #tpu.memory_space<semaphore_mem>>)
      %dma_start3A_110 = arith.constant 2 : i32
      %dma_start3A_111 = arith.constant 0 : i32
      %dma_start3A_112 = tpu.memref_slice %arg13[%dma_start3A_110, %dma_start3A_111] : memref<159x128xi32, #tpu.memory_space<vmem>> -> memref<1x128xi32, #tpu.memory_space<vmem>>
      %dma_start3A_113 = tpu.memref_squeeze %dma_start3A_112 : memref<1x128xi32, #tpu.memory_space<vmem>> -> memref<128xi32, #tpu.memory_space<vmem>>
      %dma_start3A_114 = arith.constant 0 : i32
      %dma_start3A_115 = tpu.memref_slice %arg10[%dma_start3A_114] : memref<20480xf32, #tpu.memory_space<hbm>> -> memref<20480xf32, #tpu.memory_space<hbm>>
      tpu.enqueue_indirect_dma source(%dma_start3A_115 : memref<20480xf32, #tpu.memory_space<hbm>>) target(%arg22 : memref<128xf32, #tpu.memory_space<vmem>>) offsets(%dma_start3A_113 : memref<128xi32, #tpu.memory_space<vmem>>) semaphore(%arg30 : memref<!tpu.dma_semaphore, #tpu.memory_space<semaphore_mem>>)
      %dma_wait3A = arith.constant 0 : i32
      %dma_wait3A_116 = arith.constant 0 : i32
      %dma_wait3A_117 = arith.constant 0 : i32
      %dma_wait3A_118 = tpu.memref_slice %arg15[%dma_wait3A_116, %dma_wait3A_117] : memref<128x64xf32, #tpu.memory_space<vmem>> -> memref<128x64xf32, #tpu.memory_space<vmem>>
      %dma_wait3A_119 = arith.constant 0 : i32
      %dma_wait3A_120 = tpu.memref_slice %arg13[%dma_wait3A, %dma_wait3A_119] : memref<159x128xi32, #tpu.memory_space<vmem>> -> memref<1x128xi32, #tpu.memory_space<vmem>>
      %dma_wait3A_121 = tpu.memref_squeeze %dma_wait3A_120 : memref<1x128xi32, #tpu.memory_space<vmem>> -> memref<128xi32, #tpu.memory_space<vmem>>
      %dma_wait3A_122 = arith.constant 0 : i32
      %dma_wait3A_123 = arith.constant 0 : i32
      %dma_wait3A_124 = tpu.memref_slice %arg9[%dma_wait3A_122, %dma_wait3A_123] : memref<20480x64xf32, #tpu.memory_space<hbm>> -> memref<20480x64xf32, #tpu.memory_space<hbm>>
      tpu.wait_indirect_dma semaphore(%arg28 : memref<!tpu.dma_semaphore, #tpu.memory_space<semaphore_mem>>) src(%dma_wait3A_124 : memref<20480x64xf32, #tpu.memory_space<hbm>>) dst(%dma_wait3A_118 : memref<128x64xf32, #tpu.memory_space<vmem>>)
      %dma_wait3A_125 = arith.constant 0 : i32
      %dma_wait3A_126 = arith.constant 0 : i32
      %dma_wait3A_127 = tpu.memref_slice %arg13[%dma_wait3A_125, %dma_wait3A_126] : memref<159x128xi32, #tpu.memory_space<vmem>> -> memref<1x128xi32, #tpu.memory_space<vmem>>
      %dma_wait3A_128 = tpu.memref_squeeze %dma_wait3A_127 : memref<1x128xi32, #tpu.memory_space<vmem>> -> memref<128xi32, #tpu.memory_space<vmem>>
      %dma_wait3A_129 = arith.constant 0 : i32
      %dma_wait3A_130 = tpu.memref_slice %arg10[%dma_wait3A_129] : memref<20480xf32, #tpu.memory_space<hbm>> -> memref<20480xf32, #tpu.memory_space<hbm>>
      tpu.wait_indirect_dma semaphore(%arg28 : memref<!tpu.dma_semaphore, #tpu.memory_space<semaphore_mem>>) src(%dma_wait3A_130 : memref<20480xf32, #tpu.memory_space<hbm>>) dst(%arg20 : memref<128xf32, #tpu.memory_space<vmem>>)
      %dma_start3A_131 = arith.constant 0 : i32
      %dma_start3A_132 = arith.constant 0 : i32
      %dma_start3A_133 = arith.constant 0 : i32
      %dma_start3A_134 = tpu.memref_slice %arg15[%dma_start3A_132, %dma_start3A_133] : memref<128x64xf32, #tpu.memory_space<vmem>> -> memref<128x64xf32, #tpu.memory_space<vmem>>
      %dma_start3A_135 = arith.constant 0 : i32
      %dma_start3A_136 = tpu.memref_slice %arg14[%dma_start3A_131, %dma_start3A_135] : memref<159x128xi32, #tpu.memory_space<vmem>> -> memref<1x128xi32, #tpu.memory_space<vmem>>
      %dma_start3A_137 = tpu.memref_squeeze %dma_start3A_136 : memref<1x128xi32, #tpu.memory_space<vmem>> -> memref<128xi32, #tpu.memory_space<vmem>>
      %dma_start3A_138 = arith.constant 0 : i32
      %dma_start3A_139 = arith.constant 0 : i32
      %dma_start3A_140 = tpu.memref_slice %arg11[%dma_start3A_138, %dma_start3A_139] : memref<10240x64xf32, #tpu.memory_space<vmem_shared>> -> memref<10240x64xf32, #tpu.memory_space<vmem_shared>>
      tpu.enqueue_indirect_dma source(%dma_start3A_134 : memref<128x64xf32, #tpu.memory_space<vmem>>) target(%dma_start3A_140 : memref<10240x64xf32, #tpu.memory_space<vmem_shared>>) offsets(%dma_start3A_137 : memref<128xi32, #tpu.memory_space<vmem>>) semaphore(%arg31 : memref<!tpu.dma_semaphore, #tpu.memory_space<semaphore_mem>>) {add = true}
      %dma_start3A_141 = arith.constant 0 : i32
      %dma_start3A_142 = arith.constant 0 : i32
      %dma_start3A_143 = tpu.memref_slice %arg14[%dma_start3A_141, %dma_start3A_142] : memref<159x128xi32, #tpu.memory_space<vmem>> -> memref<1x128xi32, #tpu.memory_space<vmem>>
      %dma_start3A_144 = tpu.memref_squeeze %dma_start3A_143 : memref<1x128xi32, #tpu.memory_space<vmem>> -> memref<128xi32, #tpu.memory_space<vmem>>
      %dma_start3A_145 = arith.constant 0 : i32
      %dma_start3A_146 = tpu.memref_slice %arg12[%dma_start3A_145] : memref<10240xf32, #tpu.memory_space<vmem_shared>> -> memref<10240xf32, #tpu.memory_space<vmem_shared>>
      tpu.enqueue_indirect_dma source(%arg20 : memref<128xf32, #tpu.memory_space<vmem>>) target(%dma_start3A_146 : memref<10240xf32, #tpu.memory_space<vmem_shared>>) offsets(%dma_start3A_144 : memref<128xi32, #tpu.memory_space<vmem>>) semaphore(%arg31 : memref<!tpu.dma_semaphore, #tpu.memory_space<semaphore_mem>>) {add = true}
      %dma_wait3A_147 = arith.constant 0 : i32
      %dma_wait3A_148 = arith.constant 0 : i32
      %dma_wait3A_149 = arith.constant 0 : i32
      %dma_wait3A_150 = tpu.memref_slice %arg16[%dma_wait3A_148, %dma_wait3A_149] : memref<128x64xf32, #tpu.memory_space<vmem>> -> memref<128x64xf32, #tpu.memory_space<vmem>>
      %dma_wait3A_151 = arith.constant 0 : i32
      %dma_wait3A_152 = tpu.memref_slice %arg13[%dma_wait3A_147, %dma_wait3A_151] : memref<159x128xi32, #tpu.memory_space<vmem>> -> memref<1x128xi32, #tpu.memory_space<vmem>>
      %dma_wait3A_153 = tpu.memref_squeeze %dma_wait3A_152 : memref<1x128xi32, #tpu.memory_space<vmem>> -> memref<128xi32, #tpu.memory_space<vmem>>
      %dma_wait3A_154 = arith.constant 0 : i32
      %dma_wait3A_155 = arith.constant 0 : i32
      %dma_wait3A_156 = tpu.memref_slice %arg9[%dma_wait3A_154, %dma_wait3A_155] : memref<20480x64xf32, #tpu.memory_space<hbm>> -> memref<20480x64xf32, #tpu.memory_space<hbm>>
      tpu.wait_indirect_dma semaphore(%arg29 : memref<!tpu.dma_semaphore, #tpu.memory_space<semaphore_mem>>) src(%dma_wait3A_156 : memref<20480x64xf32, #tpu.memory_space<hbm>>) dst(%dma_wait3A_150 : memref<128x64xf32, #tpu.memory_space<vmem>>)
      %dma_wait3A_157 = arith.constant 0 : i32
      %dma_wait3A_158 = arith.constant 0 : i32
      %dma_wait3A_159 = tpu.memref_slice %arg13[%dma_wait3A_157, %dma_wait3A_158] : memref<159x128xi32, #tpu.memory_space<vmem>> -> memref<1x128xi32, #tpu.memory_space<vmem>>
      %dma_wait3A_160 = tpu.memref_squeeze %dma_wait3A_159 : memref<1x128xi32, #tpu.memory_space<vmem>> -> memref<128xi32, #tpu.memory_space<vmem>>
      %dma_wait3A_161 = arith.constant 0 : i32
      %dma_wait3A_162 = tpu.memref_slice %arg10[%dma_wait3A_161] : memref<20480xf32, #tpu.memory_space<hbm>> -> memref<20480xf32, #tpu.memory_space<hbm>>
      tpu.wait_indirect_dma semaphore(%arg29 : memref<!tpu.dma_semaphore, #tpu.memory_space<semaphore_mem>>) src(%dma_wait3A_162 : memref<20480xf32, #tpu.memory_space<hbm>>) dst(%arg21 : memref<128xf32, #tpu.memory_space<vmem>>)
      %dma_start3A_163 = arith.constant 1 : i32
      %dma_start3A_164 = arith.constant 0 : i32
      %dma_start3A_165 = arith.constant 0 : i32
      %dma_start3A_166 = tpu.memref_slice %arg16[%dma_start3A_164, %dma_start3A_165] : memref<128x64xf32, #tpu.memory_space<vmem>> -> memref<128x64xf32, #tpu.memory_space<vmem>>
      %dma_start3A_167 = arith.constant 0 : i32
      %dma_start3A_168 = tpu.memref_slice %arg14[%dma_start3A_163, %dma_start3A_167] : memref<159x128xi32, #tpu.memory_space<vmem>> -> memref<1x128xi32, #tpu.memory_space<vmem>>
      %dma_start3A_169 = tpu.memref_squeeze %dma_start3A_168 : memref<1x128xi32, #tpu.memory_space<vmem>> -> memref<128xi32, #tpu.memory_space<vmem>>
      %dma_start3A_170 = arith.constant 0 : i32
      %dma_start3A_171 = arith.constant 0 : i32
      %dma_start3A_172 = tpu.memref_slice %arg11[%dma_start3A_170, %dma_start3A_171] : memref<10240x64xf32, #tpu.memory_space<vmem_shared>> -> memref<10240x64xf32, #tpu.memory_space<vmem_shared>>
      tpu.enqueue_indirect_dma source(%dma_start3A_166 : memref<128x64xf32, #tpu.memory_space<vmem>>) target(%dma_start3A_172 : memref<10240x64xf32, #tpu.memory_space<vmem_shared>>) offsets(%dma_start3A_169 : memref<128xi32, #tpu.memory_space<vmem>>) semaphore(%arg32 : memref<!tpu.dma_semaphore, #tpu.memory_space<semaphore_mem>>) {add = true}
      %dma_start3A_173 = arith.constant 1 : i32
      %dma_start3A_174 = arith.constant 0 : i32
      %dma_start3A_175 = tpu.memref_slice %arg14[%dma_start3A_173, %dma_start3A_174] : memref<159x128xi32, #tpu.memory_space<vmem>> -> memref<1x128xi32, #tpu.memory_space<vmem>>
      %dma_start3A_176 = tpu.memref_squeeze %dma_start3A_175 : memref<1x128xi32, #tpu.memory_space<vmem>> -> memref<128xi32, #tpu.memory_space<vmem>>
      %dma_start3A_177 = arith.constant 0 : i32
      %dma_start3A_178 = tpu.memref_slice %arg12[%dma_start3A_177] : memref<10240xf32, #tpu.memory_space<vmem_shared>> -> memref<10240xf32, #tpu.memory_space<vmem_shared>>
      tpu.enqueue_indirect_dma source(%arg21 : memref<128xf32, #tpu.memory_space<vmem>>) target(%dma_start3A_178 : memref<10240xf32, #tpu.memory_space<vmem_shared>>) offsets(%dma_start3A_176 : memref<128xi32, #tpu.memory_space<vmem>>) semaphore(%arg32 : memref<!tpu.dma_semaphore, #tpu.memory_space<semaphore_mem>>) {add = true}
      %dma_wait3A_179 = arith.constant 0 : i32
      %dma_wait3A_180 = arith.constant 0 : i32
      %dma_wait3A_181 = arith.constant 0 : i32
      %dma_wait3A_182 = tpu.memref_slice %arg17[%dma_wait3A_180, %dma_wait3A_181] : memref<128x64xf32, #tpu.memory_space<vmem>> -> memref<128x64xf32, #tpu.memory_space<vmem>>
      %dma_wait3A_183 = arith.constant 0 : i32
      %dma_wait3A_184 = tpu.memref_slice %arg13[%dma_wait3A_179, %dma_wait3A_183] : memref<159x128xi32, #tpu.memory_space<vmem>> -> memref<1x128xi32, #tpu.memory_space<vmem>>
      %dma_wait3A_185 = tpu.memref_squeeze %dma_wait3A_184 : memref<1x128xi32, #tpu.memory_space<vmem>> -> memref<128xi32, #tpu.memory_space<vmem>>
      %dma_wait3A_186 = arith.constant 0 : i32
      %dma_wait3A_187 = arith.constant 0 : i32
      %dma_wait3A_188 = tpu.memref_slice %arg9[%dma_wait3A_186, %dma_wait3A_187] : memref<20480x64xf32, #tpu.memory_space<hbm>> -> memref<20480x64xf32, #tpu.memory_space<hbm>>
      tpu.wait_indirect_dma semaphore(%arg30 : memref<!tpu.dma_semaphore, #tpu.memory_space<semaphore_mem>>) src(%dma_wait3A_188 : memref<20480x64xf32, #tpu.memory_space<hbm>>) dst(%dma_wait3A_182 : memref<128x64xf32, #tpu.memory_space<vmem>>)
      %dma_wait3A_189 = arith.constant 0 : i32
      %dma_wait3A_190 = arith.constant 0 : i32
      %dma_wait3A_191 = tpu.memref_slice %arg13[%dma_wait3A_189, %dma_wait3A_190] : memref<159x128xi32, #tpu.memory_space<vmem>> -> memref<1x128xi32, #tpu.memory_space<vmem>>
      %dma_wait3A_192 = tpu.memref_squeeze %dma_wait3A_191 : memref<1x128xi32, #tpu.memory_space<vmem>> -> memref<128xi32, #tpu.memory_space<vmem>>
      %dma_wait3A_193 = arith.constant 0 : i32
      %dma_wait3A_194 = tpu.memref_slice %arg10[%dma_wait3A_193] : memref<20480xf32, #tpu.memory_space<hbm>> -> memref<20480xf32, #tpu.memory_space<hbm>>
      tpu.wait_indirect_dma semaphore(%arg30 : memref<!tpu.dma_semaphore, #tpu.memory_space<semaphore_mem>>) src(%dma_wait3A_194 : memref<20480xf32, #tpu.memory_space<hbm>>) dst(%arg22 : memref<128xf32, #tpu.memory_space<vmem>>)
      %dma_start3A_195 = arith.constant 2 : i32
      %dma_start3A_196 = arith.constant 0 : i32
      %dma_start3A_197 = arith.constant 0 : i32
      %dma_start3A_198 = tpu.memref_slice %arg17[%dma_start3A_196, %dma_start3A_197] : memref<128x64xf32, #tpu.memory_space<vmem>> -> memref<128x64xf32, #tpu.memory_space<vmem>>
      %dma_start3A_199 = arith.constant 0 : i32
      %dma_start3A_200 = tpu.memref_slice %arg14[%dma_start3A_195, %dma_start3A_199] : memref<159x128xi32, #tpu.memory_space<vmem>> -> memref<1x128xi32, #tpu.memory_space<vmem>>
      %dma_start3A_201 = tpu.memref_squeeze %dma_start3A_200 : memref<1x128xi32, #tpu.memory_space<vmem>> -> memref<128xi32, #tpu.memory_space<vmem>>
      %dma_start3A_202 = arith.constant 0 : i32
      %dma_start3A_203 = arith.constant 0 : i32
      %dma_start3A_204 = tpu.memref_slice %arg11[%dma_start3A_202, %dma_start3A_203] : memref<10240x64xf32, #tpu.memory_space<vmem_shared>> -> memref<10240x64xf32, #tpu.memory_space<vmem_shared>>
      tpu.enqueue_indirect_dma source(%dma_start3A_198 : memref<128x64xf32, #tpu.memory_space<vmem>>) target(%dma_start3A_204 : memref<10240x64xf32, #tpu.memory_space<vmem_shared>>) offsets(%dma_start3A_201 : memref<128xi32, #tpu.memory_space<vmem>>) semaphore(%arg33 : memref<!tpu.dma_semaphore, #tpu.memory_space<semaphore_mem>>) {add = true}
      %dma_start3A_205 = arith.constant 2 : i32
      %dma_start3A_206 = arith.constant 0 : i32
      %dma_start3A_207 = tpu.memref_slice %arg14[%dma_start3A_205, %dma_start3A_206] : memref<159x128xi32, #tpu.memory_space<vmem>> -> memref<1x128xi32, #tpu.memory_space<vmem>>
      %dma_start3A_208 = tpu.memref_squeeze %dma_start3A_207 : memref<1x128xi32, #tpu.memory_space<vmem>> -> memref<128xi32, #tpu.memory_space<vmem>>
      %dma_start3A_209 = arith.constant 0 : i32
      %dma_start3A_210 = tpu.memref_slice %arg12[%dma_start3A_209] : memref<10240xf32, #tpu.memory_space<vmem_shared>> -> memref<10240xf32, #tpu.memory_space<vmem_shared>>
      tpu.enqueue_indirect_dma source(%arg22 : memref<128xf32, #tpu.memory_space<vmem>>) target(%dma_start3A_210 : memref<10240xf32, #tpu.memory_space<vmem_shared>>) offsets(%dma_start3A_208 : memref<128xi32, #tpu.memory_space<vmem>>) semaphore(%arg33 : memref<!tpu.dma_semaphore, #tpu.memory_space<semaphore_mem>>) {add = true}
      %dma_wait3A_211 = arith.constant 0 : i32
      %dma_wait3A_212 = arith.constant 0 : i32
      %dma_wait3A_213 = arith.constant 0 : i32
      %dma_wait3A_214 = tpu.memref_slice %arg15[%dma_wait3A_212, %dma_wait3A_213] : memref<128x64xf32, #tpu.memory_space<vmem>> -> memref<128x64xf32, #tpu.memory_space<vmem>>
      %dma_wait3A_215 = arith.constant 0 : i32
      %dma_wait3A_216 = tpu.memref_slice %arg14[%dma_wait3A_211, %dma_wait3A_215] : memref<159x128xi32, #tpu.memory_space<vmem>> -> memref<1x128xi32, #tpu.memory_space<vmem>>
      %dma_wait3A_217 = tpu.memref_squeeze %dma_wait3A_216 : memref<1x128xi32, #tpu.memory_space<vmem>> -> memref<128xi32, #tpu.memory_space<vmem>>
      %dma_wait3A_218 = arith.constant 0 : i32
      %dma_wait3A_219 = arith.constant 0 : i32
      %dma_wait3A_220 = tpu.memref_slice %arg11[%dma_wait3A_218, %dma_wait3A_219] : memref<10240x64xf32, #tpu.memory_space<vmem_shared>> -> memref<10240x64xf32, #tpu.memory_space<vmem_shared>>
      tpu.wait_indirect_dma semaphore(%arg31 : memref<!tpu.dma_semaphore, #tpu.memory_space<semaphore_mem>>) src(%dma_wait3A_214 : memref<128x64xf32, #tpu.memory_space<vmem>>) dst(%dma_wait3A_220 : memref<10240x64xf32, #tpu.memory_space<vmem_shared>>)
      %dma_wait3A_221 = arith.constant 0 : i32
      %dma_wait3A_222 = arith.constant 0 : i32
      %dma_wait3A_223 = tpu.memref_slice %arg14[%dma_wait3A_221, %dma_wait3A_222] : memref<159x128xi32, #tpu.memory_space<vmem>> -> memref<1x128xi32, #tpu.memory_space<vmem>>
      %dma_wait3A_224 = tpu.memref_squeeze %dma_wait3A_223 : memref<1x128xi32, #tpu.memory_space<vmem>> -> memref<128xi32, #tpu.memory_space<vmem>>
      %dma_wait3A_225 = arith.constant 0 : i32
      %dma_wait3A_226 = tpu.memref_slice %arg12[%dma_wait3A_225] : memref<10240xf32, #tpu.memory_space<vmem_shared>> -> memref<10240xf32, #tpu.memory_space<vmem_shared>>
      tpu.wait_indirect_dma semaphore(%arg31 : memref<!tpu.dma_semaphore, #tpu.memory_space<semaphore_mem>>) src(%arg20 : memref<128xf32, #tpu.memory_space<vmem>>) dst(%dma_wait3A_226 : memref<10240xf32, #tpu.memory_space<vmem_shared>>)
      %dma_start3A_227 = arith.constant 3 : i32
      %dma_start3A_228 = arith.constant 0 : i32
      %dma_start3A_229 = arith.constant 0 : i32
      %dma_start3A_230 = tpu.memref_slice %arg15[%dma_start3A_228, %dma_start3A_229] : memref<128x64xf32, #tpu.memory_space<vmem>> -> memref<128x64xf32, #tpu.memory_space<vmem>>
      %dma_start3A_231 = arith.constant 0 : i32
      %dma_start3A_232 = tpu.memref_slice %arg13[%dma_start3A_227, %dma_start3A_231] : memref<159x128xi32, #tpu.memory_space<vmem>> -> memref<1x128xi32, #tpu.memory_space<vmem>>
      %dma_start3A_233 = tpu.memref_squeeze %dma_start3A_232 : memref<1x128xi32, #tpu.memory_space<vmem>> -> memref<128xi32, #tpu.memory_space<vmem>>
      %dma_start3A_234 = arith.constant 0 : i32
      %dma_start3A_235 = arith.constant 0 : i32
      %dma_start3A_236 = tpu.memref_slice %arg9[%dma_start3A_234, %dma_start3A_235] : memref<20480x64xf32, #tpu.memory_space<hbm>> -> memref<20480x64xf32, #tpu.memory_space<hbm>>
      tpu.enqueue_indirect_dma source(%dma_start3A_236 : memref<20480x64xf32, #tpu.memory_space<hbm>>) target(%dma_start3A_230 : memref<128x64xf32, #tpu.memory_space<vmem>>) offsets(%dma_start3A_233 : memref<128xi32, #tpu.memory_space<vmem>>) semaphore(%arg28 : memref<!tpu.dma_semaphore, #tpu.memory_space<semaphore_mem>>)
      %dma_start3A_237 = arith.constant 3 : i32
      %dma_start3A_238 = arith.constant 0 : i32
      %dma_start3A_239 = tpu.memref_slice %arg13[%dma_start3A_237, %dma_start3A_238] : memref<159x128xi32, #tpu.memory_space<vmem>> -> memref<1x128xi32, #tpu.memory_space<vmem>>
      %dma_start3A_240 = tpu.memref_squeeze %dma_start3A_239 : memref<1x128xi32, #tpu.memory_space<vmem>> -> memref<128xi32, #tpu.memory_space<vmem>>
      %dma_start3A_241 = arith.constant 0 : i32
      %dma_start3A_242 = tpu.memref_slice %arg10[%dma_start3A_241] : memref<20480xf32, #tpu.memory_space<hbm>> -> memref<20480xf32, #tpu.memory_space<hbm>>
      tpu.enqueue_indirect_dma source(%dma_start3A_242 : memref<20480xf32, #tpu.memory_space<hbm>>) target(%arg20 : memref<128xf32, #tpu.memory_space<vmem>>) offsets(%dma_start3A_240 : memref<128xi32, #tpu.memory_space<vmem>>) semaphore(%arg28 : memref<!tpu.dma_semaphore, #tpu.memory_space<semaphore_mem>>)
      %dma_wait3A_243 = arith.constant 0 : i32
      %dma_wait3A_244 = arith.constant 0 : i32
      %dma_wait3A_245 = arith.constant 0 : i32
      %dma_wait3A_246 = tpu.memref_slice %arg16[%dma_wait3A_244, %dma_wait3A_245] : memref<128x64xf32, #tpu.memory_space<vmem>> -> memref<128x64xf32, #tpu.memory_space<vmem>>
      %dma_wait3A_247 = arith.constant 0 : i32
      %dma_wait3A_248 = tpu.memref_slice %arg14[%dma_wait3A_243, %dma_wait3A_247] : memref<159x128xi32, #tpu.memory_space<vmem>> -> memref<1x128xi32, #tpu.memory_space<vmem>>
      %dma_wait3A_249 = tpu.memref_squeeze %dma_wait3A_248 : memref<1x128xi32, #tpu.memory_space<vmem>> -> memref<128xi32, #tpu.memory_space<vmem>>
      %dma_wait3A_250 = arith.constant 0 : i32
      %dma_wait3A_251 = arith.constant 0 : i32
      %dma_wait3A_252 = tpu.memref_slice %arg11[%dma_wait3A_250, %dma_wait3A_251] : memref<10240x64xf32, #tpu.memory_space<vmem_shared>> -> memref<10240x64xf32, #tpu.memory_space<vmem_shared>>
      tpu.wait_indirect_dma semaphore(%arg32 : memref<!tpu.dma_semaphore, #tpu.memory_space<semaphore_mem>>) src(%dma_wait3A_246 : memref<128x64xf32, #tpu.memory_space<vmem>>) dst(%dma_wait3A_252 : memref<10240x64xf32, #tpu.memory_space<vmem_shared>>)
      %dma_wait3A_253 = arith.constant 0 : i32
      %dma_wait3A_254 = arith.constant 0 : i32
      %dma_wait3A_255 = tpu.memref_slice %arg14[%dma_wait3A_253, %dma_wait3A_254] : memref<159x128xi32, #tpu.memory_space<vmem>> -> memref<1x128xi32, #tpu.memory_space<vmem>>
      %dma_wait3A_256 = tpu.memref_squeeze %dma_wait3A_255 : memref<1x128xi32, #tpu.memory_space<vmem>> -> memref<128xi32, #tpu.memory_space<vmem>>
      %dma_wait3A_257 = arith.constant 0 : i32
      %dma_wait3A_258 = tpu.memref_slice %arg12[%dma_wait3A_257] : memref<10240xf32, #tpu.memory_space<vmem_shared>> -> memref<10240xf32, #tpu.memory_space<vmem_shared>>
      tpu.wait_indirect_dma semaphore(%arg32 : memref<!tpu.dma_semaphore, #tpu.memory_space<semaphore_mem>>) src(%arg21 : memref<128xf32, #tpu.memory_space<vmem>>) dst(%dma_wait3A_258 : memref<10240xf32, #tpu.memory_space<vmem_shared>>)
      %dma_start3A_259 = arith.constant 4 : i32
      %dma_start3A_260 = arith.constant 0 : i32
      %dma_start3A_261 = arith.constant 0 : i32
      %dma_start3A_262 = tpu.memref_slice %arg16[%dma_start3A_260, %dma_start3A_261] : memref<128x64xf32, #tpu.memory_space<vmem>> -> memref<128x64xf32, #tpu.memory_space<vmem>>
      %dma_start3A_263 = arith.constant 0 : i32
      %dma_start3A_264 = tpu.memref_slice %arg13[%dma_start3A_259, %dma_start3A_263] : memref<159x128xi32, #tpu.memory_space<vmem>> -> memref<1x128xi32, #tpu.memory_space<vmem>>
      %dma_start3A_265 = tpu.memref_squeeze %dma_start3A_264 : memref<1x128xi32, #tpu.memory_space<vmem>> -> memref<128xi32, #tpu.memory_space<vmem>>
      %dma_start3A_266 = arith.constant 0 : i32
      %dma_start3A_267 = arith.constant 0 : i32
      %dma_start3A_268 = tpu.memref_slice %arg9[%dma_start3A_266, %dma_start3A_267] : memref<20480x64xf32, #tpu.memory_space<hbm>> -> memref<20480x64xf32, #tpu.memory_space<hbm>>
      tpu.enqueue_indirect_dma source(%dma_start3A_268 : memref<20480x64xf32, #tpu.memory_space<hbm>>) target(%dma_start3A_262 : memref<128x64xf32, #tpu.memory_space<vmem>>) offsets(%dma_start3A_265 : memref<128xi32, #tpu.memory_space<vmem>>) semaphore(%arg29 : memref<!tpu.dma_semaphore, #tpu.memory_space<semaphore_mem>>)
      %dma_start3A_269 = arith.constant 4 : i32
      %dma_start3A_270 = arith.constant 0 : i32
      %dma_start3A_271 = tpu.memref_slice %arg13[%dma_start3A_269, %dma_start3A_270] : memref<159x128xi32, #tpu.memory_space<vmem>> -> memref<1x128xi32, #tpu.memory_space<vmem>>
      %dma_start3A_272 = tpu.memref_squeeze %dma_start3A_271 : memref<1x128xi32, #tpu.memory_space<vmem>> -> memref<128xi32, #tpu.memory_space<vmem>>
      %dma_start3A_273 = arith.constant 0 : i32
      %dma_start3A_274 = tpu.memref_slice %arg10[%dma_start3A_273] : memref<20480xf32, #tpu.memory_space<hbm>> -> memref<20480xf32, #tpu.memory_space<hbm>>
      tpu.enqueue_indirect_dma source(%dma_start3A_274 : memref<20480xf32, #tpu.memory_space<hbm>>) target(%arg21 : memref<128xf32, #tpu.memory_space<vmem>>) offsets(%dma_start3A_272 : memref<128xi32, #tpu.memory_space<vmem>>) semaphore(%arg29 : memref<!tpu.dma_semaphore, #tpu.memory_space<semaphore_mem>>)
      %dma_wait3A_275 = arith.constant 0 : i32
      %dma_wait3A_276 = arith.constant 0 : i32
      %dma_wait3A_277 = arith.constant 0 : i32
      %dma_wait3A_278 = tpu.memref_slice %arg17[%dma_wait3A_276, %dma_wait3A_277] : memref<128x64xf32, #tpu.memory_space<vmem>> -> memref<128x64xf32, #tpu.memory_space<vmem>>
      %dma_wait3A_279 = arith.constant 0 : i32
      %dma_wait3A_280 = tpu.memref_slice %arg14[%dma_wait3A_275, %dma_wait3A_279] : memref<159x128xi32, #tpu.memory_space<vmem>> -> memref<1x128xi32, #tpu.memory_space<vmem>>
      %dma_wait3A_281 = tpu.memref_squeeze %dma_wait3A_280 : memref<1x128xi32, #tpu.memory_space<vmem>> -> memref<128xi32, #tpu.memory_space<vmem>>
      %dma_wait3A_282 = arith.constant 0 : i32
      %dma_wait3A_283 = arith.constant 0 : i32
      %dma_wait3A_284 = tpu.memref_slice %arg11[%dma_wait3A_282, %dma_wait3A_283] : memref<10240x64xf32, #tpu.memory_space<vmem_shared>> -> memref<10240x64xf32, #tpu.memory_space<vmem_shared>>
      tpu.wait_indirect_dma semaphore(%arg33 : memref<!tpu.dma_semaphore, #tpu.memory_space<semaphore_mem>>) src(%dma_wait3A_278 : memref<128x64xf32, #tpu.memory_space<vmem>>) dst(%dma_wait3A_284 : memref<10240x64xf32, #tpu.memory_space<vmem_shared>>)
      %dma_wait3A_285 = arith.constant 0 : i32
      %dma_wait3A_286 = arith.constant 0 : i32
      %dma_wait3A_287 = tpu.memref_slice %arg14[%dma_wait3A_285, %dma_wait3A_286] : memref<159x128xi32, #tpu.memory_space<vmem>> -> memref<1x128xi32, #tpu.memory_space<vmem>>
      %dma_wait3A_288 = tpu.memref_squeeze %dma_wait3A_287 : memref<1x128xi32, #tpu.memory_space<vmem>> -> memref<128xi32, #tpu.memory_space<vmem>>
      %dma_wait3A_289 = arith.constant 0 : i32
      %dma_wait3A_290 = tpu.memref_slice %arg12[%dma_wait3A_289] : memref<10240xf32, #tpu.memory_space<vmem_shared>> -> memref<10240xf32, #tpu.memory_space<vmem_shared>>
      tpu.wait_indirect_dma semaphore(%arg33 : memref<!tpu.dma_semaphore, #tpu.memory_space<semaphore_mem>>) src(%arg22 : memref<128xf32, #tpu.memory_space<vmem>>) dst(%dma_wait3A_290 : memref<10240xf32, #tpu.memory_space<vmem_shared>>)
      %dma_start3A_291 = arith.constant 5 : i32
      %dma_start3A_292 = arith.constant 0 : i32
      %dma_start3A_293 = arith.constant 0 : i32
      %dma_start3A_294 = tpu.memref_slice %arg17[%dma_start3A_292, %dma_start3A_293] : memref<128x64xf32, #tpu.memory_space<vmem>> -> memref<128x64xf32, #tpu.memory_space<vmem>>
      %dma_start3A_295 = arith.constant 0 : i32
      %dma_start3A_296 = tpu.memref_slice %arg13[%dma_start3A_291, %dma_start3A_295] : memref<159x128xi32, #tpu.memory_space<vmem>> -> memref<1x128xi32, #tpu.memory_space<vmem>>
      %dma_start3A_297 = tpu.memref_squeeze %dma_start3A_296 : memref<1x128xi32, #tpu.memory_space<vmem>> -> memref<128xi32, #tpu.memory_space<vmem>>
      %dma_start3A_298 = arith.constant 0 : i32
      %dma_start3A_299 = arith.constant 0 : i32
      %dma_start3A_300 = tpu.memref_slice %arg9[%dma_start3A_298, %dma_start3A_299] : memref<20480x64xf32, #tpu.memory_space<hbm>> -> memref<20480x64xf32, #tpu.memory_space<hbm>>
      tpu.enqueue_indirect_dma source(%dma_start3A_300 : memref<20480x64xf32, #tpu.memory_space<hbm>>) target(%dma_start3A_294 : memref<128x64xf32, #tpu.memory_space<vmem>>) offsets(%dma_start3A_297 : memref<128xi32, #tpu.memory_space<vmem>>) semaphore(%arg30 : memref<!tpu.dma_semaphore, #tpu.memory_space<semaphore_mem>>)
      %dma_start3A_301 = arith.constant 5 : i32
      %dma_start3A_302 = arith.constant 0 : i32
      %dma_start3A_303 = tpu.memref_slice %arg13[%dma_start3A_301, %dma_start3A_302] : memref<159x128xi32, #tpu.memory_space<vmem>> -> memref<1x128xi32, #tpu.memory_space<vmem>>
      %dma_start3A_304 = tpu.memref_squeeze %dma_start3A_303 : memref<1x128xi32, #tpu.memory_space<vmem>> -> memref<128xi32, #tpu.memory_space<vmem>>
      %dma_start3A_305 = arith.constant 0 : i32
      %dma_start3A_306 = tpu.memref_slice %arg10[%dma_start3A_305] : memref<20480xf32, #tpu.memory_space<hbm>> -> memref<20480xf32, #tpu.memory_space<hbm>>
      tpu.enqueue_indirect_dma source(%dma_start3A_306 : memref<20480xf32, #tpu.memory_space<hbm>>) target(%arg22 : memref<128xf32, #tpu.memory_space<vmem>>) offsets(%dma_start3A_304 : memref<128xi32, #tpu.memory_space<vmem>>) semaphore(%arg30 : memref<!tpu.dma_semaphore, #tpu.memory_space<semaphore_mem>>)
      %scan3A_307 = arith.constant 0 : i32
      %scan3A_308 = arith.constant 51 : i32
      %scan3A_309 = arith.addi %scan3A_307, %scan3A_308 : i32
      %scan3A_310 = arith.constant 1 : i32
      scf.for %scan3A_463 = %scan3A_307 to %scan3A_309 step %scan3A_310  : i32 {
        %mul3A_464 = arith.constant 1 : i32
        %mul3A_465 = arith.muli %scan3A_463, %mul3A_464 : i32
        %add3A_466 = arith.constant 1 : i32
        %add3A_467 = arith.addi %add3A_466, %mul3A_465 : i32
        %mul3A_468 = arith.constant 3 : i32
        %mul3A_469 = arith.muli %mul3A_468, %add3A_467 : i32
        %dma_wait3A_470 = arith.constant 0 : i32
        %dma_wait3A_471 = arith.constant 0 : i32
        %dma_wait3A_472 = arith.constant 0 : i32
        %dma_wait3A_473 = tpu.memref_slice %arg15[%dma_wait3A_471, %dma_wait3A_472] : memref<128x64xf32, #tpu.memory_space<vmem>> -> memref<128x64xf32, #tpu.memory_space<vmem>>
        %dma_wait3A_474 = arith.constant 0 : i32
        %dma_wait3A_475 = tpu.memref_slice %arg13[%dma_wait3A_470, %dma_wait3A_474] : memref<159x128xi32, #tpu.memory_space<vmem>> -> memref<1x128xi32, #tpu.memory_space<vmem>>
        %dma_wait3A_476 = tpu.memref_squeeze %dma_wait3A_475 : memref<1x128xi32, #tpu.memory_space<vmem>> -> memref<128xi32, #tpu.memory_space<vmem>>
        %dma_wait3A_477 = arith.constant 0 : i32
        %dma_wait3A_478 = arith.constant 0 : i32
        %dma_wait3A_479 = tpu.memref_slice %arg9[%dma_wait3A_477, %dma_wait3A_478] : memref<20480x64xf32, #tpu.memory_space<hbm>> -> memref<20480x64xf32, #tpu.memory_space<hbm>>
        tpu.wait_indirect_dma semaphore(%arg28 : memref<!tpu.dma_semaphore, #tpu.memory_space<semaphore_mem>>) src(%dma_wait3A_479 : memref<20480x64xf32, #tpu.memory_space<hbm>>) dst(%dma_wait3A_473 : memref<128x64xf32, #tpu.memory_space<vmem>>)
        %dma_wait3A_480 = arith.constant 0 : i32
        %dma_wait3A_481 = arith.constant 0 : i32
        %dma_wait3A_482 = tpu.memref_slice %arg13[%dma_wait3A_480, %dma_wait3A_481] : memref<159x128xi32, #tpu.memory_space<vmem>> -> memref<1x128xi32, #tpu.memory_space<vmem>>
        %dma_wait3A_483 = tpu.memref_squeeze %dma_wait3A_482 : memref<1x128xi32, #tpu.memory_space<vmem>> -> memref<128xi32, #tpu.memory_space<vmem>>
        %dma_wait3A_484 = arith.constant 0 : i32
        %dma_wait3A_485 = tpu.memref_slice %arg10[%dma_wait3A_484] : memref<20480xf32, #tpu.memory_space<hbm>> -> memref<20480xf32, #tpu.memory_space<hbm>>
        tpu.wait_indirect_dma semaphore(%arg28 : memref<!tpu.dma_semaphore, #tpu.memory_space<semaphore_mem>>) src(%dma_wait3A_485 : memref<20480xf32, #tpu.memory_space<hbm>>) dst(%arg20 : memref<128xf32, #tpu.memory_space<vmem>>)
        %add3A_486 = arith.constant 0 : i32
        %add3A_487 = arith.addi %mul3A_469, %add3A_486 : i32
        %dma_start3A_488 = arith.constant 0 : i32
        %dma_start3A_489 = arith.constant 0 : i32
        %dma_start3A_490 = tpu.memref_slice %arg15[%dma_start3A_488, %dma_start3A_489] : memref<128x64xf32, #tpu.memory_space<vmem>> -> memref<128x64xf32, #tpu.memory_space<vmem>>
        %dma_start3A_491 = arith.constant 0 : i32
        %dma_start3A_492 = tpu.memref_slice %arg14[%add3A_487, %dma_start3A_491] : memref<159x128xi32, #tpu.memory_space<vmem>> -> memref<1x128xi32, #tpu.memory_space<vmem>>
        %dma_start3A_493 = tpu.memref_squeeze %dma_start3A_492 : memref<1x128xi32, #tpu.memory_space<vmem>> -> memref<128xi32, #tpu.memory_space<vmem>>
        %dma_start3A_494 = arith.constant 0 : i32
        %dma_start3A_495 = arith.constant 0 : i32
        %dma_start3A_496 = tpu.memref_slice %arg11[%dma_start3A_494, %dma_start3A_495] : memref<10240x64xf32, #tpu.memory_space<vmem_shared>> -> memref<10240x64xf32, #tpu.memory_space<vmem_shared>>
        tpu.enqueue_indirect_dma source(%dma_start3A_490 : memref<128x64xf32, #tpu.memory_space<vmem>>) target(%dma_start3A_496 : memref<10240x64xf32, #tpu.memory_space<vmem_shared>>) offsets(%dma_start3A_493 : memref<128xi32, #tpu.memory_space<vmem>>) semaphore(%arg31 : memref<!tpu.dma_semaphore, #tpu.memory_space<semaphore_mem>>) {add = true}
        %dma_start3A_497 = arith.constant 0 : i32
        %dma_start3A_498 = tpu.memref_slice %arg14[%add3A_487, %dma_start3A_497] : memref<159x128xi32, #tpu.memory_space<vmem>> -> memref<1x128xi32, #tpu.memory_space<vmem>>
        %dma_start3A_499 = tpu.memref_squeeze %dma_start3A_498 : memref<1x128xi32, #tpu.memory_space<vmem>> -> memref<128xi32, #tpu.memory_space<vmem>>
        %dma_start3A_500 = arith.constant 0 : i32
        %dma_start3A_501 = tpu.memref_slice %arg12[%dma_start3A_500] : memref<10240xf32, #tpu.memory_space<vmem_shared>> -> memref<10240xf32, #tpu.memory_space<vmem_shared>>
        tpu.enqueue_indirect_dma source(%arg20 : memref<128xf32, #tpu.memory_space<vmem>>) target(%dma_start3A_501 : memref<10240xf32, #tpu.memory_space<vmem_shared>>) offsets(%dma_start3A_499 : memref<128xi32, #tpu.memory_space<vmem>>) semaphore(%arg31 : memref<!tpu.dma_semaphore, #tpu.memory_space<semaphore_mem>>) {add = true}
        %dma_wait3A_502 = arith.constant 0 : i32
        %dma_wait3A_503 = arith.constant 0 : i32
        %dma_wait3A_504 = arith.constant 0 : i32
        %dma_wait3A_505 = tpu.memref_slice %arg16[%dma_wait3A_503, %dma_wait3A_504] : memref<128x64xf32, #tpu.memory_space<vmem>> -> memref<128x64xf32, #tpu.memory_space<vmem>>
        %dma_wait3A_506 = arith.constant 0 : i32
        %dma_wait3A_507 = tpu.memref_slice %arg13[%dma_wait3A_502, %dma_wait3A_506] : memref<159x128xi32, #tpu.memory_space<vmem>> -> memref<1x128xi32, #tpu.memory_space<vmem>>
        %dma_wait3A_508 = tpu.memref_squeeze %dma_wait3A_507 : memref<1x128xi32, #tpu.memory_space<vmem>> -> memref<128xi32, #tpu.memory_space<vmem>>
        %dma_wait3A_509 = arith.constant 0 : i32
        %dma_wait3A_510 = arith.constant 0 : i32
        %dma_wait3A_511 = tpu.memref_slice %arg9[%dma_wait3A_509, %dma_wait3A_510] : memref<20480x64xf32, #tpu.memory_space<hbm>> -> memref<20480x64xf32, #tpu.memory_space<hbm>>
        tpu.wait_indirect_dma semaphore(%arg29 : memref<!tpu.dma_semaphore, #tpu.memory_space<semaphore_mem>>) src(%dma_wait3A_511 : memref<20480x64xf32, #tpu.memory_space<hbm>>) dst(%dma_wait3A_505 : memref<128x64xf32, #tpu.memory_space<vmem>>)
        %dma_wait3A_512 = arith.constant 0 : i32
        %dma_wait3A_513 = arith.constant 0 : i32
        %dma_wait3A_514 = tpu.memref_slice %arg13[%dma_wait3A_512, %dma_wait3A_513] : memref<159x128xi32, #tpu.memory_space<vmem>> -> memref<1x128xi32, #tpu.memory_space<vmem>>
        %dma_wait3A_515 = tpu.memref_squeeze %dma_wait3A_514 : memref<1x128xi32, #tpu.memory_space<vmem>> -> memref<128xi32, #tpu.memory_space<vmem>>
        %dma_wait3A_516 = arith.constant 0 : i32
        %dma_wait3A_517 = tpu.memref_slice %arg10[%dma_wait3A_516] : memref<20480xf32, #tpu.memory_space<hbm>> -> memref<20480xf32, #tpu.memory_space<hbm>>
        tpu.wait_indirect_dma semaphore(%arg29 : memref<!tpu.dma_semaphore, #tpu.memory_space<semaphore_mem>>) src(%dma_wait3A_517 : memref<20480xf32, #tpu.memory_space<hbm>>) dst(%arg21 : memref<128xf32, #tpu.memory_space<vmem>>)
        %add3A_518 = arith.constant 1 : i32
        %add3A_519 = arith.addi %mul3A_469, %add3A_518 : i32
        %dma_start3A_520 = arith.constant 0 : i32
        %dma_start3A_521 = arith.constant 0 : i32
        %dma_start3A_522 = tpu.memref_slice %arg16[%dma_start3A_520, %dma_start3A_521] : memref<128x64xf32, #tpu.memory_space<vmem>> -> memref<128x64xf32, #tpu.memory_space<vmem>>
        %dma_start3A_523 = arith.constant 0 : i32
        %dma_start3A_524 = tpu.memref_slice %arg14[%add3A_519, %dma_start3A_523] : memref<159x128xi32, #tpu.memory_space<vmem>> -> memref<1x128xi32, #tpu.memory_space<vmem>>
        %dma_start3A_525 = tpu.memref_squeeze %dma_start3A_524 : memref<1x128xi32, #tpu.memory_space<vmem>> -> memref<128xi32, #tpu.memory_space<vmem>>
        %dma_start3A_526 = arith.constant 0 : i32
        %dma_start3A_527 = arith.constant 0 : i32
        %dma_start3A_528 = tpu.memref_slice %arg11[%dma_start3A_526, %dma_start3A_527] : memref<10240x64xf32, #tpu.memory_space<vmem_shared>> -> memref<10240x64xf32, #tpu.memory_space<vmem_shared>>
        tpu.enqueue_indirect_dma source(%dma_start3A_522 : memref<128x64xf32, #tpu.memory_space<vmem>>) target(%dma_start3A_528 : memref<10240x64xf32, #tpu.memory_space<vmem_shared>>) offsets(%dma_start3A_525 : memref<128xi32, #tpu.memory_space<vmem>>) semaphore(%arg32 : memref<!tpu.dma_semaphore, #tpu.memory_space<semaphore_mem>>) {add = true}
        %dma_start3A_529 = arith.constant 0 : i32
        %dma_start3A_530 = tpu.memref_slice %arg14[%add3A_519, %dma_start3A_529] : memref<159x128xi32, #tpu.memory_space<vmem>> -> memref<1x128xi32, #tpu.memory_space<vmem>>
        %dma_start3A_531 = tpu.memref_squeeze %dma_start3A_530 : memref<1x128xi32, #tpu.memory_space<vmem>> -> memref<128xi32, #tpu.memory_space<vmem>>
        %dma_start3A_532 = arith.constant 0 : i32
        %dma_start3A_533 = tpu.memref_slice %arg12[%dma_start3A_532] : memref<10240xf32, #tpu.memory_space<vmem_shared>> -> memref<10240xf32, #tpu.memory_space<vmem_shared>>
        tpu.enqueue_indirect_dma source(%arg21 : memref<128xf32, #tpu.memory_space<vmem>>) target(%dma_start3A_533 : memref<10240xf32, #tpu.memory_space<vmem_shared>>) offsets(%dma_start3A_531 : memref<128xi32, #tpu.memory_space<vmem>>) semaphore(%arg32 : memref<!tpu.dma_semaphore, #tpu.memory_space<semaphore_mem>>) {add = true}
        %dma_wait3A_534 = arith.constant 0 : i32
        %dma_wait3A_535 = arith.constant 0 : i32
        %dma_wait3A_536 = arith.constant 0 : i32
        %dma_wait3A_537 = tpu.memref_slice %arg17[%dma_wait3A_535, %dma_wait3A_536] : memref<128x64xf32, #tpu.memory_space<vmem>> -> memref<128x64xf32, #tpu.memory_space<vmem>>
        %dma_wait3A_538 = arith.constant 0 : i32
        %dma_wait3A_539 = tpu.memref_slice %arg13[%dma_wait3A_534, %dma_wait3A_538] : memref<159x128xi32, #tpu.memory_space<vmem>> -> memref<1x128xi32, #tpu.memory_space<vmem>>
        %dma_wait3A_540 = tpu.memref_squeeze %dma_wait3A_539 : memref<1x128xi32, #tpu.memory_space<vmem>> -> memref<128xi32, #tpu.memory_space<vmem>>
        %dma_wait3A_541 = arith.constant 0 : i32
        %dma_wait3A_542 = arith.constant 0 : i32
        %dma_wait3A_543 = tpu.memref_slice %arg9[%dma_wait3A_541, %dma_wait3A_542] : memref<20480x64xf32, #tpu.memory_space<hbm>> -> memref<20480x64xf32, #tpu.memory_space<hbm>>
        tpu.wait_indirect_dma semaphore(%arg30 : memref<!tpu.dma_semaphore, #tpu.memory_space<semaphore_mem>>) src(%dma_wait3A_543 : memref<20480x64xf32, #tpu.memory_space<hbm>>) dst(%dma_wait3A_537 : memref<128x64xf32, #tpu.memory_space<vmem>>)
        %dma_wait3A_544 = arith.constant 0 : i32
        %dma_wait3A_545 = arith.constant 0 : i32
        %dma_wait3A_546 = tpu.memref_slice %arg13[%dma_wait3A_544, %dma_wait3A_545] : memref<159x128xi32, #tpu.memory_space<vmem>> -> memref<1x128xi32, #tpu.memory_space<vmem>>
        %dma_wait3A_547 = tpu.memref_squeeze %dma_wait3A_546 : memref<1x128xi32, #tpu.memory_space<vmem>> -> memref<128xi32, #tpu.memory_space<vmem>>
        %dma_wait3A_548 = arith.constant 0 : i32
        %dma_wait3A_549 = tpu.memref_slice %arg10[%dma_wait3A_548] : memref<20480xf32, #tpu.memory_space<hbm>> -> memref<20480xf32, #tpu.memory_space<hbm>>
        tpu.wait_indirect_dma semaphore(%arg30 : memref<!tpu.dma_semaphore, #tpu.memory_space<semaphore_mem>>) src(%dma_wait3A_549 : memref<20480xf32, #tpu.memory_space<hbm>>) dst(%arg22 : memref<128xf32, #tpu.memory_space<vmem>>)
        %add3A_550 = arith.constant 2 : i32
        %add3A_551 = arith.addi %mul3A_469, %add3A_550 : i32
        %dma_start3A_552 = arith.constant 0 : i32
        %dma_start3A_553 = arith.constant 0 : i32
        %dma_start3A_554 = tpu.memref_slice %arg17[%dma_start3A_552, %dma_start3A_553] : memref<128x64xf32, #tpu.memory_space<vmem>> -> memref<128x64xf32, #tpu.memory_space<vmem>>
        %dma_start3A_555 = arith.constant 0 : i32
        %dma_start3A_556 = tpu.memref_slice %arg14[%add3A_551, %dma_start3A_555] : memref<159x128xi32, #tpu.memory_space<vmem>> -> memref<1x128xi32, #tpu.memory_space<vmem>>
        %dma_start3A_557 = tpu.memref_squeeze %dma_start3A_556 : memref<1x128xi32, #tpu.memory_space<vmem>> -> memref<128xi32, #tpu.memory_space<vmem>>
        %dma_start3A_558 = arith.constant 0 : i32
        %dma_start3A_559 = arith.constant 0 : i32
        %dma_start3A_560 = tpu.memref_slice %arg11[%dma_start3A_558, %dma_start3A_559] : memref<10240x64xf32, #tpu.memory_space<vmem_shared>> -> memref<10240x64xf32, #tpu.memory_space<vmem_shared>>
        tpu.enqueue_indirect_dma source(%dma_start3A_554 : memref<128x64xf32, #tpu.memory_space<vmem>>) target(%dma_start3A_560 : memref<10240x64xf32, #tpu.memory_space<vmem_shared>>) offsets(%dma_start3A_557 : memref<128xi32, #tpu.memory_space<vmem>>) semaphore(%arg33 : memref<!tpu.dma_semaphore, #tpu.memory_space<semaphore_mem>>) {add = true}
        %dma_start3A_561 = arith.constant 0 : i32
        %dma_start3A_562 = tpu.memref_slice %arg14[%add3A_551, %dma_start3A_561] : memref<159x128xi32, #tpu.memory_space<vmem>> -> memref<1x128xi32, #tpu.memory_space<vmem>>
        %dma_start3A_563 = tpu.memref_squeeze %dma_start3A_562 : memref<1x128xi32, #tpu.memory_space<vmem>> -> memref<128xi32, #tpu.memory_space<vmem>>
        %dma_start3A_564 = arith.constant 0 : i32
        %dma_start3A_565 = tpu.memref_slice %arg12[%dma_start3A_564] : memref<10240xf32, #tpu.memory_space<vmem_shared>> -> memref<10240xf32, #tpu.memory_space<vmem_shared>>
        tpu.enqueue_indirect_dma source(%arg22 : memref<128xf32, #tpu.memory_space<vmem>>) target(%dma_start3A_565 : memref<10240xf32, #tpu.memory_space<vmem_shared>>) offsets(%dma_start3A_563 : memref<128xi32, #tpu.memory_space<vmem>>) semaphore(%arg33 : memref<!tpu.dma_semaphore, #tpu.memory_space<semaphore_mem>>) {add = true}
        %dma_wait3A_566 = arith.constant 0 : i32
        %dma_wait3A_567 = arith.constant 0 : i32
        %dma_wait3A_568 = arith.constant 0 : i32
        %dma_wait3A_569 = tpu.memref_slice %arg15[%dma_wait3A_567, %dma_wait3A_568] : memref<128x64xf32, #tpu.memory_space<vmem>> -> memref<128x64xf32, #tpu.memory_space<vmem>>
        %dma_wait3A_570 = arith.constant 0 : i32
        %dma_wait3A_571 = tpu.memref_slice %arg14[%dma_wait3A_566, %dma_wait3A_570] : memref<159x128xi32, #tpu.memory_space<vmem>> -> memref<1x128xi32, #tpu.memory_space<vmem>>
        %dma_wait3A_572 = tpu.memref_squeeze %dma_wait3A_571 : memref<1x128xi32, #tpu.memory_space<vmem>> -> memref<128xi32, #tpu.memory_space<vmem>>
        %dma_wait3A_573 = arith.constant 0 : i32
        %dma_wait3A_574 = arith.constant 0 : i32
        %dma_wait3A_575 = tpu.memref_slice %arg11[%dma_wait3A_573, %dma_wait3A_574] : memref<10240x64xf32, #tpu.memory_space<vmem_shared>> -> memref<10240x64xf32, #tpu.memory_space<vmem_shared>>
        tpu.wait_indirect_dma semaphore(%arg31 : memref<!tpu.dma_semaphore, #tpu.memory_space<semaphore_mem>>) src(%dma_wait3A_569 : memref<128x64xf32, #tpu.memory_space<vmem>>) dst(%dma_wait3A_575 : memref<10240x64xf32, #tpu.memory_space<vmem_shared>>)
        %dma_wait3A_576 = arith.constant 0 : i32
        %dma_wait3A_577 = arith.constant 0 : i32
        %dma_wait3A_578 = tpu.memref_slice %arg14[%dma_wait3A_576, %dma_wait3A_577] : memref<159x128xi32, #tpu.memory_space<vmem>> -> memref<1x128xi32, #tpu.memory_space<vmem>>
        %dma_wait3A_579 = tpu.memref_squeeze %dma_wait3A_578 : memref<1x128xi32, #tpu.memory_space<vmem>> -> memref<128xi32, #tpu.memory_space<vmem>>
        %dma_wait3A_580 = arith.constant 0 : i32
        %dma_wait3A_581 = tpu.memref_slice %arg12[%dma_wait3A_580] : memref<10240xf32, #tpu.memory_space<vmem_shared>> -> memref<10240xf32, #tpu.memory_space<vmem_shared>>
        tpu.wait_indirect_dma semaphore(%arg31 : memref<!tpu.dma_semaphore, #tpu.memory_space<semaphore_mem>>) src(%arg20 : memref<128xf32, #tpu.memory_space<vmem>>) dst(%dma_wait3A_581 : memref<10240xf32, #tpu.memory_space<vmem_shared>>)
        %add3A_582 = arith.constant 0 : i32
        %add3A_583 = arith.addi %mul3A_469, %add3A_582 : i32
        %add3A_584 = arith.constant 3 : i32
        %add3A_585 = arith.addi %add3A_583, %add3A_584 : i32
        %dma_start3A_586 = arith.constant 0 : i32
        %dma_start3A_587 = arith.constant 0 : i32
        %dma_start3A_588 = tpu.memref_slice %arg15[%dma_start3A_586, %dma_start3A_587] : memref<128x64xf32, #tpu.memory_space<vmem>> -> memref<128x64xf32, #tpu.memory_space<vmem>>
        %dma_start3A_589 = arith.constant 0 : i32
        %dma_start3A_590 = tpu.memref_slice %arg13[%add3A_585, %dma_start3A_589] : memref<159x128xi32, #tpu.memory_space<vmem>> -> memref<1x128xi32, #tpu.memory_space<vmem>>
        %dma_start3A_591 = tpu.memref_squeeze %dma_start3A_590 : memref<1x128xi32, #tpu.memory_space<vmem>> -> memref<128xi32, #tpu.memory_space<vmem>>
        %dma_start3A_592 = arith.constant 0 : i32
        %dma_start3A_593 = arith.constant 0 : i32
        %dma_start3A_594 = tpu.memref_slice %arg9[%dma_start3A_592, %dma_start3A_593] : memref<20480x64xf32, #tpu.memory_space<hbm>> -> memref<20480x64xf32, #tpu.memory_space<hbm>>
        tpu.enqueue_indirect_dma source(%dma_start3A_594 : memref<20480x64xf32, #tpu.memory_space<hbm>>) target(%dma_start3A_588 : memref<128x64xf32, #tpu.memory_space<vmem>>) offsets(%dma_start3A_591 : memref<128xi32, #tpu.memory_space<vmem>>) semaphore(%arg28 : memref<!tpu.dma_semaphore, #tpu.memory_space<semaphore_mem>>)
        %dma_start3A_595 = arith.constant 0 : i32
        %dma_start3A_596 = tpu.memref_slice %arg13[%add3A_585, %dma_start3A_595] : memref<159x128xi32, #tpu.memory_space<vmem>> -> memref<1x128xi32, #tpu.memory_space<vmem>>
        %dma_start3A_597 = tpu.memref_squeeze %dma_start3A_596 : memref<1x128xi32, #tpu.memory_space<vmem>> -> memref<128xi32, #tpu.memory_space<vmem>>
        %dma_start3A_598 = arith.constant 0 : i32
        %dma_start3A_599 = tpu.memref_slice %arg10[%dma_start3A_598] : memref<20480xf32, #tpu.memory_space<hbm>> -> memref<20480xf32, #tpu.memory_space<hbm>>
        tpu.enqueue_indirect_dma source(%dma_start3A_599 : memref<20480xf32, #tpu.memory_space<hbm>>) target(%arg20 : memref<128xf32, #tpu.memory_space<vmem>>) offsets(%dma_start3A_597 : memref<128xi32, #tpu.memory_space<vmem>>) semaphore(%arg28 : memref<!tpu.dma_semaphore, #tpu.memory_space<semaphore_mem>>)
        %dma_wait3A_600 = arith.constant 0 : i32
        %dma_wait3A_601 = arith.constant 0 : i32
        %dma_wait3A_602 = arith.constant 0 : i32
        %dma_wait3A_603 = tpu.memref_slice %arg16[%dma_wait3A_601, %dma_wait3A_602] : memref<128x64xf32, #tpu.memory_space<vmem>> -> memref<128x64xf32, #tpu.memory_space<vmem>>
        %dma_wait3A_604 = arith.constant 0 : i32
        %dma_wait3A_605 = tpu.memref_slice %arg14[%dma_wait3A_600, %dma_wait3A_604] : memref<159x128xi32, #tpu.memory_space<vmem>> -> memref<1x128xi32, #tpu.memory_space<vmem>>
        %dma_wait3A_606 = tpu.memref_squeeze %dma_wait3A_605 : memref<1x128xi32, #tpu.memory_space<vmem>> -> memref<128xi32, #tpu.memory_space<vmem>>
        %dma_wait3A_607 = arith.constant 0 : i32
        %dma_wait3A_608 = arith.constant 0 : i32
        %dma_wait3A_609 = tpu.memref_slice %arg11[%dma_wait3A_607, %dma_wait3A_608] : memref<10240x64xf32, #tpu.memory_space<vmem_shared>> -> memref<10240x64xf32, #tpu.memory_space<vmem_shared>>
        tpu.wait_indirect_dma semaphore(%arg32 : memref<!tpu.dma_semaphore, #tpu.memory_space<semaphore_mem>>) src(%dma_wait3A_603 : memref<128x64xf32, #tpu.memory_space<vmem>>) dst(%dma_wait3A_609 : memref<10240x64xf32, #tpu.memory_space<vmem_shared>>)
        %dma_wait3A_610 = arith.constant 0 : i32
        %dma_wait3A_611 = arith.constant 0 : i32
        %dma_wait3A_612 = tpu.memref_slice %arg14[%dma_wait3A_610, %dma_wait3A_611] : memref<159x128xi32, #tpu.memory_space<vmem>> -> memref<1x128xi32, #tpu.memory_space<vmem>>
        %dma_wait3A_613 = tpu.memref_squeeze %dma_wait3A_612 : memref<1x128xi32, #tpu.memory_space<vmem>> -> memref<128xi32, #tpu.memory_space<vmem>>
        %dma_wait3A_614 = arith.constant 0 : i32
        %dma_wait3A_615 = tpu.memref_slice %arg12[%dma_wait3A_614] : memref<10240xf32, #tpu.memory_space<vmem_shared>> -> memref<10240xf32, #tpu.memory_space<vmem_shared>>
        tpu.wait_indirect_dma semaphore(%arg32 : memref<!tpu.dma_semaphore, #tpu.memory_space<semaphore_mem>>) src(%arg21 : memref<128xf32, #tpu.memory_space<vmem>>) dst(%dma_wait3A_615 : memref<10240xf32, #tpu.memory_space<vmem_shared>>)
        %add3A_616 = arith.constant 1 : i32
        %add3A_617 = arith.addi %mul3A_469, %add3A_616 : i32
        %add3A_618 = arith.constant 3 : i32
        %add3A_619 = arith.addi %add3A_617, %add3A_618 : i32
        %dma_start3A_620 = arith.constant 0 : i32
        %dma_start3A_621 = arith.constant 0 : i32
        %dma_start3A_622 = tpu.memref_slice %arg16[%dma_start3A_620, %dma_start3A_621] : memref<128x64xf32, #tpu.memory_space<vmem>> -> memref<128x64xf32, #tpu.memory_space<vmem>>
        %dma_start3A_623 = arith.constant 0 : i32
        %dma_start3A_624 = tpu.memref_slice %arg13[%add3A_619, %dma_start3A_623] : memref<159x128xi32, #tpu.memory_space<vmem>> -> memref<1x128xi32, #tpu.memory_space<vmem>>
        %dma_start3A_625 = tpu.memref_squeeze %dma_start3A_624 : memref<1x128xi32, #tpu.memory_space<vmem>> -> memref<128xi32, #tpu.memory_space<vmem>>
        %dma_start3A_626 = arith.constant 0 : i32
        %dma_start3A_627 = arith.constant 0 : i32
        %dma_start3A_628 = tpu.memref_slice %arg9[%dma_start3A_626, %dma_start3A_627] : memref<20480x64xf32, #tpu.memory_space<hbm>> -> memref<20480x64xf32, #tpu.memory_space<hbm>>
        tpu.enqueue_indirect_dma source(%dma_start3A_628 : memref<20480x64xf32, #tpu.memory_space<hbm>>) target(%dma_start3A_622 : memref<128x64xf32, #tpu.memory_space<vmem>>) offsets(%dma_start3A_625 : memref<128xi32, #tpu.memory_space<vmem>>) semaphore(%arg29 : memref<!tpu.dma_semaphore, #tpu.memory_space<semaphore_mem>>)
        %dma_start3A_629 = arith.constant 0 : i32
        %dma_start3A_630 = tpu.memref_slice %arg13[%add3A_619, %dma_start3A_629] : memref<159x128xi32, #tpu.memory_space<vmem>> -> memref<1x128xi32, #tpu.memory_space<vmem>>
        %dma_start3A_631 = tpu.memref_squeeze %dma_start3A_630 : memref<1x128xi32, #tpu.memory_space<vmem>> -> memref<128xi32, #tpu.memory_space<vmem>>
        %dma_start3A_632 = arith.constant 0 : i32
        %dma_start3A_633 = tpu.memref_slice %arg10[%dma_start3A_632] : memref<20480xf32, #tpu.memory_space<hbm>> -> memref<20480xf32, #tpu.memory_space<hbm>>
        tpu.enqueue_indirect_dma source(%dma_start3A_633 : memref<20480xf32, #tpu.memory_space<hbm>>) target(%arg21 : memref<128xf32, #tpu.memory_space<vmem>>) offsets(%dma_start3A_631 : memref<128xi32, #tpu.memory_space<vmem>>) semaphore(%arg29 : memref<!tpu.dma_semaphore, #tpu.memory_space<semaphore_mem>>)
        %dma_wait3A_634 = arith.constant 0 : i32
        %dma_wait3A_635 = arith.constant 0 : i32
        %dma_wait3A_636 = arith.constant 0 : i32
        %dma_wait3A_637 = tpu.memref_slice %arg17[%dma_wait3A_635, %dma_wait3A_636] : memref<128x64xf32, #tpu.memory_space<vmem>> -> memref<128x64xf32, #tpu.memory_space<vmem>>
        %dma_wait3A_638 = arith.constant 0 : i32
        %dma_wait3A_639 = tpu.memref_slice %arg14[%dma_wait3A_634, %dma_wait3A_638] : memref<159x128xi32, #tpu.memory_space<vmem>> -> memref<1x128xi32, #tpu.memory_space<vmem>>
        %dma_wait3A_640 = tpu.memref_squeeze %dma_wait3A_639 : memref<1x128xi32, #tpu.memory_space<vmem>> -> memref<128xi32, #tpu.memory_space<vmem>>
        %dma_wait3A_641 = arith.constant 0 : i32
        %dma_wait3A_642 = arith.constant 0 : i32
        %dma_wait3A_643 = tpu.memref_slice %arg11[%dma_wait3A_641, %dma_wait3A_642] : memref<10240x64xf32, #tpu.memory_space<vmem_shared>> -> memref<10240x64xf32, #tpu.memory_space<vmem_shared>>
        tpu.wait_indirect_dma semaphore(%arg33 : memref<!tpu.dma_semaphore, #tpu.memory_space<semaphore_mem>>) src(%dma_wait3A_637 : memref<128x64xf32, #tpu.memory_space<vmem>>) dst(%dma_wait3A_643 : memref<10240x64xf32, #tpu.memory_space<vmem_shared>>)
        %dma_wait3A_644 = arith.constant 0 : i32
        %dma_wait3A_645 = arith.constant 0 : i32
        %dma_wait3A_646 = tpu.memref_slice %arg14[%dma_wait3A_644, %dma_wait3A_645] : memref<159x128xi32, #tpu.memory_space<vmem>> -> memref<1x128xi32, #tpu.memory_space<vmem>>
        %dma_wait3A_647 = tpu.memref_squeeze %dma_wait3A_646 : memref<1x128xi32, #tpu.memory_space<vmem>> -> memref<128xi32, #tpu.memory_space<vmem>>
        %dma_wait3A_648 = arith.constant 0 : i32
        %dma_wait3A_649 = tpu.memref_slice %arg12[%dma_wait3A_648] : memref<10240xf32, #tpu.memory_space<vmem_shared>> -> memref<10240xf32, #tpu.memory_space<vmem_shared>>
        tpu.wait_indirect_dma semaphore(%arg33 : memref<!tpu.dma_semaphore, #tpu.memory_space<semaphore_mem>>) src(%arg22 : memref<128xf32, #tpu.memory_space<vmem>>) dst(%dma_wait3A_649 : memref<10240xf32, #tpu.memory_space<vmem_shared>>)
        %add3A_650 = arith.constant 2 : i32
        %add3A_651 = arith.addi %mul3A_469, %add3A_650 : i32
        %add3A_652 = arith.constant 3 : i32
        %add3A_653 = arith.addi %add3A_651, %add3A_652 : i32
        %dma_start3A_654 = arith.constant 0 : i32
        %dma_start3A_655 = arith.constant 0 : i32
        %dma_start3A_656 = tpu.memref_slice %arg17[%dma_start3A_654, %dma_start3A_655] : memref<128x64xf32, #tpu.memory_space<vmem>> -> memref<128x64xf32, #tpu.memory_space<vmem>>
        %dma_start3A_657 = arith.constant 0 : i32
        %dma_start3A_658 = tpu.memref_slice %arg13[%add3A_653, %dma_start3A_657] : memref<159x128xi32, #tpu.memory_space<vmem>> -> memref<1x128xi32, #tpu.memory_space<vmem>>
        %dma_start3A_659 = tpu.memref_squeeze %dma_start3A_658 : memref<1x128xi32, #tpu.memory_space<vmem>> -> memref<128xi32, #tpu.memory_space<vmem>>
        %dma_start3A_660 = arith.constant 0 : i32
        %dma_start3A_661 = arith.constant 0 : i32
        %dma_start3A_662 = tpu.memref_slice %arg9[%dma_start3A_660, %dma_start3A_661] : memref<20480x64xf32, #tpu.memory_space<hbm>> -> memref<20480x64xf32, #tpu.memory_space<hbm>>
        tpu.enqueue_indirect_dma source(%dma_start3A_662 : memref<20480x64xf32, #tpu.memory_space<hbm>>) target(%dma_start3A_656 : memref<128x64xf32, #tpu.memory_space<vmem>>) offsets(%dma_start3A_659 : memref<128xi32, #tpu.memory_space<vmem>>) semaphore(%arg30 : memref<!tpu.dma_semaphore, #tpu.memory_space<semaphore_mem>>)
        %dma_start3A_663 = arith.constant 0 : i32
        %dma_start3A_664 = tpu.memref_slice %arg13[%add3A_653, %dma_start3A_663] : memref<159x128xi32, #tpu.memory_space<vmem>> -> memref<1x128xi32, #tpu.memory_space<vmem>>
        %dma_start3A_665 = tpu.memref_squeeze %dma_start3A_664 : memref<1x128xi32, #tpu.memory_space<vmem>> -> memref<128xi32, #tpu.memory_space<vmem>>
        %dma_start3A_666 = arith.constant 0 : i32
        %dma_start3A_667 = tpu.memref_slice %arg10[%dma_start3A_666] : memref<20480xf32, #tpu.memory_space<hbm>> -> memref<20480xf32, #tpu.memory_space<hbm>>
        tpu.enqueue_indirect_dma source(%dma_start3A_667 : memref<20480xf32, #tpu.memory_space<hbm>>) target(%arg22 : memref<128xf32, #tpu.memory_space<vmem>>) offsets(%dma_start3A_665 : memref<128xi32, #tpu.memory_space<vmem>>) semaphore(%arg30 : memref<!tpu.dma_semaphore, #tpu.memory_space<semaphore_mem>>)
      }
      %scan3A_311 = arith.constant 51 : i32
      %dma_wait3A_312 = arith.constant 0 : i32
      %dma_wait3A_313 = arith.constant 0 : i32
      %dma_wait3A_314 = arith.constant 0 : i32
      %dma_wait3A_315 = tpu.memref_slice %arg15[%dma_wait3A_313, %dma_wait3A_314] : memref<128x64xf32, #tpu.memory_space<vmem>> -> memref<128x64xf32, #tpu.memory_space<vmem>>
      %dma_wait3A_316 = arith.constant 0 : i32
      %dma_wait3A_317 = tpu.memref_slice %arg13[%dma_wait3A_312, %dma_wait3A_316] : memref<159x128xi32, #tpu.memory_space<vmem>> -> memref<1x128xi32, #tpu.memory_space<vmem>>
      %dma_wait3A_318 = tpu.memref_squeeze %dma_wait3A_317 : memref<1x128xi32, #tpu.memory_space<vmem>> -> memref<128xi32, #tpu.memory_space<vmem>>
      %dma_wait3A_319 = arith.constant 0 : i32
      %dma_wait3A_320 = arith.constant 0 : i32
      %dma_wait3A_321 = tpu.memref_slice %arg9[%dma_wait3A_319, %dma_wait3A_320] : memref<20480x64xf32, #tpu.memory_space<hbm>> -> memref<20480x64xf32, #tpu.memory_space<hbm>>
      tpu.wait_indirect_dma semaphore(%arg28 : memref<!tpu.dma_semaphore, #tpu.memory_space<semaphore_mem>>) src(%dma_wait3A_321 : memref<20480x64xf32, #tpu.memory_space<hbm>>) dst(%dma_wait3A_315 : memref<128x64xf32, #tpu.memory_space<vmem>>)
      %dma_wait3A_322 = arith.constant 0 : i32
      %dma_wait3A_323 = arith.constant 0 : i32
      %dma_wait3A_324 = tpu.memref_slice %arg13[%dma_wait3A_322, %dma_wait3A_323] : memref<159x128xi32, #tpu.memory_space<vmem>> -> memref<1x128xi32, #tpu.memory_space<vmem>>
      %dma_wait3A_325 = tpu.memref_squeeze %dma_wait3A_324 : memref<1x128xi32, #tpu.memory_space<vmem>> -> memref<128xi32, #tpu.memory_space<vmem>>
      %dma_wait3A_326 = arith.constant 0 : i32
      %dma_wait3A_327 = tpu.memref_slice %arg10[%dma_wait3A_326] : memref<20480xf32, #tpu.memory_space<hbm>> -> memref<20480xf32, #tpu.memory_space<hbm>>
      tpu.wait_indirect_dma semaphore(%arg28 : memref<!tpu.dma_semaphore, #tpu.memory_space<semaphore_mem>>) src(%dma_wait3A_327 : memref<20480xf32, #tpu.memory_space<hbm>>) dst(%arg20 : memref<128xf32, #tpu.memory_space<vmem>>)
      %dma_start3A_328 = arith.constant 156 : i32
      %dma_start3A_329 = arith.constant 0 : i32
      %dma_start3A_330 = arith.constant 0 : i32
      %dma_start3A_331 = tpu.memref_slice %arg15[%dma_start3A_329, %dma_start3A_330] : memref<128x64xf32, #tpu.memory_space<vmem>> -> memref<128x64xf32, #tpu.memory_space<vmem>>
      %dma_start3A_332 = arith.constant 0 : i32
      %dma_start3A_333 = tpu.memref_slice %arg14[%dma_start3A_328, %dma_start3A_332] : memref<159x128xi32, #tpu.memory_space<vmem>> -> memref<1x128xi32, #tpu.memory_space<vmem>>
      %dma_start3A_334 = tpu.memref_squeeze %dma_start3A_333 : memref<1x128xi32, #tpu.memory_space<vmem>> -> memref<128xi32, #tpu.memory_space<vmem>>
      %dma_start3A_335 = arith.constant 0 : i32
      %dma_start3A_336 = arith.constant 0 : i32
      %dma_start3A_337 = tpu.memref_slice %arg11[%dma_start3A_335, %dma_start3A_336] : memref<10240x64xf32, #tpu.memory_space<vmem_shared>> -> memref<10240x64xf32, #tpu.memory_space<vmem_shared>>
      tpu.enqueue_indirect_dma source(%dma_start3A_331 : memref<128x64xf32, #tpu.memory_space<vmem>>) target(%dma_start3A_337 : memref<10240x64xf32, #tpu.memory_space<vmem_shared>>) offsets(%dma_start3A_334 : memref<128xi32, #tpu.memory_space<vmem>>) semaphore(%arg31 : memref<!tpu.dma_semaphore, #tpu.memory_space<semaphore_mem>>) {add = true}
      %dma_start3A_338 = arith.constant 156 : i32
      %dma_start3A_339 = arith.constant 0 : i32
      %dma_start3A_340 = tpu.memref_slice %arg14[%dma_start3A_338, %dma_start3A_339] : memref<159x128xi32, #tpu.memory_space<vmem>> -> memref<1x128xi32, #tpu.memory_space<vmem>>
      %dma_start3A_341 = tpu.memref_squeeze %dma_start3A_340 : memref<1x128xi32, #tpu.memory_space<vmem>> -> memref<128xi32, #tpu.memory_space<vmem>>
      %dma_start3A_342 = arith.constant 0 : i32
      %dma_start3A_343 = tpu.memref_slice %arg12[%dma_start3A_342] : memref<10240xf32, #tpu.memory_space<vmem_shared>> -> memref<10240xf32, #tpu.memory_space<vmem_shared>>
      tpu.enqueue_indirect_dma source(%arg20 : memref<128xf32, #tpu.memory_space<vmem>>) target(%dma_start3A_343 : memref<10240xf32, #tpu.memory_space<vmem_shared>>) offsets(%dma_start3A_341 : memref<128xi32, #tpu.memory_space<vmem>>) semaphore(%arg31 : memref<!tpu.dma_semaphore, #tpu.memory_space<semaphore_mem>>) {add = true}
      %dma_wait3A_344 = arith.constant 0 : i32
      %dma_wait3A_345 = arith.constant 0 : i32
      %dma_wait3A_346 = arith.constant 0 : i32
      %dma_wait3A_347 = tpu.memref_slice %arg16[%dma_wait3A_345, %dma_wait3A_346] : memref<128x64xf32, #tpu.memory_space<vmem>> -> memref<128x64xf32, #tpu.memory_space<vmem>>
      %dma_wait3A_348 = arith.constant 0 : i32
      %dma_wait3A_349 = tpu.memref_slice %arg13[%dma_wait3A_344, %dma_wait3A_348] : memref<159x128xi32, #tpu.memory_space<vmem>> -> memref<1x128xi32, #tpu.memory_space<vmem>>
      %dma_wait3A_350 = tpu.memref_squeeze %dma_wait3A_349 : memref<1x128xi32, #tpu.memory_space<vmem>> -> memref<128xi32, #tpu.memory_space<vmem>>
      %dma_wait3A_351 = arith.constant 0 : i32
      %dma_wait3A_352 = arith.constant 0 : i32
      %dma_wait3A_353 = tpu.memref_slice %arg9[%dma_wait3A_351, %dma_wait3A_352] : memref<20480x64xf32, #tpu.memory_space<hbm>> -> memref<20480x64xf32, #tpu.memory_space<hbm>>
      tpu.wait_indirect_dma semaphore(%arg29 : memref<!tpu.dma_semaphore, #tpu.memory_space<semaphore_mem>>) src(%dma_wait3A_353 : memref<20480x64xf32, #tpu.memory_space<hbm>>) dst(%dma_wait3A_347 : memref<128x64xf32, #tpu.memory_space<vmem>>)
      %dma_wait3A_354 = arith.constant 0 : i32
      %dma_wait3A_355 = arith.constant 0 : i32
      %dma_wait3A_356 = tpu.memref_slice %arg13[%dma_wait3A_354, %dma_wait3A_355] : memref<159x128xi32, #tpu.memory_space<vmem>> -> memref<1x128xi32, #tpu.memory_space<vmem>>
      %dma_wait3A_357 = tpu.memref_squeeze %dma_wait3A_356 : memref<1x128xi32, #tpu.memory_space<vmem>> -> memref<128xi32, #tpu.memory_space<vmem>>
      %dma_wait3A_358 = arith.constant 0 : i32
      %dma_wait3A_359 = tpu.memref_slice %arg10[%dma_wait3A_358] : memref<20480xf32, #tpu.memory_space<hbm>> -> memref<20480xf32, #tpu.memory_space<hbm>>
      tpu.wait_indirect_dma semaphore(%arg29 : memref<!tpu.dma_semaphore, #tpu.memory_space<semaphore_mem>>) src(%dma_wait3A_359 : memref<20480xf32, #tpu.memory_space<hbm>>) dst(%arg21 : memref<128xf32, #tpu.memory_space<vmem>>)
      %dma_start3A_360 = arith.constant 157 : i32
      %dma_start3A_361 = arith.constant 0 : i32
      %dma_start3A_362 = arith.constant 0 : i32
      %dma_start3A_363 = tpu.memref_slice %arg16[%dma_start3A_361, %dma_start3A_362] : memref<128x64xf32, #tpu.memory_space<vmem>> -> memref<128x64xf32, #tpu.memory_space<vmem>>
      %dma_start3A_364 = arith.constant 0 : i32
      %dma_start3A_365 = tpu.memref_slice %arg14[%dma_start3A_360, %dma_start3A_364] : memref<159x128xi32, #tpu.memory_space<vmem>> -> memref<1x128xi32, #tpu.memory_space<vmem>>
      %dma_start3A_366 = tpu.memref_squeeze %dma_start3A_365 : memref<1x128xi32, #tpu.memory_space<vmem>> -> memref<128xi32, #tpu.memory_space<vmem>>
      %dma_start3A_367 = arith.constant 0 : i32
      %dma_start3A_368 = arith.constant 0 : i32
      %dma_start3A_369 = tpu.memref_slice %arg11[%dma_start3A_367, %dma_start3A_368] : memref<10240x64xf32, #tpu.memory_space<vmem_shared>> -> memref<10240x64xf32, #tpu.memory_space<vmem_shared>>
      tpu.enqueue_indirect_dma source(%dma_start3A_363 : memref<128x64xf32, #tpu.memory_space<vmem>>) target(%dma_start3A_369 : memref<10240x64xf32, #tpu.memory_space<vmem_shared>>) offsets(%dma_start3A_366 : memref<128xi32, #tpu.memory_space<vmem>>) semaphore(%arg32 : memref<!tpu.dma_semaphore, #tpu.memory_space<semaphore_mem>>) {add = true}
      %dma_start3A_370 = arith.constant 157 : i32
      %dma_start3A_371 = arith.constant 0 : i32
      %dma_start3A_372 = tpu.memref_slice %arg14[%dma_start3A_370, %dma_start3A_371] : memref<159x128xi32, #tpu.memory_space<vmem>> -> memref<1x128xi32, #tpu.memory_space<vmem>>
      %dma_start3A_373 = tpu.memref_squeeze %dma_start3A_372 : memref<1x128xi32, #tpu.memory_space<vmem>> -> memref<128xi32, #tpu.memory_space<vmem>>
      %dma_start3A_374 = arith.constant 0 : i32
      %dma_start3A_375 = tpu.memref_slice %arg12[%dma_start3A_374] : memref<10240xf32, #tpu.memory_space<vmem_shared>> -> memref<10240xf32, #tpu.memory_space<vmem_shared>>
      tpu.enqueue_indirect_dma source(%arg21 : memref<128xf32, #tpu.memory_space<vmem>>) target(%dma_start3A_375 : memref<10240xf32, #tpu.memory_space<vmem_shared>>) offsets(%dma_start3A_373 : memref<128xi32, #tpu.memory_space<vmem>>) semaphore(%arg32 : memref<!tpu.dma_semaphore, #tpu.memory_space<semaphore_mem>>) {add = true}
      %dma_wait3A_376 = arith.constant 0 : i32
      %dma_wait3A_377 = arith.constant 0 : i32
      %dma_wait3A_378 = arith.constant 0 : i32
      %dma_wait3A_379 = tpu.memref_slice %arg17[%dma_wait3A_377, %dma_wait3A_378] : memref<128x64xf32, #tpu.memory_space<vmem>> -> memref<128x64xf32, #tpu.memory_space<vmem>>
      %dma_wait3A_380 = arith.constant 0 : i32
      %dma_wait3A_381 = tpu.memref_slice %arg13[%dma_wait3A_376, %dma_wait3A_380] : memref<159x128xi32, #tpu.memory_space<vmem>> -> memref<1x128xi32, #tpu.memory_space<vmem>>
      %dma_wait3A_382 = tpu.memref_squeeze %dma_wait3A_381 : memref<1x128xi32, #tpu.memory_space<vmem>> -> memref<128xi32, #tpu.memory_space<vmem>>
      %dma_wait3A_383 = arith.constant 0 : i32
      %dma_wait3A_384 = arith.constant 0 : i32
      %dma_wait3A_385 = tpu.memref_slice %arg9[%dma_wait3A_383, %dma_wait3A_384] : memref<20480x64xf32, #tpu.memory_space<hbm>> -> memref<20480x64xf32, #tpu.memory_space<hbm>>
      tpu.wait_indirect_dma semaphore(%arg30 : memref<!tpu.dma_semaphore, #tpu.memory_space<semaphore_mem>>) src(%dma_wait3A_385 : memref<20480x64xf32, #tpu.memory_space<hbm>>) dst(%dma_wait3A_379 : memref<128x64xf32, #tpu.memory_space<vmem>>)
      %dma_wait3A_386 = arith.constant 0 : i32
      %dma_wait3A_387 = arith.constant 0 : i32
      %dma_wait3A_388 = tpu.memref_slice %arg13[%dma_wait3A_386, %dma_wait3A_387] : memref<159x128xi32, #tpu.memory_space<vmem>> -> memref<1x128xi32, #tpu.memory_space<vmem>>
      %dma_wait3A_389 = tpu.memref_squeeze %dma_wait3A_388 : memref<1x128xi32, #tpu.memory_space<vmem>> -> memref<128xi32, #tpu.memory_space<vmem>>
      %dma_wait3A_390 = arith.constant 0 : i32
      %dma_wait3A_391 = tpu.memref_slice %arg10[%dma_wait3A_390] : memref<20480xf32, #tpu.memory_space<hbm>> -> memref<20480xf32, #tpu.memory_space<hbm>>
      tpu.wait_indirect_dma semaphore(%arg30 : memref<!tpu.dma_semaphore, #tpu.memory_space<semaphore_mem>>) src(%dma_wait3A_391 : memref<20480xf32, #tpu.memory_space<hbm>>) dst(%arg22 : memref<128xf32, #tpu.memory_space<vmem>>)
      %dma_start3A_392 = arith.constant 158 : i32
      %dma_start3A_393 = arith.constant 0 : i32
      %dma_start3A_394 = arith.constant 0 : i32
      %dma_start3A_395 = tpu.memref_slice %arg17[%dma_start3A_393, %dma_start3A_394] : memref<128x64xf32, #tpu.memory_space<vmem>> -> memref<128x64xf32, #tpu.memory_space<vmem>>
      %dma_start3A_396 = arith.constant 0 : i32
      %dma_start3A_397 = tpu.memref_slice %arg14[%dma_start3A_392, %dma_start3A_396] : memref<159x128xi32, #tpu.memory_space<vmem>> -> memref<1x128xi32, #tpu.memory_space<vmem>>
      %dma_start3A_398 = tpu.memref_squeeze %dma_start3A_397 : memref<1x128xi32, #tpu.memory_space<vmem>> -> memref<128xi32, #tpu.memory_space<vmem>>
      %dma_start3A_399 = arith.constant 0 : i32
      %dma_start3A_400 = arith.constant 0 : i32
      %dma_start3A_401 = tpu.memref_slice %arg11[%dma_start3A_399, %dma_start3A_400] : memref<10240x64xf32, #tpu.memory_space<vmem_shared>> -> memref<10240x64xf32, #tpu.memory_space<vmem_shared>>
      tpu.enqueue_indirect_dma source(%dma_start3A_395 : memref<128x64xf32, #tpu.memory_space<vmem>>) target(%dma_start3A_401 : memref<10240x64xf32, #tpu.memory_space<vmem_shared>>) offsets(%dma_start3A_398 : memref<128xi32, #tpu.memory_space<vmem>>) semaphore(%arg33 : memref<!tpu.dma_semaphore, #tpu.memory_space<semaphore_mem>>) {add = true}
      %dma_start3A_402 = arith.constant 158 : i32
      %dma_start3A_403 = arith.constant 0 : i32
      %dma_start3A_404 = tpu.memref_slice %arg14[%dma_start3A_402, %dma_start3A_403] : memref<159x128xi32, #tpu.memory_space<vmem>> -> memref<1x128xi32, #tpu.memory_space<vmem>>
      %dma_start3A_405 = tpu.memref_squeeze %dma_start3A_404 : memref<1x128xi32, #tpu.memory_space<vmem>> -> memref<128xi32, #tpu.memory_space<vmem>>
      %dma_start3A_406 = arith.constant 0 : i32
      %dma_start3A_407 = tpu.memref_slice %arg12[%dma_start3A_406] : memref<10240xf32, #tpu.memory_space<vmem_shared>> -> memref<10240xf32, #tpu.memory_space<vmem_shared>>
      tpu.enqueue_indirect_dma source(%arg22 : memref<128xf32, #tpu.memory_space<vmem>>) target(%dma_start3A_407 : memref<10240xf32, #tpu.memory_space<vmem_shared>>) offsets(%dma_start3A_405 : memref<128xi32, #tpu.memory_space<vmem>>) semaphore(%arg33 : memref<!tpu.dma_semaphore, #tpu.memory_space<semaphore_mem>>) {add = true}
      %dma_wait3A_408 = arith.constant 0 : i32
      %dma_wait3A_409 = arith.constant 0 : i32
      %dma_wait3A_410 = arith.constant 0 : i32
      %dma_wait3A_411 = tpu.memref_slice %arg15[%dma_wait3A_409, %dma_wait3A_410] : memref<128x64xf32, #tpu.memory_space<vmem>> -> memref<128x64xf32, #tpu.memory_space<vmem>>
      %dma_wait3A_412 = arith.constant 0 : i32
      %dma_wait3A_413 = tpu.memref_slice %arg14[%dma_wait3A_408, %dma_wait3A_412] : memref<159x128xi32, #tpu.memory_space<vmem>> -> memref<1x128xi32, #tpu.memory_space<vmem>>
      %dma_wait3A_414 = tpu.memref_squeeze %dma_wait3A_413 : memref<1x128xi32, #tpu.memory_space<vmem>> -> memref<128xi32, #tpu.memory_space<vmem>>
      %dma_wait3A_415 = arith.constant 0 : i32
      %dma_wait3A_416 = arith.constant 0 : i32
      %dma_wait3A_417 = tpu.memref_slice %arg11[%dma_wait3A_415, %dma_wait3A_416] : memref<10240x64xf32, #tpu.memory_space<vmem_shared>> -> memref<10240x64xf32, #tpu.memory_space<vmem_shared>>
      tpu.wait_indirect_dma semaphore(%arg31 : memref<!tpu.dma_semaphore, #tpu.memory_space<semaphore_mem>>) src(%dma_wait3A_411 : memref<128x64xf32, #tpu.memory_space<vmem>>) dst(%dma_wait3A_417 : memref<10240x64xf32, #tpu.memory_space<vmem_shared>>)
      %dma_wait3A_418 = arith.constant 0 : i32
      %dma_wait3A_419 = arith.constant 0 : i32
      %dma_wait3A_420 = tpu.memref_slice %arg14[%dma_wait3A_418, %dma_wait3A_419] : memref<159x128xi32, #tpu.memory_space<vmem>> -> memref<1x128xi32, #tpu.memory_space<vmem>>
      %dma_wait3A_421 = tpu.memref_squeeze %dma_wait3A_420 : memref<1x128xi32, #tpu.memory_space<vmem>> -> memref<128xi32, #tpu.memory_space<vmem>>
      %dma_wait3A_422 = arith.constant 0 : i32
      %dma_wait3A_423 = tpu.memref_slice %arg12[%dma_wait3A_422] : memref<10240xf32, #tpu.memory_space<vmem_shared>> -> memref<10240xf32, #tpu.memory_space<vmem_shared>>
      tpu.wait_indirect_dma semaphore(%arg31 : memref<!tpu.dma_semaphore, #tpu.memory_space<semaphore_mem>>) src(%arg20 : memref<128xf32, #tpu.memory_space<vmem>>) dst(%dma_wait3A_423 : memref<10240xf32, #tpu.memory_space<vmem_shared>>)
      %dma_wait3A_424 = arith.constant 0 : i32
      %dma_wait3A_425 = arith.constant 0 : i32
      %dma_wait3A_426 = arith.constant 0 : i32
      %dma_wait3A_427 = tpu.memref_slice %arg16[%dma_wait3A_425, %dma_wait3A_426] : memref<128x64xf32, #tpu.memory_space<vmem>> -> memref<128x64xf32, #tpu.memory_space<vmem>>
      %dma_wait3A_428 = arith.constant 0 : i32
      %dma_wait3A_429 = tpu.memref_slice %arg14[%dma_wait3A_424, %dma_wait3A_428] : memref<159x128xi32, #tpu.memory_space<vmem>> -> memref<1x128xi32, #tpu.memory_space<vmem>>
      %dma_wait3A_430 = tpu.memref_squeeze %dma_wait3A_429 : memref<1x128xi32, #tpu.memory_space<vmem>> -> memref<128xi32, #tpu.memory_space<vmem>>
      %dma_wait3A_431 = arith.constant 0 : i32
      %dma_wait3A_432 = arith.constant 0 : i32
      %dma_wait3A_433 = tpu.memref_slice %arg11[%dma_wait3A_431, %dma_wait3A_432] : memref<10240x64xf32, #tpu.memory_space<vmem_shared>> -> memref<10240x64xf32, #tpu.memory_space<vmem_shared>>
      tpu.wait_indirect_dma semaphore(%arg32 : memref<!tpu.dma_semaphore, #tpu.memory_space<semaphore_mem>>) src(%dma_wait3A_427 : memref<128x64xf32, #tpu.memory_space<vmem>>) dst(%dma_wait3A_433 : memref<10240x64xf32, #tpu.memory_space<vmem_shared>>)
      %dma_wait3A_434 = arith.constant 0 : i32
      %dma_wait3A_435 = arith.constant 0 : i32
      %dma_wait3A_436 = tpu.memref_slice %arg14[%dma_wait3A_434, %dma_wait3A_435] : memref<159x128xi32, #tpu.memory_space<vmem>> -> memref<1x128xi32, #tpu.memory_space<vmem>>
      %dma_wait3A_437 = tpu.memref_squeeze %dma_wait3A_436 : memref<1x128xi32, #tpu.memory_space<vmem>> -> memref<128xi32, #tpu.memory_space<vmem>>
      %dma_wait3A_438 = arith.constant 0 : i32
      %dma_wait3A_439 = tpu.memref_slice %arg12[%dma_wait3A_438] : memref<10240xf32, #tpu.memory_space<vmem_shared>> -> memref<10240xf32, #tpu.memory_space<vmem_shared>>
      tpu.wait_indirect_dma semaphore(%arg32 : memref<!tpu.dma_semaphore, #tpu.memory_space<semaphore_mem>>) src(%arg21 : memref<128xf32, #tpu.memory_space<vmem>>) dst(%dma_wait3A_439 : memref<10240xf32, #tpu.memory_space<vmem_shared>>)
      %dma_wait3A_440 = arith.constant 0 : i32
      %dma_wait3A_441 = arith.constant 0 : i32
      %dma_wait3A_442 = arith.constant 0 : i32
      %dma_wait3A_443 = tpu.memref_slice %arg17[%dma_wait3A_441, %dma_wait3A_442] : memref<128x64xf32, #tpu.memory_space<vmem>> -> memref<128x64xf32, #tpu.memory_space<vmem>>
      %dma_wait3A_444 = arith.constant 0 : i32
      %dma_wait3A_445 = tpu.memref_slice %arg14[%dma_wait3A_440, %dma_wait3A_444] : memref<159x128xi32, #tpu.memory_space<vmem>> -> memref<1x128xi32, #tpu.memory_space<vmem>>
      %dma_wait3A_446 = tpu.memref_squeeze %dma_wait3A_445 : memref<1x128xi32, #tpu.memory_space<vmem>> -> memref<128xi32, #tpu.memory_space<vmem>>
      %dma_wait3A_447 = arith.constant 0 : i32
      %dma_wait3A_448 = arith.constant 0 : i32
      %dma_wait3A_449 = tpu.memref_slice %arg11[%dma_wait3A_447, %dma_wait3A_448] : memref<10240x64xf32, #tpu.memory_space<vmem_shared>> -> memref<10240x64xf32, #tpu.memory_space<vmem_shared>>
      tpu.wait_indirect_dma semaphore(%arg33 : memref<!tpu.dma_semaphore, #tpu.memory_space<semaphore_mem>>) src(%dma_wait3A_443 : memref<128x64xf32, #tpu.memory_space<vmem>>) dst(%dma_wait3A_449 : memref<10240x64xf32, #tpu.memory_space<vmem_shared>>)
      %dma_wait3A_450 = arith.constant 0 : i32
      %dma_wait3A_451 = arith.constant 0 : i32
      %dma_wait3A_452 = tpu.memref_slice %arg14[%dma_wait3A_450, %dma_wait3A_451] : memref<159x128xi32, #tpu.memory_space<vmem>> -> memref<1x128xi32, #tpu.memory_space<vmem>>
      %dma_wait3A_453 = tpu.memref_squeeze %dma_wait3A_452 : memref<1x128xi32, #tpu.memory_space<vmem>> -> memref<128xi32, #tpu.memory_space<vmem>>
      %dma_wait3A_454 = arith.constant 0 : i32
      %dma_wait3A_455 = tpu.memref_slice %arg12[%dma_wait3A_454] : memref<10240xf32, #tpu.memory_space<vmem_shared>> -> memref<10240xf32, #tpu.memory_space<vmem_shared>>
      tpu.wait_indirect_dma semaphore(%arg33 : memref<!tpu.dma_semaphore, #tpu.memory_space<semaphore_mem>>) src(%arg22 : memref<128xf32, #tpu.memory_space<vmem>>) dst(%dma_wait3A_455 : memref<10240xf32, #tpu.memory_space<vmem_shared>>)
      %barrier3A_456 = arith.constant 0 : index
      tpu.barrier barrier_id(%barrier3A_456)
      %scan3A_457 = arith.constant 0 : i32
      %scan3A_458 = arith.constant 5 : i32
      %scan3A_459 = arith.addi %scan3A_457, %scan3A_458 : i32
      %scan3A_460 = arith.constant 1 : i32
      scf.for %scan3A_463 = %scan3A_457 to %scan3A_459 step %scan3A_460  : i32 {
        %mul3A_464 = arith.constant 1 : i32
        %mul3A_465 = arith.muli %scan3A_463, %mul3A_464 : i32
        %add3A_466 = arith.constant 0 : i32
        %add3A_467 = arith.addi %add3A_466, %mul3A_465 : i32
        %mul3A_468 = arith.constant 128 : i32
        %mul3A_469 = arith.muli %add3A_467, %mul3A_468 : i32
        %add3A_470 = arith.addi %mul3A_0, %mul3A_469 : i32
        %mul3A_471 = arith.constant 10240 : i32
        %mul3A_472 = arith.muli %arg0, %mul3A_471 : i32
        %add3A_473 = arith.addi %mul3A_472, %add3A_470 : i32
        "tpu.region"() ({
          %run_scoped3A = tpu.sem_alloc : memref<!tpu.dma_semaphore, #tpu.memory_space<semaphore_mem>>
          %dma_start3A_667 = arith.constant 0 : i32
          %dma_start3A_668 = tpu.memref_slice %arg11[%add3A_470, %dma_start3A_667] : memref<10240x64xf32, #tpu.memory_space<vmem_shared>> -> memref<128x64xf32, #tpu.memory_space<vmem_shared>>
          %dma_start3A_669 = arith.constant 0 : i32
          %dma_start3A_670 = tpu.memref_slice %arg11[%add3A_470, %dma_start3A_669] : memref<10240x64xf32, #tpu.memory_space<vmem_shared>> -> memref<128x64xf32, #tpu.memory_space<vmem_shared>>
          tpu.enqueue_dma source(%dma_start3A_670 : memref<128x64xf32, #tpu.memory_space<vmem_shared>>) target(%arg15 : memref<128x64xf32, #tpu.memory_space<vmem>>) target_semaphore(%run_scoped3A : memref<!tpu.dma_semaphore, #tpu.memory_space<semaphore_mem>>)
          %dma_wait3A_671 = arith.constant 0 : i32
          %dma_wait3A_672 = tpu.memref_slice %arg11[%add3A_470, %dma_wait3A_671] : memref<10240x64xf32, #tpu.memory_space<vmem_shared>> -> memref<128x64xf32, #tpu.memory_space<vmem_shared>>
          %dma_wait3A_673 = arith.constant 0 : i32
          %dma_wait3A_674 = tpu.memref_slice %arg11[%add3A_470, %dma_wait3A_673] : memref<10240x64xf32, #tpu.memory_space<vmem_shared>> -> memref<128x64xf32, #tpu.memory_space<vmem_shared>>
          tpu.wait_dma2 semaphore(%run_scoped3A : memref<!tpu.dma_semaphore, #tpu.memory_space<semaphore_mem>>) src(%dma_wait3A_674 : memref<128x64xf32, #tpu.memory_space<vmem_shared>>) dst(%arg15 : memref<128x64xf32, #tpu.memory_space<vmem>>)
          tpu.yield
        }) : () -> ()
        "tpu.region"() ({
          %run_scoped3A = tpu.sem_alloc : memref<!tpu.dma_semaphore, #tpu.memory_space<semaphore_mem>>
          %dma_start3A_667 = arith.constant 0 : i32
          %dma_start3A_668 = tpu.memref_slice %arg11[%add3A_470, %dma_start3A_667] : memref<10240x64xf32, #tpu.memory_space<vmem_shared>> -> memref<128x64xf32, #tpu.memory_space<vmem_shared>>
          %dma_start3A_669 = arith.constant 0 : i32
          %dma_start3A_670 = tpu.memref_slice %arg11[%add3A_470, %dma_start3A_669] : memref<10240x64xf32, #tpu.memory_space<vmem_shared>> -> memref<128x64xf32, #tpu.memory_space<vmem_shared>>
          tpu.enqueue_dma source(%arg19 : memref<128x64xf32, #tpu.memory_space<vmem>>) target(%dma_start3A_670 : memref<128x64xf32, #tpu.memory_space<vmem_shared>>) target_semaphore(%run_scoped3A : memref<!tpu.dma_semaphore, #tpu.memory_space<semaphore_mem>>)
          %dma_wait3A_671 = arith.constant 0 : i32
          %dma_wait3A_672 = tpu.memref_slice %arg11[%add3A_470, %dma_wait3A_671] : memref<10240x64xf32, #tpu.memory_space<vmem_shared>> -> memref<128x64xf32, #tpu.memory_space<vmem_shared>>
          %dma_wait3A_673 = arith.constant 0 : i32
          %dma_wait3A_674 = tpu.memref_slice %arg11[%add3A_470, %dma_wait3A_673] : memref<10240x64xf32, #tpu.memory_space<vmem_shared>> -> memref<128x64xf32, #tpu.memory_space<vmem_shared>>
          tpu.wait_dma2 semaphore(%run_scoped3A : memref<!tpu.dma_semaphore, #tpu.memory_space<semaphore_mem>>) src(%arg19 : memref<128x64xf32, #tpu.memory_space<vmem>>) dst(%dma_wait3A_674 : memref<128x64xf32, #tpu.memory_space<vmem_shared>>)
          tpu.yield
        }) : () -> ()
        "tpu.region"() ({
          %run_scoped3A = tpu.sem_alloc : memref<!tpu.dma_semaphore, #tpu.memory_space<semaphore_mem>>
          %dma_start3A_667 = tpu.memref_slice %arg12[%add3A_470] : memref<10240xf32, #tpu.memory_space<vmem_shared>> -> memref<128xf32, #tpu.memory_space<vmem_shared>>
          %dma_start3A_668 = tpu.memref_slice %arg12[%add3A_470] : memref<10240xf32, #tpu.memory_space<vmem_shared>> -> memref<128xf32, #tpu.memory_space<vmem_shared>>
          tpu.enqueue_dma source(%dma_start3A_668 : memref<128xf32, #tpu.memory_space<vmem_shared>>) target(%arg23 : memref<128xf32, #tpu.memory_space<vmem>>) target_semaphore(%run_scoped3A : memref<!tpu.dma_semaphore, #tpu.memory_space<semaphore_mem>>)
          %dma_wait3A_669 = tpu.memref_slice %arg12[%add3A_470] : memref<10240xf32, #tpu.memory_space<vmem_shared>> -> memref<128xf32, #tpu.memory_space<vmem_shared>>
          %dma_wait3A_670 = tpu.memref_slice %arg12[%add3A_470] : memref<10240xf32, #tpu.memory_space<vmem_shared>> -> memref<128xf32, #tpu.memory_space<vmem_shared>>
          tpu.wait_dma2 semaphore(%run_scoped3A : memref<!tpu.dma_semaphore, #tpu.memory_space<semaphore_mem>>) src(%dma_wait3A_670 : memref<128xf32, #tpu.memory_space<vmem_shared>>) dst(%arg23 : memref<128xf32, #tpu.memory_space<vmem>>)
          tpu.yield
        }) : () -> ()
        "tpu.region"() ({
          %run_scoped3A = tpu.sem_alloc : memref<!tpu.dma_semaphore, #tpu.memory_space<semaphore_mem>>
          %dma_start3A_667 = tpu.memref_slice %arg12[%add3A_470] : memref<10240xf32, #tpu.memory_space<vmem_shared>> -> memref<128xf32, #tpu.memory_space<vmem_shared>>
          %dma_start3A_668 = tpu.memref_slice %arg12[%add3A_470] : memref<10240xf32, #tpu.memory_space<vmem_shared>> -> memref<128xf32, #tpu.memory_space<vmem_shared>>
          tpu.enqueue_dma source(%arg26 : memref<128xf32, #tpu.memory_space<vmem>>) target(%dma_start3A_668 : memref<128xf32, #tpu.memory_space<vmem_shared>>) target_semaphore(%run_scoped3A : memref<!tpu.dma_semaphore, #tpu.memory_space<semaphore_mem>>)
          %dma_wait3A_669 = tpu.memref_slice %arg12[%add3A_470] : memref<10240xf32, #tpu.memory_space<vmem_shared>> -> memref<128xf32, #tpu.memory_space<vmem_shared>>
          %dma_wait3A_670 = tpu.memref_slice %arg12[%add3A_470] : memref<10240xf32, #tpu.memory_space<vmem_shared>> -> memref<128xf32, #tpu.memory_space<vmem_shared>>
          tpu.wait_dma2 semaphore(%run_scoped3A : memref<!tpu.dma_semaphore, #tpu.memory_space<semaphore_mem>>) src(%arg26 : memref<128xf32, #tpu.memory_space<vmem>>) dst(%dma_wait3A_670 : memref<128xf32, #tpu.memory_space<vmem_shared>>)
          tpu.yield
        }) : () -> ()
        "tpu.region"() ({
          %run_scoped3A = tpu.sem_alloc : memref<!tpu.dma_semaphore, #tpu.memory_space<semaphore_mem>>
          %dma_start3A_667 = arith.constant 0 : i32
          %dma_start3A_668 = tpu.memref_slice %arg8[%add3A_473, %dma_start3A_667] : memref<20480x64xf32, #tpu.memory_space<hbm>> -> memref<128x64xf32, #tpu.memory_space<hbm>>
          %dma_start3A_669 = arith.constant 0 : i32
          %dma_start3A_670 = tpu.memref_slice %arg8[%add3A_473, %dma_start3A_669] : memref<20480x64xf32, #tpu.memory_space<hbm>> -> memref<128x64xf32, #tpu.memory_space<hbm>>
          tpu.enqueue_dma source(%dma_start3A_670 : memref<128x64xf32, #tpu.memory_space<hbm>>) target(%arg18 : memref<128x64xf32, #tpu.memory_space<vmem>>) target_semaphore(%run_scoped3A : memref<!tpu.dma_semaphore, #tpu.memory_space<semaphore_mem>>)
          %dma_wait3A_671 = arith.constant 0 : i32
          %dma_wait3A_672 = tpu.memref_slice %arg8[%add3A_473, %dma_wait3A_671] : memref<20480x64xf32, #tpu.memory_space<hbm>> -> memref<128x64xf32, #tpu.memory_space<hbm>>
          %dma_wait3A_673 = arith.constant 0 : i32
          %dma_wait3A_674 = tpu.memref_slice %arg8[%add3A_473, %dma_wait3A_673] : memref<20480x64xf32, #tpu.memory_space<hbm>> -> memref<128x64xf32, #tpu.memory_space<hbm>>
          tpu.wait_dma2 semaphore(%run_scoped3A : memref<!tpu.dma_semaphore, #tpu.memory_space<semaphore_mem>>) src(%dma_wait3A_674 : memref<128x64xf32, #tpu.memory_space<hbm>>) dst(%arg18 : memref<128x64xf32, #tpu.memory_space<vmem>>)
          tpu.yield
        }) : () -> ()
        %mul3A_474 = arith.constant 128 : i32
        %mul3A_475 = arith.muli %add3A_467, %mul3A_474 : i32
        %add3A_476 = arith.constant 0 : i32
        %add3A_477 = arith.addi %mul3A_475, %add3A_476 : i32
        %get3A = arith.index_cast %add3A_477 : i32 to index
        %get3A_478 = tpu.vector_load %arg27[%get3A] {strides = array<i32>} : memref<640xf32, #tpu.memory_space<vmem>>, vector<16xf32>,
        %get3A_479 = arith.constant 0 : index
        %get3A_480 = tpu.vector_load %arg23[%get3A_479] {strides = array<i32>} : memref<128xf32, #tpu.memory_space<vmem>>, vector<16xf32>,
        %mul3A_481 = arith.mulf %get3A_478, %get3A_480 : vector<16xf32>
        %neg3A = arith.constant 0.000000e+00 : f32
        %neg3A_482 = vector.broadcast %neg3A : f32 to vector<16xf32>
        %neg3A_483 = arith.subf %neg3A_482, %mul3A_481 : vector<16xf32>
        %exp3A = math.exp %neg3A_483 : vector<16xf32>
        %add3A_484 = arith.constant 1.000000e+00 : f32
        %add3A_485 = vector.broadcast %add3A_484 : f32 to vector<16xf32>
        %add3A_486 = arith.addf %add3A_485, %exp3A : vector<16xf32>
        %div3A = arith.constant 1.000000e+00 : f32
        %div3A_487 = vector.broadcast %div3A : f32 to vector<16xf32>
        %div3A_488 = arith.divf %div3A_487, %add3A_486 : vector<16xf32>
        %swap3A_489 = arith.constant 0 : index
        %swap3A_490 = tpu.vector_load %arg25[%swap3A_489] {strides = array<i32>} : memref<128xf32, #tpu.memory_space<vmem>>, vector<16xf32>,
        tpu.vector_store %arg25[%swap3A_489], %div3A_488 {strides = array<i32>} : memref<128xf32, #tpu.memory_space<vmem>>, vector<16xf32>,
        %mul3A_491 = arith.mulf %get3A_478, %mul3A_481 : vector<16xf32>
        %swap3A_492 = arith.constant 0 : index
        %swap3A_493 = tpu.vector_load %arg24[%swap3A_492] {strides = array<i32>} : memref<128xf32, #tpu.memory_space<vmem>>, vector<16xf32>,
        tpu.vector_store %arg24[%swap3A_492], %mul3A_491 {strides = array<i32>} : memref<128xf32, #tpu.memory_space<vmem>>, vector<16xf32>,
        %mul3A_494 = arith.constant 128 : i32
        %mul3A_495 = arith.muli %add3A_467, %mul3A_494 : i32
        %add3A_496 = arith.constant 16 : i32
        %add3A_497 = arith.addi %mul3A_495, %add3A_496 : i32
        %get3A_498 = arith.index_cast %add3A_497 : i32 to index
        %get3A_499 = tpu.vector_load %arg27[%get3A_498] {strides = array<i32>} : memref<640xf32, #tpu.memory_space<vmem>>, vector<16xf32>,
        %get3A_500 = arith.constant 16 : index
        %get3A_501 = tpu.vector_load %arg23[%get3A_500] {strides = array<i32>} : memref<128xf32, #tpu.memory_space<vmem>>, vector<16xf32>,
        %mul3A_502 = arith.mulf %get3A_499, %get3A_501 : vector<16xf32>
        %neg3A_503 = arith.constant 0.000000e+00 : f32
        %neg3A_504 = vector.broadcast %neg3A_503 : f32 to vector<16xf32>
        %neg3A_505 = arith.subf %neg3A_504, %mul3A_502 : vector<16xf32>
        %exp3A_506 = math.exp %neg3A_505 : vector<16xf32>
        %add3A_507 = arith.constant 1.000000e+00 : f32
        %add3A_508 = vector.broadcast %add3A_507 : f32 to vector<16xf32>
        %add3A_509 = arith.addf %add3A_508, %exp3A_506 : vector<16xf32>
        %div3A_510 = arith.constant 1.000000e+00 : f32
        %div3A_511 = vector.broadcast %div3A_510 : f32 to vector<16xf32>
        %div3A_512 = arith.divf %div3A_511, %add3A_509 : vector<16xf32>
        %swap3A_513 = arith.constant 16 : index
        %swap3A_514 = tpu.vector_load %arg25[%swap3A_513] {strides = array<i32>} : memref<128xf32, #tpu.memory_space<vmem>>, vector<16xf32>,
        tpu.vector_store %arg25[%swap3A_513], %div3A_512 {strides = array<i32>} : memref<128xf32, #tpu.memory_space<vmem>>, vector<16xf32>,
        %mul3A_515 = arith.mulf %get3A_499, %mul3A_502 : vector<16xf32>
        %swap3A_516 = arith.constant 16 : index
        %swap3A_517 = tpu.vector_load %arg24[%swap3A_516] {strides = array<i32>} : memref<128xf32, #tpu.memory_space<vmem>>, vector<16xf32>,
        tpu.vector_store %arg24[%swap3A_516], %mul3A_515 {strides = array<i32>} : memref<128xf32, #tpu.memory_space<vmem>>, vector<16xf32>,
        %mul3A_518 = arith.constant 128 : i32
        %mul3A_519 = arith.muli %add3A_467, %mul3A_518 : i32
        %add3A_520 = arith.constant 32 : i32
        %add3A_521 = arith.addi %mul3A_519, %add3A_520 : i32
        %get3A_522 = arith.index_cast %add3A_521 : i32 to index
        %get3A_523 = tpu.vector_load %arg27[%get3A_522] {strides = array<i32>} : memref<640xf32, #tpu.memory_space<vmem>>, vector<16xf32>,
        %get3A_524 = arith.constant 32 : index
        %get3A_525 = tpu.vector_load %arg23[%get3A_524] {strides = array<i32>} : memref<128xf32, #tpu.memory_space<vmem>>, vector<16xf32>,
        %mul3A_526 = arith.mulf %get3A_523, %get3A_525 : vector<16xf32>
        %neg3A_527 = arith.constant 0.000000e+00 : f32
        %neg3A_528 = vector.broadcast %neg3A_527 : f32 to vector<16xf32>
        %neg3A_529 = arith.subf %neg3A_528, %mul3A_526 : vector<16xf32>
        %exp3A_530 = math.exp %neg3A_529 : vector<16xf32>
        %add3A_531 = arith.constant 1.000000e+00 : f32
        %add3A_532 = vector.broadcast %add3A_531 : f32 to vector<16xf32>
        %add3A_533 = arith.addf %add3A_532, %exp3A_530 : vector<16xf32>
        %div3A_534 = arith.constant 1.000000e+00 : f32
        %div3A_535 = vector.broadcast %div3A_534 : f32 to vector<16xf32>
        %div3A_536 = arith.divf %div3A_535, %add3A_533 : vector<16xf32>
        %swap3A_537 = arith.constant 32 : index
        %swap3A_538 = tpu.vector_load %arg25[%swap3A_537] {strides = array<i32>} : memref<128xf32, #tpu.memory_space<vmem>>, vector<16xf32>,
        tpu.vector_store %arg25[%swap3A_537], %div3A_536 {strides = array<i32>} : memref<128xf32, #tpu.memory_space<vmem>>, vector<16xf32>,
        %mul3A_539 = arith.mulf %get3A_523, %mul3A_526 : vector<16xf32>
        %swap3A_540 = arith.constant 32 : index
        %swap3A_541 = tpu.vector_load %arg24[%swap3A_540] {strides = array<i32>} : memref<128xf32, #tpu.memory_space<vmem>>, vector<16xf32>,
        tpu.vector_store %arg24[%swap3A_540], %mul3A_539 {strides = array<i32>} : memref<128xf32, #tpu.memory_space<vmem>>, vector<16xf32>,
        %mul3A_542 = arith.constant 128 : i32
        %mul3A_543 = arith.muli %add3A_467, %mul3A_542 : i32
        %add3A_544 = arith.constant 48 : i32
        %add3A_545 = arith.addi %mul3A_543, %add3A_544 : i32
        %get3A_546 = arith.index_cast %add3A_545 : i32 to index
        %get3A_547 = tpu.vector_load %arg27[%get3A_546] {strides = array<i32>} : memref<640xf32, #tpu.memory_space<vmem>>, vector<16xf32>,
        %get3A_548 = arith.constant 48 : index
        %get3A_549 = tpu.vector_load %arg23[%get3A_548] {strides = array<i32>} : memref<128xf32, #tpu.memory_space<vmem>>, vector<16xf32>,
        %mul3A_550 = arith.mulf %get3A_547, %get3A_549 : vector<16xf32>
        %neg3A_551 = arith.constant 0.000000e+00 : f32
        %neg3A_552 = vector.broadcast %neg3A_551 : f32 to vector<16xf32>
        %neg3A_553 = arith.subf %neg3A_552, %mul3A_550 : vector<16xf32>
        %exp3A_554 = math.exp %neg3A_553 : vector<16xf32>
        %add3A_555 = arith.constant 1.000000e+00 : f32
        %add3A_556 = vector.broadcast %add3A_555 : f32 to vector<16xf32>
        %add3A_557 = arith.addf %add3A_556, %exp3A_554 : vector<16xf32>
        %div3A_558 = arith.constant 1.000000e+00 : f32
        %div3A_559 = vector.broadcast %div3A_558 : f32 to vector<16xf32>
        %div3A_560 = arith.divf %div3A_559, %add3A_557 : vector<16xf32>
        %swap3A_561 = arith.constant 48 : index
        %swap3A_562 = tpu.vector_load %arg25[%swap3A_561] {strides = array<i32>} : memref<128xf32, #tpu.memory_space<vmem>>, vector<16xf32>,
        tpu.vector_store %arg25[%swap3A_561], %div3A_560 {strides = array<i32>} : memref<128xf32, #tpu.memory_space<vmem>>, vector<16xf32>,
        %mul3A_563 = arith.mulf %get3A_547, %mul3A_550 : vector<16xf32>
        %swap3A_564 = arith.constant 48 : index
        %swap3A_565 = tpu.vector_load %arg24[%swap3A_564] {strides = array<i32>} : memref<128xf32, #tpu.memory_space<vmem>>, vector<16xf32>,
        tpu.vector_store %arg24[%swap3A_564], %mul3A_563 {strides = array<i32>} : memref<128xf32, #tpu.memory_space<vmem>>, vector<16xf32>,
        %mul3A_566 = arith.constant 128 : i32
        %mul3A_567 = arith.muli %add3A_467, %mul3A_566 : i32
        %add3A_568 = arith.constant 64 : i32
        %add3A_569 = arith.addi %mul3A_567, %add3A_568 : i32
        %get3A_570 = arith.index_cast %add3A_569 : i32 to index
        %get3A_571 = tpu.vector_load %arg27[%get3A_570] {strides = array<i32>} : memref<640xf32, #tpu.memory_space<vmem>>, vector<16xf32>,
        %get3A_572 = arith.constant 64 : index
        %get3A_573 = tpu.vector_load %arg23[%get3A_572] {strides = array<i32>} : memref<128xf32, #tpu.memory_space<vmem>>, vector<16xf32>,
        %mul3A_574 = arith.mulf %get3A_571, %get3A_573 : vector<16xf32>
        %neg3A_575 = arith.constant 0.000000e+00 : f32
        %neg3A_576 = vector.broadcast %neg3A_575 : f32 to vector<16xf32>
        %neg3A_577 = arith.subf %neg3A_576, %mul3A_574 : vector<16xf32>
        %exp3A_578 = math.exp %neg3A_577 : vector<16xf32>
        %add3A_579 = arith.constant 1.000000e+00 : f32
        %add3A_580 = vector.broadcast %add3A_579 : f32 to vector<16xf32>
        %add3A_581 = arith.addf %add3A_580, %exp3A_578 : vector<16xf32>
        %div3A_582 = arith.constant 1.000000e+00 : f32
        %div3A_583 = vector.broadcast %div3A_582 : f32 to vector<16xf32>
        %div3A_584 = arith.divf %div3A_583, %add3A_581 : vector<16xf32>
        %swap3A_585 = arith.constant 64 : index
        %swap3A_586 = tpu.vector_load %arg25[%swap3A_585] {strides = array<i32>} : memref<128xf32, #tpu.memory_space<vmem>>, vector<16xf32>,
        tpu.vector_store %arg25[%swap3A_585], %div3A_584 {strides = array<i32>} : memref<128xf32, #tpu.memory_space<vmem>>, vector<16xf32>,
        %mul3A_587 = arith.mulf %get3A_571, %mul3A_574 : vector<16xf32>
        %swap3A_588 = arith.constant 64 : index
        %swap3A_589 = tpu.vector_load %arg24[%swap3A_588] {strides = array<i32>} : memref<128xf32, #tpu.memory_space<vmem>>, vector<16xf32>,
        tpu.vector_store %arg24[%swap3A_588], %mul3A_587 {strides = array<i32>} : memref<128xf32, #tpu.memory_space<vmem>>, vector<16xf32>,
        %mul3A_590 = arith.constant 128 : i32
        %mul3A_591 = arith.muli %add3A_467, %mul3A_590 : i32
        %add3A_592 = arith.constant 80 : i32
        %add3A_593 = arith.addi %mul3A_591, %add3A_592 : i32
        %get3A_594 = arith.index_cast %add3A_593 : i32 to index
        %get3A_595 = tpu.vector_load %arg27[%get3A_594] {strides = array<i32>} : memref<640xf32, #tpu.memory_space<vmem>>, vector<16xf32>,
        %get3A_596 = arith.constant 80 : index
        %get3A_597 = tpu.vector_load %arg23[%get3A_596] {strides = array<i32>} : memref<128xf32, #tpu.memory_space<vmem>>, vector<16xf32>,
        %mul3A_598 = arith.mulf %get3A_595, %get3A_597 : vector<16xf32>
        %neg3A_599 = arith.constant 0.000000e+00 : f32
        %neg3A_600 = vector.broadcast %neg3A_599 : f32 to vector<16xf32>
        %neg3A_601 = arith.subf %neg3A_600, %mul3A_598 : vector<16xf32>
        %exp3A_602 = math.exp %neg3A_601 : vector<16xf32>
        %add3A_603 = arith.constant 1.000000e+00 : f32
        %add3A_604 = vector.broadcast %add3A_603 : f32 to vector<16xf32>
        %add3A_605 = arith.addf %add3A_604, %exp3A_602 : vector<16xf32>
        %div3A_606 = arith.constant 1.000000e+00 : f32
        %div3A_607 = vector.broadcast %div3A_606 : f32 to vector<16xf32>
        %div3A_608 = arith.divf %div3A_607, %add3A_605 : vector<16xf32>
        %swap3A_609 = arith.constant 80 : index
        %swap3A_610 = tpu.vector_load %arg25[%swap3A_609] {strides = array<i32>} : memref<128xf32, #tpu.memory_space<vmem>>, vector<16xf32>,
        tpu.vector_store %arg25[%swap3A_609], %div3A_608 {strides = array<i32>} : memref<128xf32, #tpu.memory_space<vmem>>, vector<16xf32>,
        %mul3A_611 = arith.mulf %get3A_595, %mul3A_598 : vector<16xf32>
        %swap3A_612 = arith.constant 80 : index
        %swap3A_613 = tpu.vector_load %arg24[%swap3A_612] {strides = array<i32>} : memref<128xf32, #tpu.memory_space<vmem>>, vector<16xf32>,
        tpu.vector_store %arg24[%swap3A_612], %mul3A_611 {strides = array<i32>} : memref<128xf32, #tpu.memory_space<vmem>>, vector<16xf32>,
        %mul3A_614 = arith.constant 128 : i32
        %mul3A_615 = arith.muli %add3A_467, %mul3A_614 : i32
        %add3A_616 = arith.constant 96 : i32
        %add3A_617 = arith.addi %mul3A_615, %add3A_616 : i32
        %get3A_618 = arith.index_cast %add3A_617 : i32 to index
        %get3A_619 = tpu.vector_load %arg27[%get3A_618] {strides = array<i32>} : memref<640xf32, #tpu.memory_space<vmem>>, vector<16xf32>,
        %get3A_620 = arith.constant 96 : index
        %get3A_621 = tpu.vector_load %arg23[%get3A_620] {strides = array<i32>} : memref<128xf32, #tpu.memory_space<vmem>>, vector<16xf32>,
        %mul3A_622 = arith.mulf %get3A_619, %get3A_621 : vector<16xf32>
        %neg3A_623 = arith.constant 0.000000e+00 : f32
        %neg3A_624 = vector.broadcast %neg3A_623 : f32 to vector<16xf32>
        %neg3A_625 = arith.subf %neg3A_624, %mul3A_622 : vector<16xf32>
        %exp3A_626 = math.exp %neg3A_625 : vector<16xf32>
        %add3A_627 = arith.constant 1.000000e+00 : f32
        %add3A_628 = vector.broadcast %add3A_627 : f32 to vector<16xf32>
        %add3A_629 = arith.addf %add3A_628, %exp3A_626 : vector<16xf32>
        %div3A_630 = arith.constant 1.000000e+00 : f32
        %div3A_631 = vector.broadcast %div3A_630 : f32 to vector<16xf32>
        %div3A_632 = arith.divf %div3A_631, %add3A_629 : vector<16xf32>
        %swap3A_633 = arith.constant 96 : index
        %swap3A_634 = tpu.vector_load %arg25[%swap3A_633] {strides = array<i32>} : memref<128xf32, #tpu.memory_space<vmem>>, vector<16xf32>,
        tpu.vector_store %arg25[%swap3A_633], %div3A_632 {strides = array<i32>} : memref<128xf32, #tpu.memory_space<vmem>>, vector<16xf32>,
        %mul3A_635 = arith.mulf %get3A_619, %mul3A_622 : vector<16xf32>
        %swap3A_636 = arith.constant 96 : index
        %swap3A_637 = tpu.vector_load %arg24[%swap3A_636] {strides = array<i32>} : memref<128xf32, #tpu.memory_space<vmem>>, vector<16xf32>,
        tpu.vector_store %arg24[%swap3A_636], %mul3A_635 {strides = array<i32>} : memref<128xf32, #tpu.memory_space<vmem>>, vector<16xf32>,
        %mul3A_638 = arith.constant 128 : i32
        %mul3A_639 = arith.muli %add3A_467, %mul3A_638 : i32
        %add3A_640 = arith.constant 112 : i32
        %add3A_641 = arith.addi %mul3A_639, %add3A_640 : i32
        %get3A_642 = arith.index_cast %add3A_641 : i32 to index
        %get3A_643 = tpu.vector_load %arg27[%get3A_642] {strides = array<i32>} : memref<640xf32, #tpu.memory_space<vmem>>, vector<16xf32>,
        %get3A_644 = arith.constant 112 : index
        %get3A_645 = tpu.vector_load %arg23[%get3A_644] {strides = array<i32>} : memref<128xf32, #tpu.memory_space<vmem>>, vector<16xf32>,
        %mul3A_646 = arith.mulf %get3A_643, %get3A_645 : vector<16xf32>
        %neg3A_647 = arith.constant 0.000000e+00 : f32
        %neg3A_648 = vector.broadcast %neg3A_647 : f32 to vector<16xf32>
        %neg3A_649 = arith.subf %neg3A_648, %mul3A_646 : vector<16xf32>
        %exp3A_650 = math.exp %neg3A_649 : vector<16xf32>
        %add3A_651 = arith.constant 1.000000e+00 : f32
        %add3A_652 = vector.broadcast %add3A_651 : f32 to vector<16xf32>
        %add3A_653 = arith.addf %add3A_652, %exp3A_650 : vector<16xf32>
        %div3A_654 = arith.constant 1.000000e+00 : f32
        %div3A_655 = vector.broadcast %div3A_654 : f32 to vector<16xf32>
        %div3A_656 = arith.divf %div3A_655, %add3A_653 : vector<16xf32>
        %swap3A_657 = arith.constant 112 : index
        %swap3A_658 = tpu.vector_load %arg25[%swap3A_657] {strides = array<i32>} : memref<128xf32, #tpu.memory_space<vmem>>, vector<16xf32>,
        tpu.vector_store %arg25[%swap3A_657], %div3A_656 {strides = array<i32>} : memref<128xf32, #tpu.memory_space<vmem>>, vector<16xf32>,
        %mul3A_659 = arith.mulf %get3A_643, %mul3A_646 : vector<16xf32>
        %swap3A_660 = arith.constant 112 : index
        %swap3A_661 = tpu.vector_load %arg24[%swap3A_660] {strides = array<i32>} : memref<128xf32, #tpu.memory_space<vmem>>, vector<16xf32>,
        tpu.vector_store %arg24[%swap3A_660], %mul3A_659 {strides = array<i32>} : memref<128xf32, #tpu.memory_space<vmem>>, vector<16xf32>,
        "tpu.region"() ({
          %run_scoped3A = tpu.sem_alloc : memref<!tpu.dma_semaphore, #tpu.memory_space<semaphore_mem>>
          %dma_start3A_667 = tpu.memref_slice %arg10[%add3A_473] : memref<20480xf32, #tpu.memory_space<hbm>> -> memref<128xf32, #tpu.memory_space<hbm>>
          %dma_start3A_668 = tpu.memref_slice %arg10[%add3A_473] : memref<20480xf32, #tpu.memory_space<hbm>> -> memref<128xf32, #tpu.memory_space<hbm>>
          tpu.enqueue_dma source(%arg24 : memref<128xf32, #tpu.memory_space<vmem>>) target(%dma_start3A_668 : memref<128xf32, #tpu.memory_space<hbm>>) target_semaphore(%run_scoped3A : memref<!tpu.dma_semaphore, #tpu.memory_space<semaphore_mem>>)
          %dma_wait3A_669 = tpu.memref_slice %arg10[%add3A_473] : memref<20480xf32, #tpu.memory_space<hbm>> -> memref<128xf32, #tpu.memory_space<hbm>>
          %dma_wait3A_670 = tpu.memref_slice %arg10[%add3A_473] : memref<20480xf32, #tpu.memory_space<hbm>> -> memref<128xf32, #tpu.memory_space<hbm>>
          tpu.wait_dma2 semaphore(%run_scoped3A : memref<!tpu.dma_semaphore, #tpu.memory_space<semaphore_mem>>) src(%arg24 : memref<128xf32, #tpu.memory_space<vmem>>) dst(%dma_wait3A_670 : memref<128xf32, #tpu.memory_space<hbm>>)
          tpu.yield
        }) : () -> ()
        %scan3A_662 = arith.constant 0 : i32
        %scan3A_663 = arith.constant 128 : i32
        %scan3A_664 = arith.addi %scan3A_662, %scan3A_663 : i32
        %scan3A_665 = arith.constant 1 : i32
        scf.for %scan3A_667 = %scan3A_662 to %scan3A_664 step %scan3A_665  : i32 {
          %mul3A_668 = arith.constant 1 : i32
          %mul3A_669 = arith.muli %scan3A_667, %mul3A_668 : i32
          %add3A_670 = arith.constant 0 : i32
          %add3A_671 = arith.addi %add3A_670, %mul3A_669 : i32
          %mul3A_672 = arith.constant 128 : i32
          %mul3A_673 = arith.muli %add3A_467, %mul3A_672 : i32
          %add3A_674 = arith.addi %mul3A_673, %add3A_671 : i32
          %broadcast_in_dim3A_675 = vector.broadcast %add3A_674 : i32 to vector<16xi32>
          %gather3A = tpu.vector_load_idx %arg27[%broadcast_in_dim3A_675] : memref<640xf32, #tpu.memory_space<vmem>>[vector<16xi32>], vector<16xf32>,
          %broadcast_in_dim3A_676 = vector.broadcast %add3A_671 : i32 to vector<16xi32>
          %gather3A_677 = tpu.vector_load_idx %arg25[%broadcast_in_dim3A_676] : memref<128xf32, #tpu.memory_space<vmem>>[vector<16xi32>], vector<16xf32>,
          %get3A_678 = arith.index_cast %add3A_671 : i32 to index
          %get3A_679 = arith.constant 0 : index
          %get3A_680 = tpu.vector_load %arg15[%get3A_678, %get3A_679] {strides = array<i32>} : memref<128x64xf32, #tpu.memory_space<vmem>>, vector<16xf32>,
          %mul3A_681 = arith.mulf %gather3A, %get3A_680 : vector<16xf32>
          %get3A_682 = arith.index_cast %add3A_671 : i32 to index
          %get3A_683 = arith.constant 0 : index
          %get3A_684 = tpu.vector_load %arg18[%get3A_682, %get3A_683] {strides = array<i32>} : memref<128x64xf32, #tpu.memory_space<vmem>>, vector<16xf32>,
          %mul3A_685 = arith.mulf %gather3A_677, %mul3A_681 : vector<16xf32>
          %add3A_686 = arith.addf %get3A_684, %mul3A_685 : vector<16xf32>
          %swap3A_687 = arith.index_cast %add3A_671 : i32 to index
          %swap3A_688 = arith.constant 0 : index
          %swap3A_689 = tpu.vector_load %arg18[%swap3A_687, %swap3A_688] {strides = array<i32>} : memref<128x64xf32, #tpu.memory_space<vmem>>, vector<16xf32>,
          tpu.vector_store %arg18[%swap3A_687, %swap3A_688], %add3A_686 {strides = array<i32>} : memref<128x64xf32, #tpu.memory_space<vmem>>, vector<16xf32>,
          %mul3A_690 = arith.mulf %gather3A, %mul3A_681 : vector<16xf32>
          %swap3A_691 = arith.index_cast %add3A_671 : i32 to index
          %swap3A_692 = arith.constant 0 : index
          %swap3A_693 = tpu.vector_load %arg16[%swap3A_691, %swap3A_692] {strides = array<i32>} : memref<128x64xf32, #tpu.memory_space<vmem>>, vector<16xf32>,
          tpu.vector_store %arg16[%swap3A_691, %swap3A_692], %mul3A_690 {strides = array<i32>} : memref<128x64xf32, #tpu.memory_space<vmem>>, vector<16xf32>,
          %get3A_694 = arith.index_cast %add3A_671 : i32 to index
          %get3A_695 = arith.constant 16 : index
          %get3A_696 = tpu.vector_load %arg15[%get3A_694, %get3A_695] {strides = array<i32>} : memref<128x64xf32, #tpu.memory_space<vmem>>, vector<16xf32>,
          %mul3A_697 = arith.mulf %gather3A, %get3A_696 : vector<16xf32>
          %get3A_698 = arith.index_cast %add3A_671 : i32 to index
          %get3A_699 = arith.constant 16 : index
          %get3A_700 = tpu.vector_load %arg18[%get3A_698, %get3A_699] {strides = array<i32>} : memref<128x64xf32, #tpu.memory_space<vmem>>, vector<16xf32>,
          %mul3A_701 = arith.mulf %gather3A_677, %mul3A_697 : vector<16xf32>
          %add3A_702 = arith.addf %get3A_700, %mul3A_701 : vector<16xf32>
          %swap3A_703 = arith.index_cast %add3A_671 : i32 to index
          %swap3A_704 = arith.constant 16 : index
          %swap3A_705 = tpu.vector_load %arg18[%swap3A_703, %swap3A_704] {strides = array<i32>} : memref<128x64xf32, #tpu.memory_space<vmem>>, vector<16xf32>,
          tpu.vector_store %arg18[%swap3A_703, %swap3A_704], %add3A_702 {strides = array<i32>} : memref<128x64xf32, #tpu.memory_space<vmem>>, vector<16xf32>,
          %mul3A_706 = arith.mulf %gather3A, %mul3A_697 : vector<16xf32>
          %swap3A_707 = arith.index_cast %add3A_671 : i32 to index
          %swap3A_708 = arith.constant 16 : index
          %swap3A_709 = tpu.vector_load %arg16[%swap3A_707, %swap3A_708] {strides = array<i32>} : memref<128x64xf32, #tpu.memory_space<vmem>>, vector<16xf32>,
          tpu.vector_store %arg16[%swap3A_707, %swap3A_708], %mul3A_706 {strides = array<i32>} : memref<128x64xf32, #tpu.memory_space<vmem>>, vector<16xf32>,
          %get3A_710 = arith.index_cast %add3A_671 : i32 to index
          %get3A_711 = arith.constant 32 : index
          %get3A_712 = tpu.vector_load %arg15[%get3A_710, %get3A_711] {strides = array<i32>} : memref<128x64xf32, #tpu.memory_space<vmem>>, vector<16xf32>,
          %mul3A_713 = arith.mulf %gather3A, %get3A_712 : vector<16xf32>
          %get3A_714 = arith.index_cast %add3A_671 : i32 to index
          %get3A_715 = arith.constant 32 : index
          %get3A_716 = tpu.vector_load %arg18[%get3A_714, %get3A_715] {strides = array<i32>} : memref<128x64xf32, #tpu.memory_space<vmem>>, vector<16xf32>,
          %mul3A_717 = arith.mulf %gather3A_677, %mul3A_713 : vector<16xf32>
          %add3A_718 = arith.addf %get3A_716, %mul3A_717 : vector<16xf32>
          %swap3A_719 = arith.index_cast %add3A_671 : i32 to index
          %swap3A_720 = arith.constant 32 : index
          %swap3A_721 = tpu.vector_load %arg18[%swap3A_719, %swap3A_720] {strides = array<i32>} : memref<128x64xf32, #tpu.memory_space<vmem>>, vector<16xf32>,
          tpu.vector_store %arg18[%swap3A_719, %swap3A_720], %add3A_718 {strides = array<i32>} : memref<128x64xf32, #tpu.memory_space<vmem>>, vector<16xf32>,
          %mul3A_722 = arith.mulf %gather3A, %mul3A_713 : vector<16xf32>
          %swap3A_723 = arith.index_cast %add3A_671 : i32 to index
          %swap3A_724 = arith.constant 32 : index
          %swap3A_725 = tpu.vector_load %arg16[%swap3A_723, %swap3A_724] {strides = array<i32>} : memref<128x64xf32, #tpu.memory_space<vmem>>, vector<16xf32>,
          tpu.vector_store %arg16[%swap3A_723, %swap3A_724], %mul3A_722 {strides = array<i32>} : memref<128x64xf32, #tpu.memory_space<vmem>>, vector<16xf32>,
          %get3A_726 = arith.index_cast %add3A_671 : i32 to index
          %get3A_727 = arith.constant 48 : index
          %get3A_728 = tpu.vector_load %arg15[%get3A_726, %get3A_727] {strides = array<i32>} : memref<128x64xf32, #tpu.memory_space<vmem>>, vector<16xf32>,
          %mul3A_729 = arith.mulf %gather3A, %get3A_728 : vector<16xf32>
          %get3A_730 = arith.index_cast %add3A_671 : i32 to index
          %get3A_731 = arith.constant 48 : index
          %get3A_732 = tpu.vector_load %arg18[%get3A_730, %get3A_731] {strides = array<i32>} : memref<128x64xf32, #tpu.memory_space<vmem>>, vector<16xf32>,
          %mul3A_733 = arith.mulf %gather3A_677, %mul3A_729 : vector<16xf32>
          %add3A_734 = arith.addf %get3A_732, %mul3A_733 : vector<16xf32>
          %swap3A_735 = arith.index_cast %add3A_671 : i32 to index
          %swap3A_736 = arith.constant 48 : index
          %swap3A_737 = tpu.vector_load %arg18[%swap3A_735, %swap3A_736] {strides = array<i32>} : memref<128x64xf32, #tpu.memory_space<vmem>>, vector<16xf32>,
          tpu.vector_store %arg18[%swap3A_735, %swap3A_736], %add3A_734 {strides = array<i32>} : memref<128x64xf32, #tpu.memory_space<vmem>>, vector<16xf32>,
          %mul3A_738 = arith.mulf %gather3A, %mul3A_729 : vector<16xf32>
          %swap3A_739 = arith.index_cast %add3A_671 : i32 to index
          %swap3A_740 = arith.constant 48 : index
          %swap3A_741 = tpu.vector_load %arg16[%swap3A_739, %swap3A_740] {strides = array<i32>} : memref<128x64xf32, #tpu.memory_space<vmem>>, vector<16xf32>,
          tpu.vector_store %arg16[%swap3A_739, %swap3A_740], %mul3A_738 {strides = array<i32>} : memref<128x64xf32, #tpu.memory_space<vmem>>, vector<16xf32>,
        }
        %scan3A_666 = arith.constant 128 : i32
        "tpu.region"() ({
          %run_scoped3A = tpu.sem_alloc : memref<!tpu.dma_semaphore, #tpu.memory_space<semaphore_mem>>
          %dma_start3A_667 = arith.constant 0 : i32
          %dma_start3A_668 = tpu.memref_slice %arg8[%add3A_473, %dma_start3A_667] : memref<20480x64xf32, #tpu.memory_space<hbm>> -> memref<128x64xf32, #tpu.memory_space<hbm>>
          %dma_start3A_669 = arith.constant 0 : i32
          %dma_start3A_670 = tpu.memref_slice %arg8[%add3A_473, %dma_start3A_669] : memref<20480x64xf32, #tpu.memory_space<hbm>> -> memref<128x64xf32, #tpu.memory_space<hbm>>
          tpu.enqueue_dma source(%arg18 : memref<128x64xf32, #tpu.memory_space<vmem>>) target(%dma_start3A_670 : memref<128x64xf32, #tpu.memory_space<hbm>>) target_semaphore(%run_scoped3A : memref<!tpu.dma_semaphore, #tpu.memory_space<semaphore_mem>>)
          %dma_wait3A_671 = arith.constant 0 : i32
          %dma_wait3A_672 = tpu.memref_slice %arg8[%add3A_473, %dma_wait3A_671] : memref<20480x64xf32, #tpu.memory_space<hbm>> -> memref<128x64xf32, #tpu.memory_space<hbm>>
          %dma_wait3A_673 = arith.constant 0 : i32
          %dma_wait3A_674 = tpu.memref_slice %arg8[%add3A_473, %dma_wait3A_673] : memref<20480x64xf32, #tpu.memory_space<hbm>> -> memref<128x64xf32, #tpu.memory_space<hbm>>
          tpu.wait_dma2 semaphore(%run_scoped3A : memref<!tpu.dma_semaphore, #tpu.memory_space<semaphore_mem>>) src(%arg18 : memref<128x64xf32, #tpu.memory_space<vmem>>) dst(%dma_wait3A_674 : memref<128x64xf32, #tpu.memory_space<hbm>>)
          tpu.yield
        }) : () -> ()
        "tpu.region"() ({
          %run_scoped3A = tpu.sem_alloc : memref<!tpu.dma_semaphore, #tpu.memory_space<semaphore_mem>>
          %dma_start3A_667 = arith.constant 0 : i32
          %dma_start3A_668 = tpu.memref_slice %arg9[%add3A_473, %dma_start3A_667] : memref<20480x64xf32, #tpu.memory_space<hbm>> -> memref<128x64xf32, #tpu.memory_space<hbm>>
          %dma_start3A_669 = arith.constant 0 : i32
          %dma_start3A_670 = tpu.memref_slice %arg9[%add3A_473, %dma_start3A_669] : memref<20480x64xf32, #tpu.memory_space<hbm>> -> memref<128x64xf32, #tpu.memory_space<hbm>>
          tpu.enqueue_dma source(%arg16 : memref<128x64xf32, #tpu.memory_space<vmem>>) target(%dma_start3A_670 : memref<128x64xf32, #tpu.memory_space<hbm>>) target_semaphore(%run_scoped3A : memref<!tpu.dma_semaphore, #tpu.memory_space<semaphore_mem>>)
          %dma_wait3A_671 = arith.constant 0 : i32
          %dma_wait3A_672 = tpu.memref_slice %arg9[%add3A_473, %dma_wait3A_671] : memref<20480x64xf32, #tpu.memory_space<hbm>> -> memref<128x64xf32, #tpu.memory_space<hbm>>
          %dma_wait3A_673 = arith.constant 0 : i32
          %dma_wait3A_674 = tpu.memref_slice %arg9[%add3A_473, %dma_wait3A_673] : memref<20480x64xf32, #tpu.memory_space<hbm>> -> memref<128x64xf32, #tpu.memory_space<hbm>>
          tpu.wait_dma2 semaphore(%run_scoped3A : memref<!tpu.dma_semaphore, #tpu.memory_space<semaphore_mem>>) src(%arg16 : memref<128x64xf32, #tpu.memory_space<vmem>>) dst(%dma_wait3A_674 : memref<128x64xf32, #tpu.memory_space<hbm>>)
          tpu.yield
        }) : () -> ()
      }
      %scan3A_461 = arith.constant 5 : i32
      %barrier3A_462 = arith.constant 0 : index
      tpu.barrier barrier_id(%barrier3A_462)
    }
    %scan3A_63 = arith.constant 10 : i32
    return
  }
}

module attributes {stable_mosaic.version = 14 : i64} {
  func.func @_mlp_body(%arg0: i32, %arg1: memref<256x128xf32, #tpu.memory_space<vmem>>, %arg2: memref<256x1xf32, #tpu.memory_space<vmem>>, %arg3: memref<128x256xf32, #tpu.memory_space<vmem>>, %arg4: memref<1x256xf32, #tpu.memory_space<vmem>>, %arg5: memref<256x128xf32, #tpu.memory_space<vmem>>, %arg6: memref<1x128xf32, #tpu.memory_space<vmem>>, %arg7: memref<128x1xf32, #tpu.memory_space<vmem>>, %arg8: memref<256x128xf32, #tpu.memory_space<vmem>>, %arg9: memref<256x128xf32, #tpu.memory_space<vmem>>, %arg10: memref<256x1xf32, #tpu.memory_space<vmem>>, %arg11: memref<256x1xf32, #tpu.memory_space<vmem>>) attributes {dimension_semantics = [#tpu.dimension_semantics<arbitrary>], iteration_bounds = array<i64: 40>, scalar_prefetch = 0 : i64, scratch_operands = 0 : i64, tpu.core_type = #tpu.core_type<tc>, window_params = [{transform_indices = @transform_0, window_bounds = array<i64: 256, 128>}, {transform_indices = @transform_1, window_bounds = array<i64: 256, 1>}, {pipeline_mode = #tpu.pipeline_mode<synchronous>, transform_indices = @transform_2, window_bounds = array<i64: 128, 256>}, {pipeline_mode = #tpu.pipeline_mode<synchronous>, transform_indices = @transform_3, window_bounds = array<i64: 1, 256>}, {pipeline_mode = #tpu.pipeline_mode<synchronous>, transform_indices = @transform_4, window_bounds = array<i64: 256, 128>}, {pipeline_mode = #tpu.pipeline_mode<synchronous>, transform_indices = @transform_5, window_bounds = array<i64: 1, 128>}, {pipeline_mode = #tpu.pipeline_mode<synchronous>, transform_indices = @transform_6, window_bounds = array<i64: 128, 1>}, {transform_indices = @transform_7, window_bounds = array<i64: 256, 128>}, {transform_indices = @transform_8, window_bounds = array<i64: 256, 128>}, {transform_indices = @transform_9, window_bounds = array<i64: 256, 1>}, {transform_indices = @transform_10, window_bounds = array<i64: 256, 1>}]} {
    %get3A = arith.constant 0 : index
    %get3A_0 = arith.constant 0 : index
    %get3A_1 = vector.load %arg1[%get3A, %get3A_0] : memref<256x128xf32, #tpu.memory_space<vmem>>, vector<256x128xf32>
    %get3A_2 = arith.constant 0 : index
    %get3A_3 = arith.constant 0 : index
    %get3A_4 = vector.load %arg3[%get3A_2, %get3A_3] : memref<128x256xf32, #tpu.memory_space<vmem>>, vector<128x256xf32>
    %dot_general3A = arith.constant dense<0.000000e+00> : vector<256x256xf32>
    %dot_general3A_5 = tpu.matmul %get3A_1, %get3A_4, %dot_general3A {dimension_numbers = #tpu.dot_dimension_numbers<[1], [0], [0], [1], [0, 0, 1, 1], [], []>, transpose_lhs_hint = false} : vector<256x128xf32>, vector<128x256xf32>, vector<256x256xf32> -> vector<256x256xf32>
    %get3A_6 = arith.constant 0 : index
    %get3A_7 = arith.constant 0 : index
    %get3A_8 = vector.load %arg4[%get3A_6, %get3A_7] : memref<1x256xf32, #tpu.memory_space<vmem>>, vector<1x256xf32>
    %add3A = vector.broadcast %get3A_8 : vector<1x256xf32> to vector<256x256xf32>
    %add3A_9 = arith.addf %dot_general3A_5, %add3A : vector<256x256xf32>
    %max3A = arith.constant 0.000000e+00 : f32
    %max3A_10 = vector.broadcast %max3A : f32 to vector<256x256xf32>
    %max3A_11 = arith.maximumf %add3A_9, %max3A_10 : vector<256x256xf32>
    %get3A_12 = arith.constant 0 : index
    %get3A_13 = arith.constant 0 : index
    %get3A_14 = vector.load %arg5[%get3A_12, %get3A_13] : memref<256x128xf32, #tpu.memory_space<vmem>>, vector<256x128xf32>
    %dot_general3A_15 = arith.constant dense<0.000000e+00> : vector<256x128xf32>
    %dot_general3A_16 = tpu.matmul %max3A_11, %get3A_14, %dot_general3A_15 {dimension_numbers = #tpu.dot_dimension_numbers<[1], [0], [0], [1], [0, 0, 1, 1], [], []>, transpose_lhs_hint = false} : vector<256x256xf32>, vector<256x128xf32>, vector<256x128xf32> -> vector<256x128xf32>
    %get3A_17 = arith.constant 0 : index
    %get3A_18 = arith.constant 0 : index
    %get3A_19 = vector.load %arg6[%get3A_17, %get3A_18] : memref<1x128xf32, #tpu.memory_space<vmem>>, vector<1x128xf32>
    %add3A_20 = vector.broadcast %get3A_19 : vector<1x128xf32> to vector<256x128xf32>
    %add3A_21 = arith.addf %dot_general3A_16, %add3A_20 : vector<256x128xf32>
    %get3A_22 = arith.constant 0 : index
    %get3A_23 = arith.constant 0 : index
    %get3A_24 = vector.load %arg7[%get3A_22, %get3A_23] : memref<128x1xf32, #tpu.memory_space<vmem>>, vector<128x1xf32>
    %dot_general3A_25 = arith.constant dense<0.000000e+00> : vector<256x1xf32>
    %dot_general3A_26 = tpu.matmul %add3A_21, %get3A_24, %dot_general3A_25 {dimension_numbers = #tpu.dot_dimension_numbers<[1], [0], [0], [1], [0, 0, 1, 1], [], []>, transpose_lhs_hint = false} : vector<256x128xf32>, vector<128x1xf32>, vector<256x1xf32> -> vector<256x1xf32>
    %get3A_27 = arith.constant 0 : index
    %get3A_28 = arith.constant 0 : index
    %get3A_29 = vector.load %arg2[%get3A_27, %get3A_28] : memref<256x1xf32, #tpu.memory_space<vmem>>, vector<256x1xf32>
    %gt3A = arith.constant 0.000000e+00 : f32
    %gt3A_30 = vector.broadcast %gt3A : f32 to vector<256x1xf32>
    %gt3A_31 = arith.cmpf ogt, %get3A_29, %gt3A_30 : vector<256x1xf32>
    %max3A_32 = arith.constant 1.000000e+00 : f32
    %max3A_33 = vector.broadcast %max3A_32 : f32 to vector<256x1xf32>
    %max3A_34 = arith.maximumf %get3A_29, %max3A_33 : vector<256x1xf32>
    %rsqrt3A = math.rsqrt %max3A_34 : vector<256x1xf32>
    %jit3A = arith.constant 0.000000e+00 : f32
    %broadcast_in_dim3A = vector.broadcast %jit3A : f32 to vector<256x1xf32>
    %select_n3A = arith.select %gt3A_31, %rsqrt3A, %broadcast_in_dim3A : vector<256x1xi1>, vector<256x1xf32>
    %neg3A = arith.constant 0.000000e+00 : f32
    %neg3A_35 = vector.broadcast %neg3A : f32 to vector<256x1xf32>
    %neg3A_36 = arith.subf %neg3A_35, %dot_general3A_26 : vector<256x1xf32>
    %exp3A = math.exp %neg3A_36 : vector<256x1xf32>
    %add3A_37 = arith.constant 1.000000e+00 : f32
    %add3A_38 = vector.broadcast %add3A_37 : f32 to vector<256x1xf32>
    %add3A_39 = arith.addf %add3A_38, %exp3A : vector<256x1xf32>
    %div3A = arith.constant 1.000000e+00 : f32
    %div3A_40 = vector.broadcast %div3A : f32 to vector<256x1xf32>
    %div3A_41 = arith.divf %div3A_40, %add3A_39 : vector<256x1xf32>
    %mul3A = vector.broadcast %div3A_41 : vector<256x1xf32> to vector<256x128xf32>
    %mul3A_42 = arith.mulf %mul3A, %add3A_21 : vector<256x128xf32>
    %swap3A = arith.constant 0 : index
    %swap3A_43 = arith.constant 0 : index
    %swap3A_44 = vector.load %arg8[%swap3A, %swap3A_43] : memref<256x128xf32, #tpu.memory_space<vmem>>, vector<256x128xf32>
    tpu.vector_store %arg8[%swap3A, %swap3A_43], %mul3A_42 {strides = array<i32>} : memref<256x128xf32, #tpu.memory_space<vmem>>, vector<256x128xf32>,
    %mul3A_45 = vector.broadcast %select_n3A : vector<256x1xf32> to vector<256x128xf32>
    %mul3A_46 = arith.mulf %mul3A_45, %add3A_21 : vector<256x128xf32>
    %swap3A_47 = arith.constant 0 : index
    %swap3A_48 = arith.constant 0 : index
    %swap3A_49 = vector.load %arg9[%swap3A_47, %swap3A_48] : memref<256x128xf32, #tpu.memory_space<vmem>>, vector<256x128xf32>
    tpu.vector_store %arg9[%swap3A_47, %swap3A_48], %mul3A_46 {strides = array<i32>} : memref<256x128xf32, #tpu.memory_space<vmem>>, vector<256x128xf32>,
    %mul3A_50 = arith.mulf %select_n3A, %dot_general3A_26 : vector<256x1xf32>
    %swap3A_51 = arith.constant 0 : index
    %swap3A_52 = arith.constant 0 : index
    %swap3A_53 = vector.load %arg10[%swap3A_51, %swap3A_52] : memref<256x1xf32, #tpu.memory_space<vmem>>, vector<256x1xf32>
    tpu.vector_store %arg10[%swap3A_51, %swap3A_52], %mul3A_50 {strides = array<i32>} : memref<256x1xf32, #tpu.memory_space<vmem>>, vector<256x1xf32>,
    %swap3A_54 = arith.constant 0 : index
    %swap3A_55 = arith.constant 0 : index
    %swap3A_56 = vector.load %arg11[%swap3A_54, %swap3A_55] : memref<256x1xf32, #tpu.memory_space<vmem>>, vector<256x1xf32>
    tpu.vector_store %arg11[%swap3A_54, %swap3A_55], %select_n3A {strides = array<i32>} : memref<256x1xf32, #tpu.memory_space<vmem>>, vector<256x1xf32>,
    return
  }
  func.func @transform_0(%arg0: i32) -> (i32, i32) {
    %c0_i32 = arith.constant 0 : i32
    %c0_i32_0 = arith.constant 0 : i32
    return %arg0, %c0_i32 : i32, i32
  }
  func.func @transform_1(%arg0: i32) -> (i32, i32) {
    %c0_i32 = arith.constant 0 : i32
    %c0_i32_0 = arith.constant 0 : i32
    return %arg0, %c0_i32 : i32, i32
  }
  func.func @transform_2(%arg0: i32) -> (i32, i32) {
    %c0_i32 = arith.constant 0 : i32
    %c0_i32_0 = arith.constant 0 : i32
    %c0_i32_1 = arith.constant 0 : i32
    return %c0_i32, %c0_i32_0 : i32, i32
  }
  func.func @transform_3(%arg0: i32) -> (i32, i32) {
    %c0_i32 = arith.constant 0 : i32
    %c0_i32_0 = arith.constant 0 : i32
    %c0_i32_1 = arith.constant 0 : i32
    return %c0_i32, %c0_i32_0 : i32, i32
  }
  func.func @transform_4(%arg0: i32) -> (i32, i32) {
    %c0_i32 = arith.constant 0 : i32
    %c0_i32_0 = arith.constant 0 : i32
    %c0_i32_1 = arith.constant 0 : i32
    return %c0_i32, %c0_i32_0 : i32, i32
  }
  func.func @transform_5(%arg0: i32) -> (i32, i32) {
    %c0_i32 = arith.constant 0 : i32
    %c0_i32_0 = arith.constant 0 : i32
    %c0_i32_1 = arith.constant 0 : i32
    return %c0_i32, %c0_i32_0 : i32, i32
  }
  func.func @transform_6(%arg0: i32) -> (i32, i32) {
    %c0_i32 = arith.constant 0 : i32
    %c0_i32_0 = arith.constant 0 : i32
    %c0_i32_1 = arith.constant 0 : i32
    return %c0_i32, %c0_i32_0 : i32, i32
  }
  func.func @transform_7(%arg0: i32) -> (i32, i32) {
    %c0_i32 = arith.constant 0 : i32
    %c0_i32_0 = arith.constant 0 : i32
    return %arg0, %c0_i32 : i32, i32
  }
  func.func @transform_8(%arg0: i32) -> (i32, i32) {
    %c0_i32 = arith.constant 0 : i32
    %c0_i32_0 = arith.constant 0 : i32
    return %arg0, %c0_i32 : i32, i32
  }
  func.func @transform_9(%arg0: i32) -> (i32, i32) {
    %c0_i32 = arith.constant 0 : i32
    %c0_i32_0 = arith.constant 0 : i32
    return %arg0, %c0_i32 : i32, i32
  }
  func.func @transform_10(%arg0: i32) -> (i32, i32) {
    %c0_i32 = arith.constant 0 : i32
    %c0_i32_0 = arith.constant 0 : i32
    return %arg0, %c0_i32 : i32, i32
  }
}

</mosaic_0001>

<sc_bundles>
// kernel: _run.5.cloned.1.call-start
scs
__scs_entry_jumppad:
0x0: {  	(pc) =	sbr.rel $0x88, $3  }
0x1: {  	(tag) =	ssettag $0x0;
	lr =	simm.s32 $0x1  }
0x2: {  	[smem:$0x3F9A] =	sst lr;
	_ =	strace $0xD0000000  }
0x3: {  	_ = 	snop  }
0x4: {  	_ = 	snop  }
0x5: {  	_ = 	snop  }
0x6: {  	_ = 	snop  }
0x7: {  	_ = 	snop  }
__scs_overlays_trampoline_lowered:
0x8: {  	[smem:$0x3FA9] =	sst s0  }
0x9: {  	[smem:$0x3FAA] =	sst s1  }
0xa: {  	[smem:$0x3FAB] =	sst s2  }
0xb: {  	[smem:$0x3FAC] =	sst s3  }
0xc: {  	[smem:$0x3FAD] =	sst s4  }
0xd: {  	[smem:$0x3FAE] =	sst s5  }
0xe: {  	[smem:$0x3FAF] =	sst s6  }
0xf: {  	[smem:$0x3FB0] =	sst s7  }
0x10: {  	[smem:$0x3FB1] =	sst s8  }
0x11: {  	[smem:$0x3FB2] =	sst s9;
	s0 =	simm.s32 @!p0 $0x0  }
0x12: {  	s1 =	sld [smem:$0x3F98];
	s0 =	simm.s32 @p0 $0x1  }
0x13: {  	[smem:$0x3FB3] =	sst s0;
	s0 =	simm.s32 @!p1 $0x0  }
0x14: {  	s2 =	sld [smem:$0x3F97];
	s0 =	simm.s32 @p1 $0x1  }
0x15: {  	[smem:$0x3FB4] =	sst s0;
	s0 =	simm.s32 @!p2 $0x0  }
0x16: {  	s3 =	sld [smem:$0x3FDB];
	s0 =	simm.s32 @p2 $0x1  }
0x17: {  	s4 =	simm.s32 $0x1BF5;
	[smem:$0x3FB6] =	sst s0  }
0x18: {  	s0 =	sld [smem:$0x3F99];
	_ =	swait.ge [sflag:s4], $0x0  }
0x19: {  	s7 =	sld [smem:$0x3F9A]  }
0x1a: {  	s8 =	sadd.s32 $0xFFFFE003, lr  }
0x1b: {  	s9 =	sadd.s32 $0xFFFFFEF7, lr;
	s5 =	simm.s32 $0xFFFFFFFF;
	p2 =	slt.u32 s8, $0xFFFFF086  }
0x1c: {  	p1 =	slt.u32 s9, $0xF7A;
	s5 =	simm.s32 @!p2 $0x0  }
0x1d: {  	s5 =	simm.s32 @p1 $0x1;
	p0 =	seq.s32 s7, s2  }
0x1e: {  	s7 =	smul.u32 @!p0 $0xF7A, s2;
	p2 =	seq.s32 @!p0 s5, $0x0  }
0x1f: {  	s9 =	smul.u32 $0xF7A, s1;
	s8 =	simm.s32 @!p0 $0x1BF5;
	p2 =	por !p2, p0  }
0x20: {  	[sflag:s8] =	ssyncset.s32 @!p0 $0xFFFFF086;
	s6 =	sadd.s32 @!p0 s3, s7;
	s7 =	simm.s32 @!p0 $0x108  }
0x21: {  	s3 =	sadd.s32 s3, s9;
	s6 =	sadd.s32 @!p0 $0x88, s6;
	s7 =	simm.s32 @p2 $0x1082  }
0x22: {  	[simem:s7], [sflag:s8] =	dma.local @!p0 [hbm:s6], $0xF7A  }
0x23: {  	s9 =	sor.u32 $0xD0000000, s2;
	s6 =	simm.s32 $0x108;
	_ =	swait.ge @!p0 [sflag:s8], $0x0  }
0x24: {  	s3 =	sadd.s32 $0x88, s3;
	s6 =	simm.s32 @!p1 $0x1082;
	[sflag:s4] =	ssyncset.s32 $0xFFFFF086  }
0x25: {  	[simem:s6], [sflag:s4] =	dma.local [hbm:s3], $0xF7A  }
0x26: {  	[smem:$0x3F9A] =	sst s1;
	(tag) =	ssettag s2;
	_ =	strace s9  }
0x27: {  	s1 =	sld [smem:$0x3FAA]  }
0x28: {  	s2 =	sld [smem:$0x3FAB]  }
0x29: {  	s4 =	sld [smem:$0x3FAD]  }
0x2a: {  	p0 =	seq.s32 s5, $0x0;
	s5 =	sld [smem:$0x3FAE]  }
0x2b: {  	s6 =	sld [smem:$0x3FAF]  }
0x2c: {  	s7 =	sld [smem:$0x3FB0]  }
0x2d: {  	s3 =	simm.s32 $0x108;
	s8 =	sld [smem:$0x3FB1]  }
0x2e: {  	s3 =	simm.s32 @!p0 $0x1082;
	s9 =	sld [smem:$0x3FB2]  }
0x2f: {  	lr =	sadd.s32 s0, s3;
	s0 =	sld [smem:$0x3FA9]  }
0x30: {  	s3 =	sld [smem:$0x3FAC]  }
0x31: {  	[smem:$0x3FB5] =	sst s10  }
0x32: {  	s10 =	sld [smem:$0x3FB3];
	_ =	sdelay $0x3  }
0x33: {  	p0 =	seq.s32 s10, $0x1;
	s10 =	sld [smem:$0x3FB5];
	_ =	sdelay $0x3  }
0x34: {  	[smem:$0x3FB5] =	sst s10  }
0x35: {  	s10 =	sld [smem:$0x3FB4];
	_ =	sdelay $0x3  }
0x36: {  	p1 =	seq.s32 s10, $0x1;
	s10 =	sld [smem:$0x3FB5];
	_ =	sdelay $0x3  }
0x37: {  	[smem:$0x3FB5] =	sst s10  }
0x38: {  	s10 =	sld [smem:$0x3FB6]  }
0x39: {  	_ = 	snop;
	(pc) =	sbr.ind lr, $3  }
0x3a: {  	_ = 	snop  }
0x3b: {  	_ = 	snop  }
0x3c: {  	p2 =	seq.s32 s10, $0x1;
	s10 =	sld [smem:$0x3FB5]  }
0x3d: {  	_ =	shalt  }
0x3e: {  	_ =	shalt  }
0x3f: {  	_ =	shalt  }
0x40: {  	_ =	shalt  }
0x41: {  	_ =	shalt  }
0x42: {  	_ =	shalt  }
0x43: {  	_ =	shalt  }
0x44: {  	_ =	shalt  }
0x45: {  	_ =	shalt  }
0x46: {  	_ =	shalt  }
0x47: {  	_ =	shalt  }
0x48: {  	_ =	shalt  }
0x49: {  	_ =	shalt  }
0x4a: {  	_ =	shalt  }
0x4b: {  	_ =	shalt  }
0x4c: {  	_ =	shalt  }
0x4d: {  	_ =	shalt  }
0x4e: {  	_ =	shalt  }
0x4f: {  	_ =	shalt  }
0x50: {  	_ =	shalt  }
0x51: {  	_ =	shalt  }
0x52: {  	_ =	shalt  }
0x53: {  	_ =	shalt  }
0x54: {  	_ =	shalt  }
0x55: {  	_ =	shalt  }
0x56: {  	_ =	shalt  }
0x57: {  	_ =	shalt  }
0x58: {  	_ =	shalt  }
0x59: {  	_ =	shalt  }
0x5a: {  	_ =	shalt  }
0x5b: {  	_ =	shalt  }
0x5c: {  	_ =	shalt  }
0x5d: {  	_ =	shalt  }
0x5e: {  	_ =	shalt  }
0x5f: {  	_ =	shalt  }
0x60: {  	_ =	shalt  }
0x61: {  	_ =	shalt  }
0x62: {  	_ =	shalt  }
0x63: {  	_ =	shalt  }
0x64: {  	_ =	shalt  }
0x65: {  	_ =	shalt  }
0x66: {  	_ =	shalt  }
0x67: {  	_ =	shalt  }
0x68: {  	_ =	shalt  }
0x69: {  	_ =	shalt  }
0x6a: {  	_ =	shalt  }
0x6b: {  	_ =	shalt  }
0x6c: {  	_ =	shalt  }
0x6d: {  	_ =	shalt  }
0x6e: {  	_ =	shalt  }
0x6f: {  	_ =	shalt  }
0x70: {  	_ =	shalt  }
0x71: {  	_ =	shalt  }
0x72: {  	_ =	shalt  }
0x73: {  	_ =	shalt  }
0x74: {  	_ =	shalt  }
0x75: {  	_ =	shalt  }
0x76: {  	_ =	shalt  }
0x77: {  	_ =	shalt  }
0x78: {  	_ =	shalt  }
0x79: {  	_ =	shalt  }
0x7a: {  	_ =	shalt  }
0x7b: {  	_ =	shalt  }
0x7c: {  	_ =	shalt  }
0x7d: {  	_ =	shalt  }
0x7e: {  	_ =	shalt  }
0x7f: {  	_ =	shalt  }
0x80: {  	_ =	shalt  }
0x81: {  	_ =	shalt  }
0x82: {  	_ =	shalt  }
0x83: {  	_ =	shalt  }
0x84: {  	_ =	shalt  }
0x85: {  	_ =	shalt  }
0x86: {  	_ =	shalt  }
0x87: {  	_ =	shalt  }
.Lfunc_end0:
.L_simem_size_0:
called_computation_lowered:
.L_overlay_start_0:
0x88: {  	s2 =	sld [smem:$0x3FD9]  }
0x89: {  	s3 =	sld [smem:$0x3FFE];
	_ =	sdelay $0x1  }
0x8a: {  	s1 =	srdreg.scid  }
0x8b: {  	s0 =	sand.u32 $0x1, s1  }
0x8c: {  	s16 =	sshll.u32 s0, $0xA;
	s2 =	sadd.s32 s3, s2  }
0x8d: {  	s2 =	sadd.s32 s2, s16  }
0x8e: {  	[smem:$0x3FC1] =	sst s2  }
0x8f: {  	_ = 	snop  }
0x90: {  	(tm) =	ssettm $0x1  }
0x91: {  	s17 =	sld [smem:$0x3FFB];
	_ =	sdelay $0x3  }
0x92: {  	_ =	strace s17  }
0x93: {  	s2 =	sld [smem:$0x3FFC];
	_ =	sdelay $0x3  }
0x94: {  	_ =	strace s2  }
0x95: {  	s2 =	sld [smem:$0x3FFD];
	_ =	sdelay $0x3  }
0x96: {  	_ =	strace s2  }
0x97: {  	_ =	strace $0x8FFFFFFF  }
0x98: {  	s18 =	sld [smem:$0x3FDB];
	_ =	sdelay $0x1  }
0x99: {  	s19 =	simm.s32 $_scs_section_size  }
0x9a: {  	s4 =	simm.s32 $_size__tile_overlayer_lowered;
	s5 =	simm.s32 $_tile_overlayer_lowered  }
0x9b: {  	s22 =	simm.s32 $0x1BFF;
	s21 =	sshll.u32 s5, $0x1;
	s2 =	sadd.s32 s19, s18  }
0x9c: {  	s6 =	simm.s32 $0x0;
	s20 =	sshll.u32 s4, $0x1;
	s4 =	sadd.s32 s21, s2  }
0x9d: {  	[timem:s6], [sflag:s22] =	dma.local [hbm:s4], s20  }
0x9e: {  	_ =	swait.ge [sflag:s22], s20  }
0x9f: {  	s3 =	ssub.s32 $0x0, s20;
	[sflag:s22] =	ssyncset.done $0x0  }
0xa0: {  	[sflag:s22] =	ssyncadd.s32 s3;
	_ =	sdelay $0x1  }
0xa1: {  	s23 =	simm.s32 $0x1B8B  }
0xa2: {  	_ =	swait.ge [sflag:s23], $0x1  }
0xa3: {  	[sflag:s23] =	ssyncset.done $0x0  }
0xa4: {  	s25 =	simm.s32 $0x1B8E;
	s24 =	sld [smem:$0x3FFE];
	[sflag:s23] =	ssyncadd.s32 $0xFFFFFFFF  }
0xa5: {  	s26 =	simm.s32 $execute0_lowered;
	[smem:$0x3FD2] =	sst s25  }
0xa6: {  	s4 =	sshll.u32 s26, $0x1;
	_ =	strace $0x80000046;
	[dreg:$0x1] =	wrdreg $0xFFFFFFFF  }
0xa7: {  	s28 =	simm.s32 $_size_execute0_lowered;
	s2 =	sadd.s32 s2, s4;
	[dreg:$0x0] =	wrdreg $0x0  }
0xa8: {  	s4 =	sshll.u32 s28, $0x1;
	[dreg:$0x2] =	wrdreg s2  }
0xa9: {  	[dreg:$0x3] =	wrdreg s4  }
0xaa: {  	[dreg:$0x4] =	wrdreg $0xC0  }
0xab: {  	_ =	task [dreg:s6], $0x5FFFF  }
0xac: {  	[dreg:$0x1] =	wrdreg $0xFFFFFFFF  }
0xad: {  	[dreg:$0x0] =	wrdreg $0x60  }
0xae: {  	[dreg:$0x2] =	wrdreg s24  }
0xaf: {  	[dreg:$0x3] =	wrdreg $0x0  }
0xb0: {  	[dreg:$0x4] =	wrdreg $0x9  }
0xb1: {  	_ =	task.clear_ibuf [dreg:s6], $0x5FFFF;
	_ =	strace $0x90000046  }
0xb2: {  	s29 =	simm.s32 $0x9;
	_ =	strace $0x80000048  }
0xb3: {  	_ =	swait.ge [sflag:s29], $0x1  }
0xb4: {  	[sflag:s29] =	ssyncadd.s32 $0xFFFFFFFF  }
0xb5: {  	_ =	strace $0x90000048  }
0xb6: {  	_ =	sfence  }
0xb7: {  	s30 =	sld [smem:$0x0];
	_ =	sdelay $0x2  }
0xb8: {  	s31 =	sshll.u32 s1, $0xD;
	s1 =	sshrl.u32 s1, $0x2  }
0xb9: {  	s3 =	sand.u32 $0x4000, s31;
	s1 =	sadd.s32 s1, s30  }
0xba: {  	s0 =	sor.u32 s3, s0;
	s1 =	sshll.u32 s1, $0x11  }
0xbb: {  	s0 =	sor.u32 s1, s0  }
0xbc: {  	s0 =	sadd.s32 $0x8F2B, s0  }
0xbd: {  	[sflag:s0] =	ssyncadd.remote.s32 $0x1  }
0xbe: {  	_ =	sfence.sel $0xFFFF  }
0xbf: {  	[dreg:$0x0] =	wrdreg $0xFFFFFFFF;
	(pc) =	sbr.abs _section_cstart, $3  }
0xc0: {  	[dreg:$0x1] =	wrdreg $0xFFFFFFFF  }
0xc1: {  	_ =	task.clear_ibuf [dreg:s6], $0x2FFFF;
	_ =	strace $0x9FFFFFFF  }
0xc2: {  	(tm) =	ssettm $0x7FFFFFFF  }
0xc3: {  	_ =	shalt  }
tec
execute0_lowered:
.L_overlay_start_1:
0x0: {  	(tag) =	ssettag $0x1  }
0x1: {  	s4 =	rddreg [dreg:$0x0]  }
0x2: {  	s2 =	rddreg [dreg:$0x1]  }
0x3: {  	s0 =	rddreg [dreg:$0x2];
	s1 =	stileid.u32  }
0x4: {  	s3 =	simm.s32 $0x0;
	s6 =	srdreg.scid;
	s9 =	simm.s32 $0x1  }
0x5: {  	s10 =	simm.s32 $0x5280;
	s12 =	simm.s32 $0x5200;
	s15 =	simm.s32 $0x0  }
0x6: {  	s5 =	smul.u32 $0x280, s1;
	[smem:$0x7FF] =	sst s3;
	s11 =	sand.u32 $0x1, s6  }
0x7: {  	s7 =	smul.u32 $0x9F0, s1;
	_ =	strace $0x80000047;
	s8 =	ssub.s32 $0x2, s11  }
0x8: {  	p0 =	sne.s32 s11, $0x0;
	s11 =	simm.s32 $0x80;
	s30 =	sshrl.u32 s5, $0x3  }
0x9: {  	s7 =	sadd.s32 s7, s4;
	s31 =	sshrl.u32 s8, $0x1;
	s5 =	sadd.s32 s5, s2  }
0xa: {  	s13 =	sshll.u32 @!p0 s1, $0x6;
	s6 =	sadd.s32 s30, s4;
	s8 =	ssub.s32 s8, s31  }
0xb: {  	s4 =	sadd.s32 $0xC00, s7;
	s13 =	sor.u32 @!p0 $0x1C01, s13;
	s14 =	sshrl.u32 @!p0 s5, $0x3  }
0xc: {  	v0 =	vimm.f32 $1.000000000e+00;
	v1 =	vimm.f32 $0.0e+00;
	s6 =	sadd.s32 $0xAC00, s6;
	s7 =	smax.u32 s8, $0x1;
	s8 =	simm.s32 $0x280  }
.LBB2_1:
0xd: {  	[tilespmem:s8], [sflag:$0x1] =	stream.linear.gather [hbm4b:s4+s3], $0x4F80, $0x38;
	[tilespmem:$0x5500] =	vst v63  }
0xe: {  	_ =	swait.ge [sflag:s9], $0x4F80  }
0xf: {  	[sflag:s9] =	ssyncset.done $0x0  }
0x10: {  	[sflag:s9] =	ssyncadd.s32 $0xFFFFB080  }
0x11: {  	[tilespmem:$0x5200] =	vst v0  }
0x12: {  	[tilespmem:$0x5210] =	vst v0  }
0x13: {  	[tilespmem:$0x5220] =	vst v0  }
0x14: {  	[tilespmem:$0x5230] =	vst v0  }
0x15: {  	[tilespmem:$0x5240] =	vst v0  }
0x16: {  	[tilespmem:$0x5250] =	vst v0  }
0x17: {  	[tilespmem:$0x5260] =	vst v0  }
0x18: {  	[tilespmem:$0x5270] =	vst v0  }
0x19: {  	[tilespmem:$0x5280] =	vst v1  }
0x1a: {  	[tilespmem:$0x5290] =	vst v1  }
0x1b: {  	[tilespmem:$0x52A0] =	vst v1  }
0x1c: {  	[tilespmem:$0x52B0] =	vst v1  }
0x1d: {  	[tilespmem:$0x52C0] =	vst v1  }
0x1e: {  	[tilespmem:$0x52D0] =	vst v1  }
0x1f: {  	[tilespmem:$0x52E0] =	vst v1  }
0x20: {  	[tilespmem:$0x52F0] =	vst v1  }
0x21: {  	[tilespmem:$0x5300] =	vst v1  }
0x22: {  	[tilespmem:$0x5310] =	vst v1  }
0x23: {  	[tilespmem:$0x5320] =	vst v1  }
0x24: {  	[tilespmem:$0x5330] =	vst v1  }
0x25: {  	[tilespmem:$0x5340] =	vst v1  }
0x26: {  	[tilespmem:$0x5350] =	vst v1  }
0x27: {  	[tilespmem:$0x5360] =	vst v1  }
0x28: {  	[tilespmem:$0x5370] =	vst v1  }
0x29: {  	[tilespmem:$0x5380] =	vst v1  }
0x2a: {  	[tilespmem:$0x5390] =	vst v1  }
0x2b: {  	[tilespmem:$0x53A0] =	vst v1  }
0x2c: {  	[tilespmem:$0x53B0] =	vst v1  }
0x2d: {  	[tilespmem:$0x53C0] =	vst v1  }
0x2e: {  	[tilespmem:$0x53D0] =	vst v1  }
0x2f: {  	[tilespmem:$0x53E0] =	vst v1  }
0x30: {  	[tilespmem:$0x53F0] =	vst v1  }
0x31: {  	[tilespmem:$0x5400] =	vst v1  }
0x32: {  	[tilespmem:$0x5410] =	vst v1  }
0x33: {  	[tilespmem:$0x5420] =	vst v1  }
0x34: {  	[tilespmem:$0x5430] =	vst v1  }
0x35: {  	[tilespmem:$0x5440] =	vst v1  }
0x36: {  	[tilespmem:$0x5450] =	vst v1  }
0x37: {  	[tilespmem:$0x5460] =	vst v1  }
0x38: {  	[tilespmem:$0x5470] =	vst v1  }
0x39: {  	[tilespmem:$0x5480] =	vst v1  }
0x3a: {  	[tilespmem:$0x5490] =	vst v1  }
0x3b: {  	[tilespmem:$0x54A0] =	vst v1  }
0x3c: {  	[tilespmem:$0x54B0] =	vst v1  }
0x3d: {  	[tilespmem:$0x54C0] =	vst v1  }
0x3e: {  	[tilespmem:$0x54D0] =	vst v1  }
0x3f: {  	[tilespmem:$0x54E0] =	vst v1  }
0x40: {  	[tilespmem:$0x54F0] =	vst v1  }
0x41: {  	[spmem:s5] =	stream.linear.scatter [tilespmem:s10], [sflag:$0x1], $0x280, $0x38;
	[tilespmem:$0x5500] =	vst v63  }
0x42: {  	_ =	swait.ge [sflag:s9], $0x280  }
0x43: {  	[sflag:s9] =	ssyncset.done $0x0  }
0x44: {  	[sflag:s9] =	ssyncadd.s32 $0xFFFFFD80  }
0x45: {  	s16 =	simm.s32 $0x280;
	[bflag:$0x0] =	sbarrier.arrive $0xFFFF  }
0x46: {  	[spmem:s2] =	stream.indirect.scatter.add.f32 [tilespmem:s12], [sflag:$0x1], $0x1, s16, s11, $0xb8;
	[tilespmem:$0x5500] =	vst v63  }
0x47: {  	s16 =	simm.s32 $0x200;
	_ =	swait.ge [sflag:s9], $0x80  }
.LBB2_2:
0x48: {  	s17 =	sshra.s32 s16, $0x2;
	[sflag:s9] =	ssyncset.done $0x0;
	p1 =	sne.s32 s16, $0x13C00  }
.Ltmp0:
0x49: {  	s17 =	sadd.s32 $0x280, s17;
	[sflag:s9] =	ssyncadd.s32 $0xFFFFFF80;
	(pc) =	sbr.rel @p1 .LBB2_2-.Ltmp0, $3  }
0x4a: {  	[spmem:s2] =	stream.indirect.scatter.add.f32 [tilespmem:s12], [sflag:$0x1], $0x1, s17, s11, $0xb8;
	[tilespmem:$0x5500] =	vst v63  }
0x4b: {  	s16 =	sadd.s32 $0x200, s16;
	_ =	sdelay $0x1  }
0x4c: {  	_ =	swait.ge [sflag:s9], $0x80  }
0x4d: {  	[sflag:s9] =	ssyncset.done $0x0;
	s15 =	sadd.s32 $0x1, s15  }
0x4e: {  	[sflag:s9] =	ssyncadd.s32 $0xFFFFFF80;
	p1 =	sne.s32 s15, s7  }
.Ltmp1:
0x4f: {  	s16 =	simm.s32 @!p0 $0x1;
	[bflag:$0x0] =	sbarrier.arrive $0xFFFF;
	(pc) =	sbr.rel @p1 .LBB2_1-.Ltmp1, $4  }
0x50: {  	[hbm:s6], [sflag:s13] =	dma.local @!p0 [spmem:s14], $0x50  }
0x51: {  	_ =	swait.ge @!p0 [sflag:s16], $0x50  }
0x52: {  	[sflag:s16] =	ssyncset.done @!p0 $0x0  }
0x53: {  	[sflag:s16] =	ssyncadd.s32 @!p0 $0xFFFFFFB0  }
0x54: {  	_ =	sfence.sel $0x180000  }
0x55: {  	[bflag:$0x0] =	sbarrier.arrive $0xFFFF  }
0x56: {  	p0 =	sne.s32 s1, $0x0;
	_ =	strace $0x90000047  }
0x57: {  	s0 =	sadd.s32 @!p0 $0x100000, s0;
	[bflag:$0x2] =	sbarrier.arrive $0xFFFF  }
0x58: {  	[sflag:s0] =	ssyncadd.tile.s32 @!p0 $0x1;
	_ =	shalt  }
.Lfunc_end2:
_tile_overlayer_lowered:
.L_overlay_start_2:
0x59: {  	(tag) =	ssettag $0x2  }
0x5a: {  	s0 =	rddreg [dreg:$0x0];
	s2 =	stileid.u32  }
0x5b: {  	s1 =	rddreg [dreg:$0x1];
	p0 =	sne.s32 s2, $0x0  }
0x5c: {  	s3 =	rddreg [dreg:$0x2];
	[bflag:$0x3] =	sbarrier.arrive $0xFFFF;
	s2 =	simm.s32 @!p0 $0x1C01  }
0x5d: {  	[timem:s3], [sflag:s2] =	dma.local @!p0 [hbm:s0], s1  }
0x5e: {  	s0 =	simm.s32 @!p0 $0x1  }
0x5f: {  	_ =	swait.ge @!p0 [sflag:s0], s1  }
0x60: {  	s1 =	ssub.s32 @!p0 $0x0, s1;
	[sflag:s0] =	ssyncset.done @!p0 $0x0  }
0x61: {  	[sflag:s0] =	ssyncadd.s32 @!p0 s1  }
0x62: {  	[bflag:$0x3] =	sbarrier.arrive $0xFFFF  }
0x63: {  	_ =	shalt  }

// kernel: _run.8.cloned.1.call-start
scs
__scs_entry_jumppad:
0x0: {  	(pc) =	sbr.rel $0x88, $3  }
0x1: {  	(tag) =	ssettag $0x0;
	lr =	simm.s32 $0x1  }
0x2: {  	[smem:$0x3F9A] =	sst lr;
	_ =	strace $0xD0000000  }
0x3: {  	_ = 	snop  }
0x4: {  	_ = 	snop  }
0x5: {  	_ = 	snop  }
0x6: {  	_ = 	snop  }
0x7: {  	_ = 	snop  }
__scs_overlays_trampoline_lowered:
0x8: {  	[smem:$0x3FA9] =	sst s0  }
0x9: {  	[smem:$0x3FAA] =	sst s1  }
0xa: {  	[smem:$0x3FAB] =	sst s2  }
0xb: {  	[smem:$0x3FAC] =	sst s3  }
0xc: {  	[smem:$0x3FAD] =	sst s4  }
0xd: {  	[smem:$0x3FAE] =	sst s5  }
0xe: {  	[smem:$0x3FAF] =	sst s6  }
0xf: {  	[smem:$0x3FB0] =	sst s7  }
0x10: {  	[smem:$0x3FB1] =	sst s8  }
0x11: {  	[smem:$0x3FB2] =	sst s9;
	s0 =	simm.s32 @!p0 $0x0  }
0x12: {  	s1 =	sld [smem:$0x3F98];
	s0 =	simm.s32 @p0 $0x1  }
0x13: {  	[smem:$0x3FB3] =	sst s0;
	s0 =	simm.s32 @!p1 $0x0  }
0x14: {  	s2 =	sld [smem:$0x3F97];
	s0 =	simm.s32 @p1 $0x1  }
0x15: {  	[smem:$0x3FB4] =	sst s0;
	s0 =	simm.s32 @!p2 $0x0  }
0x16: {  	s3 =	sld [smem:$0x3FDB];
	s0 =	simm.s32 @p2 $0x1  }
0x17: {  	s4 =	simm.s32 $0x1BF5;
	[smem:$0x3FB6] =	sst s0  }
0x18: {  	s0 =	sld [smem:$0x3F99];
	_ =	swait.ge [sflag:s4], $0x0  }
0x19: {  	s7 =	sld [smem:$0x3F9A]  }
0x1a: {  	s8 =	sadd.s32 $0xFFFFE003, lr  }
0x1b: {  	s9 =	sadd.s32 $0xFFFFFEF7, lr;
	s5 =	simm.s32 $0xFFFFFFFF;
	p2 =	slt.u32 s8, $0xFFFFF086  }
0x1c: {  	p1 =	slt.u32 s9, $0xF7A;
	s5 =	simm.s32 @!p2 $0x0  }
0x1d: {  	s5 =	simm.s32 @p1 $0x1;
	p0 =	seq.s32 s7, s2  }
0x1e: {  	s7 =	smul.u32 @!p0 $0xF7A, s2;
	p2 =	seq.s32 @!p0 s5, $0x0  }
0x1f: {  	s9 =	smul.u32 $0xF7A, s1;
	s8 =	simm.s32 @!p0 $0x1BF5;
	p2 =	por !p2, p0  }
0x20: {  	[sflag:s8] =	ssyncset.s32 @!p0 $0xFFFFF086;
	s6 =	sadd.s32 @!p0 s3, s7;
	s7 =	simm.s32 @!p0 $0x108  }
0x21: {  	s3 =	sadd.s32 s3, s9;
	s6 =	sadd.s32 @!p0 $0x88, s6;
	s7 =	simm.s32 @p2 $0x1082  }
0x22: {  	[simem:s7], [sflag:s8] =	dma.local @!p0 [hbm:s6], $0xF7A  }
0x23: {  	s9 =	sor.u32 $0xD0000000, s2;
	s6 =	simm.s32 $0x108;
	_ =	swait.ge @!p0 [sflag:s8], $0x0  }
0x24: {  	s3 =	sadd.s32 $0x88, s3;
	s6 =	simm.s32 @!p1 $0x1082;
	[sflag:s4] =	ssyncset.s32 $0xFFFFF086  }
0x25: {  	[simem:s6], [sflag:s4] =	dma.local [hbm:s3], $0xF7A  }
0x26: {  	[smem:$0x3F9A] =	sst s1;
	(tag) =	ssettag s2;
	_ =	strace s9  }
0x27: {  	s1 =	sld [smem:$0x3FAA]  }
0x28: {  	s2 =	sld [smem:$0x3FAB]  }
0x29: {  	s4 =	sld [smem:$0x3FAD]  }
0x2a: {  	p0 =	seq.s32 s5, $0x0;
	s5 =	sld [smem:$0x3FAE]  }
0x2b: {  	s6 =	sld [smem:$0x3FAF]  }
0x2c: {  	s7 =	sld [smem:$0x3FB0]  }
0x2d: {  	s3 =	simm.s32 $0x108;
	s8 =	sld [smem:$0x3FB1]  }
0x2e: {  	s3 =	simm.s32 @!p0 $0x1082;
	s9 =	sld [smem:$0x3FB2]  }
0x2f: {  	lr =	sadd.s32 s0, s3;
	s0 =	sld [smem:$0x3FA9]  }
0x30: {  	s3 =	sld [smem:$0x3FAC]  }
0x31: {  	[smem:$0x3FB5] =	sst s10  }
0x32: {  	s10 =	sld [smem:$0x3FB3];
	_ =	sdelay $0x3  }
0x33: {  	p0 =	seq.s32 s10, $0x1;
	s10 =	sld [smem:$0x3FB5];
	_ =	sdelay $0x3  }
0x34: {  	[smem:$0x3FB5] =	sst s10  }
0x35: {  	s10 =	sld [smem:$0x3FB4];
	_ =	sdelay $0x3  }
0x36: {  	p1 =	seq.s32 s10, $0x1;
	s10 =	sld [smem:$0x3FB5];
	_ =	sdelay $0x3  }
0x37: {  	[smem:$0x3FB5] =	sst s10  }
0x38: {  	s10 =	sld [smem:$0x3FB6]  }
0x39: {  	_ = 	snop;
	(pc) =	sbr.ind lr, $3  }
0x3a: {  	_ = 	snop  }
0x3b: {  	_ = 	snop  }
0x3c: {  	p2 =	seq.s32 s10, $0x1;
	s10 =	sld [smem:$0x3FB5]  }
0x3d: {  	_ =	shalt  }
0x3e: {  	_ =	shalt  }
0x3f: {  	_ =	shalt  }
0x40: {  	_ =	shalt  }
0x41: {  	_ =	shalt  }
0x42: {  	_ =	shalt  }
0x43: {  	_ =	shalt  }
0x44: {  	_ =	shalt  }
0x45: {  	_ =	shalt  }
0x46: {  	_ =	shalt  }
0x47: {  	_ =	shalt  }
0x48: {  	_ =	shalt  }
0x49: {  	_ =	shalt  }
0x4a: {  	_ =	shalt  }
0x4b: {  	_ =	shalt  }
0x4c: {  	_ =	shalt  }
0x4d: {  	_ =	shalt  }
0x4e: {  	_ =	shalt  }
0x4f: {  	_ =	shalt  }
0x50: {  	_ =	shalt  }
0x51: {  	_ =	shalt  }
0x52: {  	_ =	shalt  }
0x53: {  	_ =	shalt  }
0x54: {  	_ =	shalt  }
0x55: {  	_ =	shalt  }
0x56: {  	_ =	shalt  }
0x57: {  	_ =	shalt  }
0x58: {  	_ =	shalt  }
0x59: {  	_ =	shalt  }
0x5a: {  	_ =	shalt  }
0x5b: {  	_ =	shalt  }
0x5c: {  	_ =	shalt  }
0x5d: {  	_ =	shalt  }
0x5e: {  	_ =	shalt  }
0x5f: {  	_ =	shalt  }
0x60: {  	_ =	shalt  }
0x61: {  	_ =	shalt  }
0x62: {  	_ =	shalt  }
0x63: {  	_ =	shalt  }
0x64: {  	_ =	shalt  }
0x65: {  	_ =	shalt  }
0x66: {  	_ =	shalt  }
0x67: {  	_ =	shalt  }
0x68: {  	_ =	shalt  }
0x69: {  	_ =	shalt  }
0x6a: {  	_ =	shalt  }
0x6b: {  	_ =	shalt  }
0x6c: {  	_ =	shalt  }
0x6d: {  	_ =	shalt  }
0x6e: {  	_ =	shalt  }
0x6f: {  	_ =	shalt  }
0x70: {  	_ =	shalt  }
0x71: {  	_ =	shalt  }
0x72: {  	_ =	shalt  }
0x73: {  	_ =	shalt  }
0x74: {  	_ =	shalt  }
0x75: {  	_ =	shalt  }
0x76: {  	_ =	shalt  }
0x77: {  	_ =	shalt  }
0x78: {  	_ =	shalt  }
0x79: {  	_ =	shalt  }
0x7a: {  	_ =	shalt  }
0x7b: {  	_ =	shalt  }
0x7c: {  	_ =	shalt  }
0x7d: {  	_ =	shalt  }
0x7e: {  	_ =	shalt  }
0x7f: {  	_ =	shalt  }
0x80: {  	_ =	shalt  }
0x81: {  	_ =	shalt  }
0x82: {  	_ =	shalt  }
0x83: {  	_ =	shalt  }
0x84: {  	_ =	shalt  }
0x85: {  	_ =	shalt  }
0x86: {  	_ =	shalt  }
0x87: {  	_ =	shalt  }
.Lfunc_end0:
.L_simem_size_0:
called_computation.1_lowered:
.L_overlay_start_0:
0x88: {  	s2 =	sld [smem:$0x3FD9]  }
0x89: {  	s3 =	sld [smem:$0x3FFE];
	_ =	sdelay $0x1  }
0x8a: {  	s1 =	srdreg.scid  }
0x8b: {  	s0 =	sand.u32 $0x1, s1  }
0x8c: {  	s17 =	sshll.u32 s0, $0xA;
	s2 =	sadd.s32 s3, s2  }
0x8d: {  	s2 =	sadd.s32 s2, s17  }
0x8e: {  	[smem:$0x3FC1] =	sst s2  }
0x8f: {  	_ = 	snop  }
0x90: {  	s2 =	sld [smem:$0x3FD0];
	(tm) =	ssettm $0x1  }
0x91: {  	s18 =	sld [smem:$0x3FFB];
	_ =	sdelay $0x3  }
0x92: {  	_ =	strace s18  }
0x93: {  	s3 =	sld [smem:$0x3FFC];
	_ =	sdelay $0x3  }
0x94: {  	_ =	strace s3  }
0x95: {  	s3 =	sld [smem:$0x3FFD];
	_ =	sdelay $0x3  }
0x96: {  	_ =	strace s3  }
0x97: {  	_ =	strace $0x8FFFFFFF  }
0x98: {  	s19 =	sld [smem:$0x3FDB];
	_ =	sdelay $0x1  }
0x99: {  	s4 =	simm.s32 $_scs_section_size  }
0x9a: {  	s5 =	simm.s32 $_size__tile_overlayer_lowered;
	s6 =	simm.s32 $_tile_overlayer_lowered  }
0x9b: {  	s22 =	simm.s32 $0x1BFF;
	s21 =	sshll.u32 s6, $0x1;
	s3 =	sadd.s32 s4, s19  }
0x9c: {  	s7 =	simm.s32 $0x0;
	s20 =	sshll.u32 s5, $0x1;
	s5 =	sadd.s32 s21, s3  }
0x9d: {  	[timem:s7], [sflag:s22] =	dma.local [hbm:s5], s20  }
0x9e: {  	_ =	swait.ge [sflag:s22], s20  }
0x9f: {  	s4 =	ssub.s32 $0x0, s20;
	[sflag:s22] =	ssyncset.done $0x0  }
0xa0: {  	[sflag:s22] =	ssyncadd.s32 s4;
	_ =	sdelay $0x1  }
0xa1: {  	s23 =	simm.s32 $0x1B8B  }
0xa2: {  	_ =	swait.ge [sflag:s23], $0x1  }
0xa3: {  	[sflag:s23] =	ssyncset.done $0x0  }
0xa4: {  	s25 =	simm.s32 $0x1B8E;
	s24 =	sld [smem:$0x3FFE];
	[sflag:s23] =	ssyncadd.s32 $0xFFFFFFFF  }
0xa5: {  	s26 =	simm.s32 $execute0_lowered;
	[smem:$0x3FD2] =	sst s25  }
0xa6: {  	s5 =	sshll.u32 s26, $0x1;
	_ =	strace $0x80000049;
	[dreg:$0x1] =	wrdreg $0xFFFFFFFF  }
0xa7: {  	s28 =	simm.s32 $_size_execute0_lowered;
	s3 =	sadd.s32 s3, s5;
	[dreg:$0x0] =	wrdreg $0x0  }
0xa8: {  	s5 =	sshll.u32 s28, $0x1;
	[dreg:$0x2] =	wrdreg s3  }
0xa9: {  	[dreg:$0x3] =	wrdreg s5  }
0xaa: {  	[dreg:$0x4] =	wrdreg $0xC0  }
0xab: {  	_ =	task [dreg:s7], $0x5FFFF  }
0xac: {  	[dreg:$0x1] =	wrdreg $0xFFFFFFFF  }
0xad: {  	[dreg:$0x0] =	wrdreg $0x60  }
0xae: {  	[dreg:$0x2] =	wrdreg s24  }
0xaf: {  	[dreg:$0x3] =	wrdreg s2  }
0xb0: {  	[dreg:$0x4] =	wrdreg $0x0  }
0xb1: {  	[dreg:$0x5] =	wrdreg $0xA0000  }
0xb2: {  	[dreg:$0x6] =	wrdreg $0x9  }
0xb3: {  	_ =	task.clear_ibuf [dreg:s7], $0x7FFFF;
	_ =	strace $0x90000049  }
0xb4: {  	s29 =	simm.s32 $0x9;
	_ =	strace $0x8000004B  }
0xb5: {  	_ =	swait.ge [sflag:s29], $0x1  }
0xb6: {  	[sflag:s29] =	ssyncadd.s32 $0xFFFFFFFF  }
0xb7: {  	_ =	strace $0x9000004B  }
0xb8: {  	_ =	sfence  }
0xb9: {  	s30 =	sld [smem:$0x0];
	_ =	sdelay $0x2  }
0xba: {  	s31 =	sshll.u32 s1, $0xD;
	s1 =	sshrl.u32 s1, $0x2  }
0xbb: {  	s3 =	sand.u32 $0x4000, s31;
	s1 =	sadd.s32 s1, s30  }
0xbc: {  	s0 =	sor.u32 s3, s0;
	s1 =	sshll.u32 s1, $0x11  }
0xbd: {  	s0 =	sor.u32 s1, s0  }
0xbe: {  	s0 =	sadd.s32 $0x8F2B, s0  }
0xbf: {  	[sflag:s0] =	ssyncadd.remote.s32 $0x1  }
0xc0: {  	_ =	sfence.sel $0xFFFF  }
0xc1: {  	[dreg:$0x0] =	wrdreg $0xFFFFFFFF;
	(pc) =	sbr.abs _section_cstart, $3  }
0xc2: {  	[dreg:$0x1] =	wrdreg $0xFFFFFFFF  }
0xc3: {  	_ =	task.clear_ibuf [dreg:s7], $0x2FFFF;
	_ =	strace $0x9FFFFFFF  }
0xc4: {  	(tm) =	ssettm $0x7FFFFFFF  }
0xc5: {  	_ =	shalt  }
tec
execute0_lowered:
.L_overlay_start_1:
0x0: {  	(tag) =	ssettag $0x1  }
0x1: {  	s6 =	rddreg [dreg:$0x0]  }
0x2: {  	s5 =	rddreg [dreg:$0x1]  }
0x3: {  	s1 =	rddreg [dreg:$0x2]  }
0x4: {  	s3 =	rddreg [dreg:$0x3]  }
0x5: {  	s0 =	simm.s32 $0x0;
	s16 =	stileid.u32;
	s7 =	srdreg.scid  }
0x6: {  	[smem:$0x7FF] =	sst s0;
	s17 =	smul.u32 $0x280, s16  }
0x7: {  	s0 =	sadd.s32 $0x32C00, s6;
	s2 =	sadd.s32 $0xAC00, s6;
	s4 =	smul.u32 $0x4F80, s16  }
0x8: {  	s8 =	sadd.s32 $0x5B200, s6;
	s10 =	sand.u32 $0x1, s7;
	s18 =	sadd.s32 $0x84200, s6  }
0x9: {  	s7 =	sadd.s32 $0x5B800, s6;
	_ =	strace $0x8000004A;
	s12 =	smul.u32 $0x4F800, s10  }
0xa: {  	s14 =	ssub.s32 $0x2, s10;
	s19 =	smul.u32 $0x2800, s10;
	[dreg:$0x6] =	wrdreg s18  }
0xb: {  	s9 =	sshrl.u32 s17, $0x3;
	s23 =	sshrl.u32 s4, $0x3;
	s15 =	sshrl.u32 s14, $0x1  }
0xc: {  	[dreg:$0x5] =	wrdreg s17;
	s11 =	sadd.s32 s9, s6;
	s13 =	sadd.s32 s23, s6  }
0xd: {  	s12 =	sadd.s32 s4, s12;
	s4 =	ssub.s32 s14, s15;
	s14 =	sadd.s32 $0x80, s17  }
0xe: {  	s9 =	sadd.s32 s8, s9;
	s20 =	sadd.s32 s17, s19;
	s15 =	sadd.s32 $0x83800, s6  }
0xf: {  	[dreg:$0x8] =	wrdreg s19;
	s12 =	sshrl.u32 s12, $0x3;
	s24 =	sshrl.u32 s14, $0x3  }
0x10: {  	[dreg:$0x9] =	wrdreg s9;
	s9 =	sadd.s32 $0x100, s17;
	s21 =	sadd.s32 $0xC00, s13  }
0x11: {  	s22 =	sshll.u32 s20, $0x3;
	s23 =	sadd.s32 $0x5AC00, s11;
	[dreg:$0xe] =	wrdreg s21  }
0x12: {  	s11 =	sadd.s32 s19, s14;
	s5 =	sadd.s32 s5, s12;
	[dreg:$0xf] =	wrdreg s23  }
0x13: {  	s25 =	sshrl.u32 s9, $0x3;
	s6 =	sadd.s32 s18, s22;
	[dreg:$0x7] =	wrdreg s5  }
0x14: {  	s12 =	sadd.s32 $0x180, s17;
	s5 =	sadd.s32 s8, s24;
	[dreg:$0x13] =	wrdreg s6  }
0x15: {  	s10 =	sadd.s32 s8, s25;
	s26 =	sshrl.u32 s12, $0x3;
	[dreg:$0xa] =	wrdreg s5  }
0x16: {  	s24 =	sadd.s32 s2, s22;
	s25 =	smul.u32 $0x28000, s16;
	[dreg:$0xb] =	wrdreg s10  }
0x17: {  	s16 =	sshll.u32 s11, $0x3;
	s10 =	sadd.s32 s8, s26;
	[dreg:$0x10] =	wrdreg s24  }
0x18: {  	s5 =	sadd.s32 $0x200, s17;
	s26 =	sadd.s32 s7, s22;
	[dreg:$0xc] =	wrdreg s10  }
0x19: {  	s21 =	sadd.s32 s7, s16;
	s28 =	sshrl.u32 s5, $0x3;
	[dreg:$0x11] =	wrdreg s26  }
0x1a: {  	s29 =	simm.s32 $0x3;
	[dreg:$0x17] =	wrdreg s21;
	s8 =	sadd.s32 s8, s28  }
0x1b: {  	s10 =	sshrl.u32 s25, $0x2;
	s28 =	sadd.s32 s0, s22;
	[dreg:$0xd] =	wrdreg s8  }
0x1c: {  	s24 =	sadd.s32 s19, s9;
	s13 =	sadd.s32 s10, s1;
	[dreg:$0x12] =	wrdreg s28  }
0x1d: {  	s26 =	sshll.u32 s24, $0x3;
	s22 =	sadd.s32 s0, s16;
	[dreg:$0x15] =	wrdreg s13  }
0x1e: {  	s23 =	sshrl.u32 s11, $0x3;
	s11 =	sadd.s32 s2, s26;
	[dreg:$0x18] =	wrdreg s22  }
0x1f: {  	s8 =	sshrl.u32 s20, $0x3;
	s20 =	sadd.s32 s2, s16;
	[dreg:$0x1d] =	wrdreg s11  }
0x20: {  	s31 =	simm.s32 $0x4;
	s28 =	sadd.s32 s14, s3;
	[dreg:$0x16] =	wrdreg s20  }
0x21: {  	s30 =	simm.s32 $0x1E400;
	s13 =	sadd.s32 s7, s26;
	[dreg:$0x1c] =	wrdreg s28  }
0x22: {  	s25 =	sshll.u32 s14, $0x6;
	s14 =	sadd.s32 s0, s26;
	[dreg:$0x1e] =	wrdreg s13  }
0x23: {  	s22 =	sadd.s32 s19, s12;
	s6 =	sadd.s32 s15, s8;
	[dreg:$0x1f] =	wrdreg s14  }
0x24: {  	s20 =	sshrl.u32 s24, $0x3;
	[dreg:$0x14] =	wrdreg s6;
	s6 =	sadd.s32 s18, s16  }
0x25: {  	s24 =	sshll.u32 s22, $0x3;
	s16 =	sadd.s32 s18, s26;
	[dreg:$0x19] =	wrdreg s6  }
0x26: {  	s21 =	sshll.u32 s9, $0x6;
	s26 =	sadd.s32 s2, s24;
	[smem:$0x7EA] =	sst s16  }
0x27: {  	s10 =	simm.s32 $0x1E500;
	s28 =	sadd.s32 s7, s24;
	[smem:$0x7EE] =	sst s26  }
0x28: {  	s11 =	sshrl.u32 s22, $0x3;
	s6 =	sadd.s32 s15, s23;
	[smem:$0x7EF] =	sst s28  }
0x29: {  	s14 =	sadd.s32 s19, s5;
	s23 =	sadd.s32 s21, s1;
	[dreg:$0x1a] =	wrdreg s6  }
0x2a: {  	s19 =	sshll.u32 s14, $0x3;
	s16 =	sadd.s32 s12, s3;
	[smem:$0x7EC] =	sst s23  }
0x2b: {  	s13 =	sshll.u32 s12, $0x6;
	s2 =	sadd.s32 s2, s19;
	[smem:$0x7F4] =	sst s16  }
0x2c: {  	s8 =	simm.s32 $0x6;
	s21 =	sadd.s32 s18, s19;
	[smem:$0x7F5] =	sst s2  }
0x2d: {  	s22 =	sshrl.u32 s14, $0x3;
	s26 =	smax.u32 s4, $0x1;
	[smem:$0x7F8] =	sst s21  }
0x2e: {  	s28 =	sadd.s32 s17, s3;
	s17 =	simm.s32 $0x80;
	[smem:$0x7FC] =	sst s26  }
0x2f: {  	s6 =	sadd.s32 s25, s1;
	s25 =	sadd.s32 s9, s3;
	[smem:$0x7FD] =	sst s28  }
0x30: {  	s9 =	sadd.s32 s0, s24;
	s0 =	sadd.s32 s0, s19;
	[dreg:$0x1b] =	wrdreg s6  }
0x31: {  	s23 =	sshll.u32 s5, $0x6;
	s2 =	simm.s32 $0x7;
	[smem:$0x7ED] =	sst s25  }
0x32: {  	s21 =	simm.s32 $0x1E200;
	s26 =	simm.s32 $0x2;
	[smem:$0x7F0] =	sst s9  }
0x33: {  	s6 =	sadd.s32 s15, s20;
	[smem:$0x7F6] =	sst s0;
	s20 =	sadd.s32 s7, s19  }
0x34: {  	s0 =	sadd.s32 s15, s22;
	s25 =	sadd.s32 s5, s3;
	[smem:$0x7EB] =	sst s6  }
0x35: {  	s9 =	simm.s32 $0x1A180;
	s19 =	simm.s32 $0x1E180;
	[smem:$0x7F7] =	sst s20  }
0x36: {  	s5 =	simm.s32 $0x0;
	s22 =	simm.s32 $0x0;
	[smem:$0x7F9] =	sst s0  }
0x37: {  	s6 =	sadd.s32 s18, s24;
	s24 =	sadd.s32 s23, s1;
	[smem:$0x7FB] =	sst s25  }
0x38: {  	s18 =	simm.s32 $0x14180;
	s23 =	simm.s32 $0x18180;
	[smem:$0x7F1] =	sst s6  }
0x39: {  	s25 =	simm.s32 $0x1;
	s6 =	sadd.s32 s15, s11;
	[smem:$0x7FA] =	sst s24  }
0x3a: {  	s0 =	simm.s32 $0x5;
	[smem:$0x7F2] =	sst s6;
	s6 =	sadd.s32 s13, s1  }
0x3b: {  	v0 =	vimm.f32 $0.0e+00;
	s11 =	simm.s32 $0x16180;
	s24 =	simm.s32 $0x1E280;
	[smem:$0x7F3] =	sst s6  }
.LBB2_1:
0x3c: {  	[smem:$0x7E9] =	sst s5  }
0x3d: {  	s4 =	simm.s32 $0x0;
	s14 =	rddreg [dreg:$0x7];
	s6 =	simm.s32 $0xA280  }
0x3e: {  	[tilespmem:s6], [sflag:$0x7] =	stream.linear.gather [hbm4b:s14+s4], $0x4F80, $0x38;
	[tilespmem:$0x1E780] =	vst v63  }
0x3f: {  	_ =	swait.ge [sflag:s2], $0x4F80  }
0x40: {  	[sflag:s2] =	ssyncset.done $0x0  }
0x41: {  	s20 =	simm.s32 $0xF200;
	s16 =	rddreg [dreg:$0xe];
	[sflag:s2] =	ssyncadd.s32 $0xFFFFB080  }
0x42: {  	[tilespmem:s20], [sflag:$0x7] =	stream.linear.gather [hbm4b:s16+s4], $0x4F80, $0x38;
	[tilespmem:$0x1E780] =	vst v63  }
0x43: {  	_ =	swait.ge [sflag:s2], $0x4F80  }
0x44: {  	[sflag:s2] =	ssyncset.done $0x0  }
0x45: {  	s28 =	rddreg [dreg:$0xf];
	[sflag:s2] =	ssyncadd.s32 $0xFFFFB080  }
0x46: {  	[tilespmem:s10], [sflag:$0x7] =	stream.linear.gather [hbm4b:s28+s4], $0x280, $0x38;
	[tilespmem:$0x1E780] =	vst v63  }
0x47: {  	_ =	swait.ge [sflag:s2], $0x280  }
0x48: {  	[sflag:s2] =	ssyncset.done $0x0  }
0x49: {  	[sflag:s2] =	ssyncadd.s32 $0xFFFFFD80  }
0x4a: {  	[tilespmem:$0x1E480] =	vst v0  }
0x4b: {  	[tilespmem:$0x1E490] =	vst v0  }
0x4c: {  	[tilespmem:$0x1E4A0] =	vst v0  }
0x4d: {  	[tilespmem:$0x1E4B0] =	vst v0  }
0x4e: {  	[tilespmem:$0x1E4C0] =	vst v0  }
0x4f: {  	[tilespmem:$0x1E4D0] =	vst v0  }
0x50: {  	[tilespmem:$0x1E4E0] =	vst v0  }
0x51: {  	s5 =	simm.s32 $0x100;
	s4 =	simm.s32 $0x0;
	[tilespmem:$0x1E4F0] =	vst v0  }
.LBB2_2:
0x52: {  	p0 =	sne.s32 s5, $0x7F00;
	[tilespmem:s4+$0x1C1B0] =	vst v0;
	s6 =	smov.u32 s5;
	s5 =	sadd.s32 $0x100, s5  }
.Ltmp0:
0x53: {  	[tilespmem:s4+$0x1C1A0] =	vst v0;
	(pc) =	sbr.rel @p0 .LBB2_2-.Ltmp0, $3  }
0x54: {  	[tilespmem:s4+$0x1C180] =	vst v0  }
0x55: {  	[tilespmem:s4+$0x1C190] =	vst v0;
	_ =	sdelay $0x1  }
0x56: {  	s4 =	sshra.s32 s6, $0x2  }
0x57: {  	[tilespmem:s4+$0x1C1B0] =	vst v0  }
0x58: {  	[tilespmem:s4+$0x1C1A0] =	vst v0  }
0x59: {  	[tilespmem:s4+$0x1C180] =	vst v0  }
0x5a: {  	[tilespmem:s4+$0x1C190] =	vst v0;
	s13 =	simm.s32 $0x0;
	s28 =	rddreg [dreg:$0x10]  }
0x5b: {  	[tilespmem:s11], [sflag:$0x7] =	stream.linear.gather [hbm4b:s28+s13], $0x2000, $0x38;
	[tilespmem:$0x1E780] =	vst v63  }
0x5c: {  	_ =	swait.ge [sflag:s2], $0x2000  }
0x5d: {  	[sflag:s2] =	ssyncset.done $0x0  }
0x5e: {  	s5 =	rddreg [dreg:$0x11];
	[sflag:s2] =	ssyncadd.s32 $0xFFFFE000  }
0x5f: {  	[hbm4b:s5+s13] =	stream.linear.scatter [tilespmem:s11], [sflag:$0x7], $0x2000, $0x38;
	[tilespmem:$0x1E780] =	vst v63  }
0x60: {  	_ =	swait.ge [sflag:s2], $0x2000  }
0x61: {  	[sflag:s2] =	ssyncset.done $0x0  }
0x62: {  	s6 =	rddreg [dreg:$0x12];
	[sflag:s2] =	ssyncadd.s32 $0xFFFFE000  }
0x63: {  	[tilespmem:s9], [sflag:$0x7] =	stream.linear.gather [hbm4b:s6+s13], $0x2000, $0x38;
	[tilespmem:$0x1E780] =	vst v63  }
0x64: {  	_ =	swait.ge [sflag:s2], $0x2000  }
0x65: {  	[sflag:s2] =	ssyncset.done $0x0  }
0x66: {  	s12 =	rddreg [dreg:$0x13];
	[sflag:s2] =	ssyncadd.s32 $0xFFFFE000  }
0x67: {  	[hbm4b:s12+s13] =	stream.linear.scatter [tilespmem:s9], [sflag:$0x7], $0x2000, $0x38;
	[tilespmem:$0x1E780] =	vst v63  }
0x68: {  	_ =	swait.ge [sflag:s2], $0x2000  }
0x69: {  	[sflag:s2] =	ssyncset.done $0x0  }
0x6a: {  	s5 =	simm.s32 $0x1E380;
	s14 =	rddreg [dreg:$0x9];
	[sflag:s2] =	ssyncadd.s32 $0xFFFFE000  }
0x6b: {  	[tilespmem:s5], [sflag:$0x7] =	stream.linear.gather [hbm4b:s14+s13], $0x80, $0x38;
	[tilespmem:$0x1E780] =	vst v63  }
0x6c: {  	_ =	swait.ge [sflag:s2], $0x80  }
0x6d: {  	[sflag:s2] =	ssyncset.done $0x0  }
0x6e: {  	s16 =	rddreg [dreg:$0x14];
	[sflag:s2] =	ssyncadd.s32 $0xFFFFFF80  }
0x6f: {  	[hbm4b:s16+s13] =	stream.linear.scatter [tilespmem:s5], [sflag:$0x7], $0x80, $0x38;
	[tilespmem:$0x1E780] =	vst v63  }
0x70: {  	_ =	swait.ge [sflag:s2], $0x80  }
0x71: {  	[sflag:s2] =	ssyncset.done $0x0  }
0x72: {  	s6 =	simm.s32 $0x1C180;
	s20 =	rddreg [dreg:$0x15];
	[sflag:s2] =	ssyncadd.s32 $0xFFFFFF80  }
0x73: {  	[spmem:s20] =	stream.linear.scatter [tilespmem:s6], [sflag:$0x7], $0x2000, $0x38;
	[tilespmem:$0x1E780] =	vst v63  }
0x74: {  	_ =	swait.ge [sflag:s2], $0x2000  }
0x75: {  	s28 =	sld [smem:$0x7FD]  }
0x76: {  	[sflag:s2] =	ssyncset.done $0x0  }
0x77: {  	s12 =	simm.s32 $0x1E480;
	[sflag:s2] =	ssyncadd.s32 $0xFFFFE000  }
0x78: {  	[spmem:s28] =	stream.linear.scatter [tilespmem:s12], [sflag:$0x7], $0x80, $0x38;
	[tilespmem:$0x1E780] =	vst v63  }
0x79: {  	_ =	swait.ge [sflag:s2], $0x80  }
0x7a: {  	[sflag:s2] =	ssyncset.done $0x0  }
0x7b: {  	s14 =	rddreg [dreg:$0x16];
	[sflag:s2] =	ssyncadd.s32 $0xFFFFFF80  }
0x7c: {  	[tilespmem:s11], [sflag:$0x7] =	stream.linear.gather [hbm4b:s14+s13], $0x2000, $0x38;
	[tilespmem:$0x1E780] =	vst v63  }
0x7d: {  	_ =	swait.ge [sflag:s2], $0x2000  }
0x7e: {  	[sflag:s2] =	ssyncset.done $0x0  }
0x7f: {  	s16 =	rddreg [dreg:$0x17];
	[sflag:s2] =	ssyncadd.s32 $0xFFFFE000  }
0x80: {  	[hbm4b:s16+s13] =	stream.linear.scatter [tilespmem:s11], [sflag:$0x7], $0x2000, $0x38;
	[tilespmem:$0x1E780] =	vst v63  }
0x81: {  	_ =	swait.ge [sflag:s2], $0x2000  }
0x82: {  	[sflag:s2] =	ssyncset.done $0x0  }
0x83: {  	s20 =	rddreg [dreg:$0x18];
	[sflag:s2] =	ssyncadd.s32 $0xFFFFE000  }
0x84: {  	[tilespmem:s9], [sflag:$0x7] =	stream.linear.gather [hbm4b:s20+s13], $0x2000, $0x38;
	[tilespmem:$0x1E780] =	vst v63  }
0x85: {  	_ =	swait.ge [sflag:s2], $0x2000  }
0x86: {  	[sflag:s2] =	ssyncset.done $0x0  }
0x87: {  	s28 =	rddreg [dreg:$0x19];
	[sflag:s2] =	ssyncadd.s32 $0xFFFFE000  }
0x88: {  	[hbm4b:s28+s13] =	stream.linear.scatter [tilespmem:s9], [sflag:$0x7], $0x2000, $0x38;
	[tilespmem:$0x1E780] =	vst v63  }
0x89: {  	_ =	swait.ge [sflag:s2], $0x2000  }
0x8a: {  	[sflag:s2] =	ssyncset.done $0x0  }
0x8b: {  	s14 =	rddreg [dreg:$0xa];
	[sflag:s2] =	ssyncadd.s32 $0xFFFFE000  }
0x8c: {  	[tilespmem:s5], [sflag:$0x7] =	stream.linear.gather [hbm4b:s14+s13], $0x80, $0x38;
	[tilespmem:$0x1E780] =	vst v63  }
0x8d: {  	_ =	swait.ge [sflag:s2], $0x80  }
0x8e: {  	[sflag:s2] =	ssyncset.done $0x0  }
0x8f: {  	s16 =	rddreg [dreg:$0x1a];
	[sflag:s2] =	ssyncadd.s32 $0xFFFFFF80  }
0x90: {  	[hbm4b:s16+s13] =	stream.linear.scatter [tilespmem:s5], [sflag:$0x7], $0x80, $0x38;
	[tilespmem:$0x1E780] =	vst v63  }
0x91: {  	_ =	swait.ge [sflag:s2], $0x80  }
0x92: {  	[sflag:s2] =	ssyncset.done $0x0  }
0x93: {  	s20 =	rddreg [dreg:$0x1b];
	[sflag:s2] =	ssyncadd.s32 $0xFFFFFF80  }
0x94: {  	[spmem:s20] =	stream.linear.scatter [tilespmem:s6], [sflag:$0x7], $0x2000, $0x38;
	[tilespmem:$0x1E780] =	vst v63  }
0x95: {  	_ =	swait.ge [sflag:s2], $0x2000  }
0x96: {  	[sflag:s2] =	ssyncset.done $0x0  }
0x97: {  	s28 =	rddreg [dreg:$0x1c];
	[sflag:s2] =	ssyncadd.s32 $0xFFFFE000  }
0x98: {  	[spmem:s28] =	stream.linear.scatter [tilespmem:s12], [sflag:$0x7], $0x80, $0x38;
	[tilespmem:$0x1E780] =	vst v63  }
0x99: {  	_ =	swait.ge [sflag:s2], $0x80  }
0x9a: {  	[sflag:s2] =	ssyncset.done $0x0  }
0x9b: {  	s14 =	rddreg [dreg:$0x1d];
	[sflag:s2] =	ssyncadd.s32 $0xFFFFFF80  }
0x9c: {  	[tilespmem:s11], [sflag:$0x7] =	stream.linear.gather [hbm4b:s14+s13], $0x2000, $0x38;
	[tilespmem:$0x1E780] =	vst v63  }
0x9d: {  	_ =	swait.ge [sflag:s2], $0x2000  }
0x9e: {  	[sflag:s2] =	ssyncset.done $0x0  }
0x9f: {  	s16 =	rddreg [dreg:$0x1e];
	[sflag:s2] =	ssyncadd.s32 $0xFFFFE000  }
0xa0: {  	[hbm4b:s16+s13] =	stream.linear.scatter [tilespmem:s11], [sflag:$0x7], $0x2000, $0x38;
	[tilespmem:$0x1E780] =	vst v63  }
0xa1: {  	_ =	swait.ge [sflag:s2], $0x2000  }
0xa2: {  	[sflag:s2] =	ssyncset.done $0x0  }
0xa3: {  	s20 =	rddreg [dreg:$0x1f];
	[sflag:s2] =	ssyncadd.s32 $0xFFFFE000  }
0xa4: {  	[tilespmem:s9], [sflag:$0x7] =	stream.linear.gather [hbm4b:s20+s13], $0x2000, $0x38;
	[tilespmem:$0x1E780] =	vst v63  }
0xa5: {  	_ =	swait.ge [sflag:s2], $0x2000  }
0xa6: {  	s28 =	sld [smem:$0x7EA]  }
0xa7: {  	[sflag:s2] =	ssyncset.done $0x0  }
0xa8: {  	[sflag:s2] =	ssyncadd.s32 $0xFFFFE000  }
0xa9: {  	[hbm4b:s28+s13] =	stream.linear.scatter [tilespmem:s9], [sflag:$0x7], $0x2000, $0x38;
	[tilespmem:$0x1E780] =	vst v63  }
0xaa: {  	_ =	swait.ge [sflag:s2], $0x2000  }
0xab: {  	[sflag:s2] =	ssyncset.done $0x0  }
0xac: {  	s14 =	rddreg [dreg:$0xb];
	[sflag:s2] =	ssyncadd.s32 $0xFFFFE000  }
0xad: {  	[tilespmem:s5], [sflag:$0x7] =	stream.linear.gather [hbm4b:s14+s13], $0x80, $0x38;
	[tilespmem:$0x1E780] =	vst v63  }
0xae: {  	_ =	swait.ge [sflag:s2], $0x80  }
0xaf: {  	s16 =	sld [smem:$0x7EB]  }
0xb0: {  	[sflag:s2] =	ssyncset.done $0x0  }
0xb1: {  	[sflag:s2] =	ssyncadd.s32 $0xFFFFFF80  }
0xb2: {  	[hbm4b:s16+s13] =	stream.linear.scatter [tilespmem:s5], [sflag:$0x7], $0x80, $0x38;
	[tilespmem:$0x1E780] =	vst v63  }
0xb3: {  	_ =	swait.ge [sflag:s2], $0x80  }
0xb4: {  	s20 =	sld [smem:$0x7EC]  }
0xb5: {  	[sflag:s2] =	ssyncset.done $0x0  }
0xb6: {  	[sflag:s2] =	ssyncadd.s32 $0xFFFFFF80  }
0xb7: {  	[spmem:s20] =	stream.linear.scatter [tilespmem:s6], [sflag:$0x7], $0x2000, $0x38;
	[tilespmem:$0x1E780] =	vst v63  }
0xb8: {  	_ =	swait.ge [sflag:s2], $0x2000  }
0xb9: {  	s28 =	sld [smem:$0x7ED]  }
0xba: {  	[sflag:s2] =	ssyncset.done $0x0  }
0xbb: {  	[sflag:s2] =	ssyncadd.s32 $0xFFFFE000  }
0xbc: {  	[spmem:s28] =	stream.linear.scatter [tilespmem:s12], [sflag:$0x7], $0x80, $0x38;
	[tilespmem:$0x1E780] =	vst v63  }
0xbd: {  	_ =	swait.ge [sflag:s2], $0x80  }
0xbe: {  	s14 =	sld [smem:$0x7EE]  }
0xbf: {  	[sflag:s2] =	ssyncset.done $0x0  }
0xc0: {  	[sflag:s2] =	ssyncadd.s32 $0xFFFFFF80  }
0xc1: {  	[tilespmem:s11], [sflag:$0x7] =	stream.linear.gather [hbm4b:s14+s13], $0x2000, $0x38;
	[tilespmem:$0x1E780] =	vst v63  }
0xc2: {  	_ =	swait.ge [sflag:s2], $0x2000  }
0xc3: {  	s16 =	sld [smem:$0x7EF]  }
0xc4: {  	[sflag:s2] =	ssyncset.done $0x0  }
0xc5: {  	[sflag:s2] =	ssyncadd.s32 $0xFFFFE000  }
0xc6: {  	[hbm4b:s16+s13] =	stream.linear.scatter [tilespmem:s11], [sflag:$0x7], $0x2000, $0x38;
	[tilespmem:$0x1E780] =	vst v63  }
0xc7: {  	_ =	swait.ge [sflag:s2], $0x2000  }
0xc8: {  	s20 =	sld [smem:$0x7F0]  }
0xc9: {  	[sflag:s2] =	ssyncset.done $0x0  }
0xca: {  	[sflag:s2] =	ssyncadd.s32 $0xFFFFE000  }
0xcb: {  	[tilespmem:s9], [sflag:$0x7] =	stream.linear.gather [hbm4b:s20+s13], $0x2000, $0x38;
	[tilespmem:$0x1E780] =	vst v63  }
0xcc: {  	_ =	swait.ge [sflag:s2], $0x2000  }
0xcd: {  	s28 =	sld [smem:$0x7F1]  }
0xce: {  	[sflag:s2] =	ssyncset.done $0x0  }
0xcf: {  	[sflag:s2] =	ssyncadd.s32 $0xFFFFE000  }
0xd0: {  	[hbm4b:s28+s13] =	stream.linear.scatter [tilespmem:s9], [sflag:$0x7], $0x2000, $0x38;
	[tilespmem:$0x1E780] =	vst v63  }
0xd1: {  	_ =	swait.ge [sflag:s2], $0x2000  }
0xd2: {  	[sflag:s2] =	ssyncset.done $0x0  }
0xd3: {  	s14 =	rddreg [dreg:$0xc];
	[sflag:s2] =	ssyncadd.s32 $0xFFFFE000  }
0xd4: {  	[tilespmem:s5], [sflag:$0x7] =	stream.linear.gather [hbm4b:s14+s13], $0x80, $0x38;
	[tilespmem:$0x1E780] =	vst v63  }
0xd5: {  	_ =	swait.ge [sflag:s2], $0x80  }
0xd6: {  	s16 =	sld [smem:$0x7F2]  }
0xd7: {  	[sflag:s2] =	ssyncset.done $0x0  }
0xd8: {  	[sflag:s2] =	ssyncadd.s32 $0xFFFFFF80  }
0xd9: {  	[hbm4b:s16+s13] =	stream.linear.scatter [tilespmem:s5], [sflag:$0x7], $0x80, $0x38;
	[tilespmem:$0x1E780] =	vst v63  }
0xda: {  	_ =	swait.ge [sflag:s2], $0x80  }
0xdb: {  	s20 =	sld [smem:$0x7F3]  }
0xdc: {  	[sflag:s2] =	ssyncset.done $0x0  }
0xdd: {  	[sflag:s2] =	ssyncadd.s32 $0xFFFFFF80  }
0xde: {  	[spmem:s20] =	stream.linear.scatter [tilespmem:s6], [sflag:$0x7], $0x2000, $0x38;
	[tilespmem:$0x1E780] =	vst v63  }
0xdf: {  	_ =	swait.ge [sflag:s2], $0x2000  }
0xe0: {  	s28 =	sld [smem:$0x7F4]  }
0xe1: {  	[sflag:s2] =	ssyncset.done $0x0  }
0xe2: {  	[sflag:s2] =	ssyncadd.s32 $0xFFFFE000  }
0xe3: {  	[spmem:s28] =	stream.linear.scatter [tilespmem:s12], [sflag:$0x7], $0x80, $0x38;
	[tilespmem:$0x1E780] =	vst v63  }
0xe4: {  	_ =	swait.ge [sflag:s2], $0x80  }
0xe5: {  	s14 =	sld [smem:$0x7F5]  }
0xe6: {  	[sflag:s2] =	ssyncset.done $0x0  }
0xe7: {  	[sflag:s2] =	ssyncadd.s32 $0xFFFFFF80  }
0xe8: {  	[tilespmem:s11], [sflag:$0x7] =	stream.linear.gather [hbm4b:s14+s13], $0x2000, $0x38;
	[tilespmem:$0x1E780] =	vst v63  }
0xe9: {  	_ =	swait.ge [sflag:s2], $0x2000  }
0xea: {  	s16 =	sld [smem:$0x7F7]  }
0xeb: {  	[sflag:s2] =	ssyncset.done $0x0  }
0xec: {  	[sflag:s2] =	ssyncadd.s32 $0xFFFFE000  }
0xed: {  	[hbm4b:s16+s13] =	stream.linear.scatter [tilespmem:s11], [sflag:$0x7], $0x2000, $0x38;
	[tilespmem:$0x1E780] =	vst v63  }
0xee: {  	_ =	swait.ge [sflag:s2], $0x2000  }
0xef: {  	s20 =	sld [smem:$0x7F6]  }
0xf0: {  	[sflag:s2] =	ssyncset.done $0x0  }
0xf1: {  	[sflag:s2] =	ssyncadd.s32 $0xFFFFE000  }
0xf2: {  	[tilespmem:s9], [sflag:$0x7] =	stream.linear.gather [hbm4b:s20+s13], $0x2000, $0x38;
	[tilespmem:$0x1E780] =	vst v63  }
0xf3: {  	_ =	swait.ge [sflag:s2], $0x2000  }
0xf4: {  	s28 =	sld [smem:$0x7F8]  }
0xf5: {  	[sflag:s2] =	ssyncset.done $0x0  }
0xf6: {  	[sflag:s2] =	ssyncadd.s32 $0xFFFFE000  }
0xf7: {  	[hbm4b:s28+s13] =	stream.linear.scatter [tilespmem:s9], [sflag:$0x7], $0x2000, $0x38;
	[tilespmem:$0x1E780] =	vst v63  }
0xf8: {  	_ =	swait.ge [sflag:s2], $0x2000  }
0xf9: {  	[sflag:s2] =	ssyncset.done $0x0  }
0xfa: {  	s14 =	rddreg [dreg:$0xd];
	[sflag:s2] =	ssyncadd.s32 $0xFFFFE000  }
0xfb: {  	[tilespmem:s5], [sflag:$0x7] =	stream.linear.gather [hbm4b:s14+s13], $0x80, $0x38;
	[tilespmem:$0x1E780] =	vst v63  }
0xfc: {  	_ =	swait.ge [sflag:s2], $0x80  }
0xfd: {  	s16 =	sld [smem:$0x7F9]  }
0xfe: {  	[sflag:s2] =	ssyncset.done $0x0  }
0xff: {  	[sflag:s2] =	ssyncadd.s32 $0xFFFFFF80  }
0x100: {  	[hbm4b:s16+s13] =	stream.linear.scatter [tilespmem:s5], [sflag:$0x7], $0x80, $0x38;
	[tilespmem:$0x1E780] =	vst v63  }
0x101: {  	_ =	swait.ge [sflag:s2], $0x80  }
0x102: {  	s20 =	sld [smem:$0x7FA]  }
0x103: {  	[sflag:s2] =	ssyncset.done $0x0  }
0x104: {  	[sflag:s2] =	ssyncadd.s32 $0xFFFFFF80  }
0x105: {  	[spmem:s20] =	stream.linear.scatter [tilespmem:s6], [sflag:$0x7], $0x2000, $0x38;
	[tilespmem:$0x1E780] =	vst v63  }
0x106: {  	_ =	swait.ge [sflag:s2], $0x2000  }
0x107: {  	s28 =	sld [smem:$0x7FB]  }
0x108: {  	[sflag:s2] =	ssyncset.done $0x0  }
0x109: {  	[sflag:s2] =	ssyncadd.s32 $0xFFFFE000  }
0x10a: {  	[spmem:s28] =	stream.linear.scatter [tilespmem:s12], [sflag:$0x7], $0x80, $0x38;
	[tilespmem:$0x1E780] =	vst v63  }
0x10b: {  	_ =	swait.ge [sflag:s2], $0x80  }
0x10c: {  	[sflag:s2] =	ssyncset.done $0x0  }
0x10d: {  	[sflag:s2] =	ssyncadd.s32 $0xFFFFFF80  }
0x10e: {  	[bflag:$0x0] =	sbarrier.arrive $0xFFFF  }
.LBB2_4:
0x10f: {  	s4 =	simm.s32 $0xA280  }
0x110: {  	[tilespmem:s18], [sflag:$0x1] =	stream.indirect.gather [hbm4b:s7+s17], $0x40, s4, s17, $0xb8;
	[tilespmem:$0x1E780] =	vst v63  }
0x111: {  	_ = 	snop  }
0x112: {  	[tilespmem:s19], [sflag:$0x1] =	stream.indirect.gather [hbm4b:s15+s17], $0x1, s4, s17, $0xb8;
	[tilespmem:$0x1E780] =	vst v63  }
0x113: {  	[smem:$0x7E8] =	sst s13;
	s13 =	simm.s32 $0xA300  }
0x114: {  	[tilespmem:s11], [sflag:$0x2] =	stream.indirect.gather [hbm4b:s7+s17], $0x40, s13, s17, $0xb8;
	[tilespmem:$0x1E780] =	vst v63  }
0x115: {  	_ = 	snop  }
0x116: {  	[tilespmem:s21], [sflag:$0x2] =	stream.indirect.gather [hbm4b:s15+s17], $0x1, s13, s17, $0xb8;
	[tilespmem:$0x1E780] =	vst v63  }
0x117: {  	s14 =	simm.s32 $0xA380  }
0x118: {  	[tilespmem:s23], [sflag:$0x3] =	stream.indirect.gather [hbm4b:s7+s17], $0x40, s14, s17, $0xb8;
	[tilespmem:$0x1E780] =	vst v63  }
0x119: {  	_ = 	snop  }
0x11a: {  	[tilespmem:s24], [sflag:$0x3] =	stream.indirect.gather [hbm4b:s15+s17], $0x1, s14, s17, $0xb8;
	[tilespmem:$0x1E780] =	vst v63  }
0x11b: {  	_ =	swait.ge [sflag:s25], $0x2000  }
0x11c: {  	[sflag:s25] =	ssyncset.done $0x0  }
0x11d: {  	[sflag:s25] =	ssyncadd.s32 $0xFFFFE000  }
0x11e: {  	_ =	swait.ge [sflag:s25], $0x80  }
0x11f: {  	[sflag:s25] =	ssyncset.done $0x0  }
0x120: {  	s16 =	simm.s32 $0xF200;
	[sflag:s25] =	ssyncadd.s32 $0xFFFFFF80  }
0x121: {  	[spmem:s1] =	stream.indirect.scatter.add.f32 [tilespmem:s18], [sflag:$0x4], $0x40, s16, s17, $0xb8;
	[tilespmem:$0x1E780] =	vst v63  }
0x122: {  	_ = 	snop  }
0x123: {  	[spmem:s3] =	stream.indirect.scatter.add.f32 [tilespmem:s19], [sflag:$0x4], $0x1, s16, s17, $0xb8;
	[tilespmem:$0x1E780] =	vst v63  }
0x124: {  	_ =	swait.ge [sflag:s26], $0x2000  }
0x125: {  	[sflag:s26] =	ssyncset.done $0x0  }
0x126: {  	[sflag:s26] =	ssyncadd.s32 $0xFFFFE000  }
0x127: {  	_ =	swait.ge [sflag:s26], $0x80  }
0x128: {  	[sflag:s26] =	ssyncset.done $0x0  }
0x129: {  	s20 =	simm.s32 $0xF280;
	[sflag:s26] =	ssyncadd.s32 $0xFFFFFF80  }
0x12a: {  	[spmem:s1] =	stream.indirect.scatter.add.f32 [tilespmem:s11], [sflag:$0x5], $0x40, s20, s17, $0xb8;
	[tilespmem:$0x1E780] =	vst v63  }
0x12b: {  	_ = 	snop  }
0x12c: {  	[spmem:s3] =	stream.indirect.scatter.add.f32 [tilespmem:s21], [sflag:$0x5], $0x1, s20, s17, $0xb8;
	[tilespmem:$0x1E780] =	vst v63  }
0x12d: {  	_ =	swait.ge [sflag:s29], $0x2000  }
0x12e: {  	[sflag:s29] =	ssyncset.done $0x0  }
0x12f: {  	[sflag:s29] =	ssyncadd.s32 $0xFFFFE000  }
0x130: {  	_ =	swait.ge [sflag:s29], $0x80  }
0x131: {  	[sflag:s29] =	ssyncset.done $0x0  }
0x132: {  	s28 =	simm.s32 $0xF300;
	[sflag:s29] =	ssyncadd.s32 $0xFFFFFF80  }
0x133: {  	[spmem:s1] =	stream.indirect.scatter.add.f32 [tilespmem:s23], [sflag:$0x6], $0x40, s28, s17, $0xb8;
	[tilespmem:$0x1E780] =	vst v63  }
0x134: {  	_ = 	snop  }
0x135: {  	[spmem:s3] =	stream.indirect.scatter.add.f32 [tilespmem:s24], [sflag:$0x6], $0x1, s28, s17, $0xb8;
	[tilespmem:$0x1E780] =	vst v63  }
0x136: {  	_ =	swait.ge [sflag:s31], $0x2000  }
0x137: {  	[sflag:s31] =	ssyncset.done $0x0  }
0x138: {  	[sflag:s31] =	ssyncadd.s32 $0xFFFFE000  }
0x139: {  	_ =	swait.ge [sflag:s31], $0x80  }
0x13a: {  	[sflag:s31] =	ssyncset.done $0x0  }
0x13b: {  	s5 =	simm.s32 $0xA400;
	[sflag:s31] =	ssyncadd.s32 $0xFFFFFF80  }
0x13c: {  	[tilespmem:s18], [sflag:$0x1] =	stream.indirect.gather [hbm4b:s7+s17], $0x40, s5, s17, $0xb8;
	[tilespmem:$0x1E780] =	vst v63  }
0x13d: {  	_ = 	snop  }
0x13e: {  	[tilespmem:s19], [sflag:$0x1] =	stream.indirect.gather [hbm4b:s15+s17], $0x1, s5, s17, $0xb8;
	[tilespmem:$0x1E780] =	vst v63  }
0x13f: {  	_ =	swait.ge [sflag:s0], $0x2000  }
0x140: {  	[sflag:s0] =	ssyncset.done $0x0  }
0x141: {  	[sflag:s0] =	ssyncadd.s32 $0xFFFFE000  }
0x142: {  	_ =	swait.ge [sflag:s0], $0x80  }
0x143: {  	[sflag:s0] =	ssyncset.done $0x0  }
0x144: {  	s6 =	simm.s32 $0xA480;
	[sflag:s0] =	ssyncadd.s32 $0xFFFFFF80  }
0x145: {  	[tilespmem:s11], [sflag:$0x2] =	stream.indirect.gather [hbm4b:s7+s17], $0x40, s6, s17, $0xb8;
	[tilespmem:$0x1E780] =	vst v63  }
0x146: {  	_ = 	snop  }
0x147: {  	[tilespmem:s21], [sflag:$0x2] =	stream.indirect.gather [hbm4b:s15+s17], $0x1, s6, s17, $0xb8;
	[tilespmem:$0x1E780] =	vst v63  }
0x148: {  	_ =	swait.ge [sflag:s8], $0x2000  }
0x149: {  	[sflag:s8] =	ssyncset.done $0x0  }
0x14a: {  	[sflag:s8] =	ssyncadd.s32 $0xFFFFE000  }
0x14b: {  	_ =	swait.ge [sflag:s8], $0x80  }
0x14c: {  	[sflag:s8] =	ssyncset.done $0x0  }
0x14d: {  	s12 =	simm.s32 $0xA500;
	[sflag:s8] =	ssyncadd.s32 $0xFFFFFF80  }
0x14e: {  	[tilespmem:s23], [sflag:$0x3] =	stream.indirect.gather [hbm4b:s7+s17], $0x40, s12, s17, $0xb8;
	[tilespmem:$0x1E780] =	vst v63  }
0x14f: {  	_ = 	snop  }
0x150: {  	[tilespmem:s24], [sflag:$0x3] =	stream.indirect.gather [hbm4b:s15+s17], $0x1, s12, s17, $0xb8;
	[tilespmem:$0x1E780] =	vst v63  }
0x151: {  	_ =	swait.ge [sflag:s25], $0x2000  }
0x152: {  	[sflag:s25] =	ssyncset.done $0x0  }
0x153: {  	[sflag:s25] =	ssyncadd.s32 $0xFFFFE000  }
0x154: {  	_ =	swait.ge [sflag:s25], $0x80  }
0x155: {  	[sflag:s25] =	ssyncset.done $0x0  }
0x156: {  	s13 =	simm.s32 $0xF380;
	[sflag:s25] =	ssyncadd.s32 $0xFFFFFF80  }
0x157: {  	[spmem:s1] =	stream.indirect.scatter.add.f32 [tilespmem:s18], [sflag:$0x4], $0x40, s13, s17, $0xb8;
	[tilespmem:$0x1E780] =	vst v63  }
0x158: {  	_ = 	snop  }
0x159: {  	[spmem:s3] =	stream.indirect.scatter.add.f32 [tilespmem:s19], [sflag:$0x4], $0x1, s13, s17, $0xb8;
	[tilespmem:$0x1E780] =	vst v63  }
0x15a: {  	_ =	swait.ge [sflag:s26], $0x2000  }
0x15b: {  	[sflag:s26] =	ssyncset.done $0x0  }
0x15c: {  	[sflag:s26] =	ssyncadd.s32 $0xFFFFE000  }
0x15d: {  	_ =	swait.ge [sflag:s26], $0x80  }
0x15e: {  	[sflag:s26] =	ssyncset.done $0x0  }
0x15f: {  	s14 =	simm.s32 $0xF400;
	[sflag:s26] =	ssyncadd.s32 $0xFFFFFF80  }
0x160: {  	[spmem:s1] =	stream.indirect.scatter.add.f32 [tilespmem:s11], [sflag:$0x5], $0x40, s14, s17, $0xb8;
	[tilespmem:$0x1E780] =	vst v63  }
0x161: {  	_ = 	snop  }
0x162: {  	[spmem:s3] =	stream.indirect.scatter.add.f32 [tilespmem:s21], [sflag:$0x5], $0x1, s14, s17, $0xb8;
	[tilespmem:$0x1E780] =	vst v63  }
0x163: {  	_ =	swait.ge [sflag:s29], $0x2000  }
0x164: {  	[sflag:s29] =	ssyncset.done $0x0  }
0x165: {  	[sflag:s29] =	ssyncadd.s32 $0xFFFFE000  }
0x166: {  	_ =	swait.ge [sflag:s29], $0x80  }
0x167: {  	[sflag:s29] =	ssyncset.done $0x0  }
0x168: {  	s16 =	simm.s32 $0xF480;
	[sflag:s29] =	ssyncadd.s32 $0xFFFFFF80  }
0x169: {  	[spmem:s1] =	stream.indirect.scatter.add.f32 [tilespmem:s23], [sflag:$0x6], $0x40, s16, s17, $0xb8;
	[tilespmem:$0x1E780] =	vst v63  }
0x16a: {  	_ = 	snop  }
0x16b: {  	[spmem:s3] =	stream.indirect.scatter.add.f32 [tilespmem:s24], [sflag:$0x6], $0x1, s16, s17, $0xb8;
	[tilespmem:$0x1E780] =	vst v63  }
0x16c: {  	_ =	swait.ge [sflag:s31], $0x2000  }
0x16d: {  	[sflag:s31] =	ssyncset.done $0x0  }
0x16e: {  	[sflag:s31] =	ssyncadd.s32 $0xFFFFE000  }
0x16f: {  	_ =	swait.ge [sflag:s31], $0x80  }
0x170: {  	[sflag:s31] =	ssyncset.done $0x0  }
0x171: {  	s20 =	simm.s32 $0xA580;
	[sflag:s31] =	ssyncadd.s32 $0xFFFFFF80  }
0x172: {  	[tilespmem:s18], [sflag:$0x1] =	stream.indirect.gather [hbm4b:s7+s17], $0x40, s20, s17, $0xb8;
	[tilespmem:$0x1E780] =	vst v63  }
0x173: {  	_ = 	snop  }
0x174: {  	[tilespmem:s19], [sflag:$0x1] =	stream.indirect.gather [hbm4b:s15+s17], $0x1, s20, s17, $0xb8;
	[tilespmem:$0x1E780] =	vst v63  }
0x175: {  	_ =	swait.ge [sflag:s0], $0x2000  }
0x176: {  	[sflag:s0] =	ssyncset.done $0x0  }
0x177: {  	[sflag:s0] =	ssyncadd.s32 $0xFFFFE000  }
0x178: {  	_ =	swait.ge [sflag:s0], $0x80  }
0x179: {  	[sflag:s0] =	ssyncset.done $0x0  }
0x17a: {  	s28 =	simm.s32 $0xA600;
	[sflag:s0] =	ssyncadd.s32 $0xFFFFFF80  }
0x17b: {  	[tilespmem:s11], [sflag:$0x2] =	stream.indirect.gather [hbm4b:s7+s17], $0x40, s28, s17, $0xb8;
	[tilespmem:$0x1E780] =	vst v63  }
0x17c: {  	_ = 	snop  }
0x17d: {  	[tilespmem:s21], [sflag:$0x2] =	stream.indirect.gather [hbm4b:s15+s17], $0x1, s28, s17, $0xb8;
	[tilespmem:$0x1E780] =	vst v63  }
0x17e: {  	_ =	swait.ge [sflag:s8], $0x2000  }
0x17f: {  	[sflag:s8] =	ssyncset.done $0x0  }
0x180: {  	[sflag:s8] =	ssyncadd.s32 $0xFFFFE000  }
0x181: {  	_ =	swait.ge [sflag:s8], $0x80  }
0x182: {  	[sflag:s8] =	ssyncset.done $0x0  }
0x183: {  	s4 =	simm.s32 $0x600;
	s5 =	simm.s32 $0xA680;
	[sflag:s8] =	ssyncadd.s32 $0xFFFFFF80  }
0x184: {  	[tilespmem:s23], [sflag:$0x3] =	stream.indirect.gather [hbm4b:s7+s17], $0x40, s5, s17, $0xb8;
	[tilespmem:$0x1E780] =	vst v63  }
.LBB2_5:
0x185: {  	[tilespmem:s24], [sflag:$0x3] =	stream.indirect.gather [hbm4b:s15+s17], $0x1, s5, s17, $0xb8;
	[tilespmem:$0x1E780] =	vst v63  }
0x186: {  	s5 =	smov.u32 s4  }
0x187: {  	p0 =	sne.s32 s4, $0x12C00;
	s4 =	sadd.s32 $0x600, s4;
	_ =	swait.ge [sflag:s25], $0x2000  }
0x188: {  	[sflag:s25] =	ssyncset.done $0x0  }
0x189: {  	[sflag:s25] =	ssyncadd.s32 $0xFFFFE000  }
0x18a: {  	_ =	swait.ge [sflag:s25], $0x80  }
0x18b: {  	s5 =	sshra.s32 s5, $0x2;
	[sflag:s25] =	ssyncset.done $0x0  }
0x18c: {  	s6 =	sadd.s32 $0xF380, s5;
	[sflag:s25] =	ssyncadd.s32 $0xFFFFFF80  }
0x18d: {  	[spmem:s1] =	stream.indirect.scatter.add.f32 [tilespmem:s18], [sflag:$0x4], $0x40, s6, s17, $0xb8;
	[tilespmem:$0x1E780] =	vst v63  }
0x18e: {  	_ = 	snop  }
0x18f: {  	[spmem:s3] =	stream.indirect.scatter.add.f32 [tilespmem:s19], [sflag:$0x4], $0x1, s6, s17, $0xb8;
	[tilespmem:$0x1E780] =	vst v63  }
0x190: {  	_ =	swait.ge [sflag:s26], $0x2000  }
0x191: {  	[sflag:s26] =	ssyncset.done $0x0  }
0x192: {  	[sflag:s26] =	ssyncadd.s32 $0xFFFFE000  }
0x193: {  	_ =	swait.ge [sflag:s26], $0x80  }
0x194: {  	[sflag:s26] =	ssyncset.done $0x0  }
0x195: {  	s6 =	sadd.s32 $0xF400, s5;
	[sflag:s26] =	ssyncadd.s32 $0xFFFFFF80  }
0x196: {  	[spmem:s1] =	stream.indirect.scatter.add.f32 [tilespmem:s11], [sflag:$0x5], $0x40, s6, s17, $0xb8;
	[tilespmem:$0x1E780] =	vst v63  }
0x197: {  	_ = 	snop  }
0x198: {  	[spmem:s3] =	stream.indirect.scatter.add.f32 [tilespmem:s21], [sflag:$0x5], $0x1, s6, s17, $0xb8;
	[tilespmem:$0x1E780] =	vst v63  }
0x199: {  	_ =	swait.ge [sflag:s29], $0x2000  }
0x19a: {  	[sflag:s29] =	ssyncset.done $0x0  }
0x19b: {  	[sflag:s29] =	ssyncadd.s32 $0xFFFFE000  }
0x19c: {  	_ =	swait.ge [sflag:s29], $0x80  }
0x19d: {  	[sflag:s29] =	ssyncset.done $0x0  }
0x19e: {  	s6 =	sadd.s32 $0xF480, s5;
	[sflag:s29] =	ssyncadd.s32 $0xFFFFFF80  }
0x19f: {  	[spmem:s1] =	stream.indirect.scatter.add.f32 [tilespmem:s23], [sflag:$0x6], $0x40, s6, s17, $0xb8;
	[tilespmem:$0x1E780] =	vst v63  }
0x1a0: {  	_ = 	snop  }
0x1a1: {  	[spmem:s3] =	stream.indirect.scatter.add.f32 [tilespmem:s24], [sflag:$0x6], $0x1, s6, s17, $0xb8;
	[tilespmem:$0x1E780] =	vst v63  }
0x1a2: {  	_ =	swait.ge [sflag:s31], $0x2000  }
0x1a3: {  	[sflag:s31] =	ssyncset.done $0x0  }
0x1a4: {  	[sflag:s31] =	ssyncadd.s32 $0xFFFFE000  }
0x1a5: {  	_ =	swait.ge [sflag:s31], $0x80  }
0x1a6: {  	[sflag:s31] =	ssyncset.done $0x0  }
0x1a7: {  	s6 =	sadd.s32 $0xA580, s5;
	[sflag:s31] =	ssyncadd.s32 $0xFFFFFF80  }
0x1a8: {  	[tilespmem:s18], [sflag:$0x1] =	stream.indirect.gather [hbm4b:s7+s17], $0x40, s6, s17, $0xb8;
	[tilespmem:$0x1E780] =	vst v63  }
0x1a9: {  	_ = 	snop  }
0x1aa: {  	[tilespmem:s19], [sflag:$0x1] =	stream.indirect.gather [hbm4b:s15+s17], $0x1, s6, s17, $0xb8;
	[tilespmem:$0x1E780] =	vst v63  }
0x1ab: {  	_ =	swait.ge [sflag:s0], $0x2000  }
0x1ac: {  	[sflag:s0] =	ssyncset.done $0x0  }
0x1ad: {  	[sflag:s0] =	ssyncadd.s32 $0xFFFFE000  }
0x1ae: {  	_ =	swait.ge [sflag:s0], $0x80  }
0x1af: {  	[sflag:s0] =	ssyncset.done $0x0  }
0x1b0: {  	s6 =	sadd.s32 $0xA600, s5;
	[sflag:s0] =	ssyncadd.s32 $0xFFFFFF80  }
0x1b1: {  	[tilespmem:s11], [sflag:$0x2] =	stream.indirect.gather [hbm4b:s7+s17], $0x40, s6, s17, $0xb8;
	[tilespmem:$0x1E780] =	vst v63  }
0x1b2: {  	_ = 	snop  }
0x1b3: {  	[tilespmem:s21], [sflag:$0x2] =	stream.indirect.gather [hbm4b:s15+s17], $0x1, s6, s17, $0xb8;
	[tilespmem:$0x1E780] =	vst v63  }
0x1b4: {  	_ =	swait.ge [sflag:s8], $0x2000  }
0x1b5: {  	[sflag:s8] =	ssyncset.done $0x0  }
.Ltmp1:
0x1b6: {  	[sflag:s8] =	ssyncadd.s32 $0xFFFFE000;
	(pc) =	sbr.rel @p0 .LBB2_5-.Ltmp1, $4  }
0x1b7: {  	_ =	swait.ge [sflag:s8], $0x80  }
0x1b8: {  	[sflag:s8] =	ssyncset.done $0x0  }
0x1b9: {  	s5 =	sadd.s32 $0xA680, s5;
	[sflag:s8] =	ssyncadd.s32 $0xFFFFFF80  }
0x1ba: {  	[tilespmem:s23], [sflag:$0x3] =	stream.indirect.gather [hbm4b:s7+s17], $0x40, s5, s17, $0xb8;
	[tilespmem:$0x1E780] =	vst v63  }
0x1bb: {  	[tilespmem:s24], [sflag:$0x3] =	stream.indirect.gather [hbm4b:s15+s17], $0x1, s5, s17, $0xb8;
	[tilespmem:$0x1E780] =	vst v63  }
0x1bc: {  	_ =	swait.ge [sflag:s25], $0x2000  }
0x1bd: {  	[sflag:s25] =	ssyncset.done $0x0  }
0x1be: {  	[sflag:s25] =	ssyncadd.s32 $0xFFFFE000  }
0x1bf: {  	_ =	swait.ge [sflag:s25], $0x80  }
0x1c0: {  	[sflag:s25] =	ssyncset.done $0x0  }
0x1c1: {  	s4 =	simm.s32 $0x14000;
	[sflag:s25] =	ssyncadd.s32 $0xFFFFFF80  }
0x1c2: {  	[spmem:s1] =	stream.indirect.scatter.add.f32 [tilespmem:s18], [sflag:$0x4], $0x40, s4, s17, $0xb8;
	[tilespmem:$0x1E780] =	vst v63  }
0x1c3: {  	_ = 	snop  }
0x1c4: {  	[spmem:s3] =	stream.indirect.scatter.add.f32 [tilespmem:s19], [sflag:$0x4], $0x1, s4, s17, $0xb8;
	[tilespmem:$0x1E780] =	vst v63  }
0x1c5: {  	_ =	swait.ge [sflag:s26], $0x2000  }
0x1c6: {  	[sflag:s26] =	ssyncset.done $0x0  }
0x1c7: {  	[sflag:s26] =	ssyncadd.s32 $0xFFFFE000  }
0x1c8: {  	_ =	swait.ge [sflag:s26], $0x80  }
0x1c9: {  	[sflag:s26] =	ssyncset.done $0x0  }
0x1ca: {  	s20 =	simm.s32 $0x14080;
	[sflag:s26] =	ssyncadd.s32 $0xFFFFFF80  }
0x1cb: {  	[spmem:s1] =	stream.indirect.scatter.add.f32 [tilespmem:s11], [sflag:$0x5], $0x40, s20, s17, $0xb8;
	[tilespmem:$0x1E780] =	vst v63  }
0x1cc: {  	_ = 	snop  }
0x1cd: {  	[spmem:s3] =	stream.indirect.scatter.add.f32 [tilespmem:s21], [sflag:$0x5], $0x1, s20, s17, $0xb8;
	[tilespmem:$0x1E780] =	vst v63  }
0x1ce: {  	_ =	swait.ge [sflag:s29], $0x2000  }
0x1cf: {  	[sflag:s29] =	ssyncset.done $0x0  }
0x1d0: {  	[sflag:s29] =	ssyncadd.s32 $0xFFFFE000  }
0x1d1: {  	_ =	swait.ge [sflag:s29], $0x80  }
0x1d2: {  	[sflag:s29] =	ssyncset.done $0x0  }
0x1d3: {  	s28 =	simm.s32 $0x14100;
	[sflag:s29] =	ssyncadd.s32 $0xFFFFFF80  }
0x1d4: {  	[spmem:s1] =	stream.indirect.scatter.add.f32 [tilespmem:s23], [sflag:$0x6], $0x40, s28, s17, $0xb8;
	[tilespmem:$0x1E780] =	vst v63  }
0x1d5: {  	_ = 	snop  }
0x1d6: {  	[spmem:s3] =	stream.indirect.scatter.add.f32 [tilespmem:s24], [sflag:$0x6], $0x1, s28, s17, $0xb8;
	[tilespmem:$0x1E780] =	vst v63  }
0x1d7: {  	_ =	swait.ge [sflag:s31], $0x2000  }
0x1d8: {  	[sflag:s31] =	ssyncset.done $0x0  }
0x1d9: {  	[sflag:s31] =	ssyncadd.s32 $0xFFFFE000  }
0x1da: {  	_ =	swait.ge [sflag:s31], $0x80  }
0x1db: {  	[sflag:s31] =	ssyncset.done $0x0  }
0x1dc: {  	[sflag:s31] =	ssyncadd.s32 $0xFFFFFF80  }
0x1dd: {  	_ =	swait.ge [sflag:s0], $0x2000  }
0x1de: {  	[sflag:s0] =	ssyncset.done $0x0  }
0x1df: {  	[sflag:s0] =	ssyncadd.s32 $0xFFFFE000  }
0x1e0: {  	_ =	swait.ge [sflag:s0], $0x80  }
0x1e1: {  	[sflag:s0] =	ssyncset.done $0x0  }
0x1e2: {  	[sflag:s0] =	ssyncadd.s32 $0xFFFFFF80  }
0x1e3: {  	_ =	swait.ge [sflag:s8], $0x2000  }
0x1e4: {  	[sflag:s8] =	ssyncset.done $0x0  }
0x1e5: {  	[sflag:s8] =	ssyncadd.s32 $0xFFFFE000  }
0x1e6: {  	_ =	swait.ge [sflag:s8], $0x80  }
0x1e7: {  	[sflag:s8] =	ssyncset.done $0x0  }
0x1e8: {  	[sflag:s8] =	ssyncadd.s32 $0xFFFFFF80  }
0x1e9: {  	s14 =	simm.s32 $0x0;
	s20 =	simm.s32 $0x0;
	[bflag:$0x0] =	sbarrier.arrive $0xFFFF  }
.LBB2_7:
0x1ea: {  	s4 =	sshll.u32 s14, $0x7;
	s5 =	rddreg [dreg:$0x5]  }
0x1eb: {  	s5 =	sadd.s32 s5, s4  }
0x1ec: {  	s6 =	sshll.u32 s5, $0x6  }
0x1ed: {  	s6 =	sand.u32 $0x3FFFFFC0, s6  }
0x1ee: {  	s6 =	sadd.s32 s6, s1  }
0x1ef: {  	[tilespmem:s18], [sflag:$0x7] =	stream.linear.gather [spmem:s6], $0x2000, $0x38;
	[tilespmem:$0x1E780] =	vst v63  }
0x1f0: {  	_ =	swait.ge [sflag:s2], $0x2000  }
0x1f1: {  	[sflag:s2] =	ssyncset.done $0x0  }
0x1f2: {  	s12 =	simm.s32 $0x1C180;
	[sflag:s2] =	ssyncadd.s32 $0xFFFFE000  }
0x1f3: {  	[spmem:s6] =	stream.linear.scatter [tilespmem:s12], [sflag:$0x7], $0x2000, $0x38;
	[tilespmem:$0x1E780] =	vst v63  }
0x1f4: {  	_ =	swait.ge [sflag:s2], $0x2000  }
0x1f5: {  	[sflag:s2] =	ssyncset.done $0x0  }
0x1f6: {  	s13 =	simm.s32 $0x1E300;
	s6 =	sadd.s32 s5, s3;
	[sflag:s2] =	ssyncadd.s32 $0xFFFFE000  }
0x1f7: {  	[tilespmem:s13], [sflag:$0x7] =	stream.linear.gather [spmem:s6], $0x80, $0x38;
	[tilespmem:$0x1E780] =	vst v63  }
0x1f8: {  	_ =	swait.ge [sflag:s2], $0x80  }
0x1f9: {  	[sflag:s2] =	ssyncset.done $0x0  }
0x1fa: {  	s16 =	simm.s32 $0x1E480;
	s12 =	rddreg [dreg:$0x8];
	[sflag:s2] =	ssyncadd.s32 $0xFFFFFF80  }
0x1fb: {  	[spmem:s6] =	stream.linear.scatter [tilespmem:s16], [sflag:$0x7], $0x80, $0x38;
	[tilespmem:$0x1E780] =	vst v63  }
0x1fc: {  	s5 =	sadd.s32 s12, s5;
	_ =	swait.ge [sflag:s2], $0x80  }
0x1fd: {  	s16 =	sshll.u32 s5, $0x3;
	[sflag:s2] =	ssyncset.done $0x0;
	s13 =	rddreg [dreg:$0x6]  }
0x1fe: {  	[sflag:s2] =	ssyncadd.s32 $0xFFFFFF80;
	s13 =	sadd.s32 s13, s16  }
0x1ff: {  	[tilespmem:s9], [sflag:$0x7] =	stream.linear.gather [hbm4b:s13+s22], $0x2000, $0x38;
	[tilespmem:$0x1E780] =	vst v63  }
0x200: {  	_ =	swait.ge [sflag:s2], $0x2000  }
0x201: {  	[sflag:s2] =	ssyncset.done $0x0  }
0x202: {  	[sflag:s2] =	ssyncadd.s32 $0xFFFFE000  }
0x203: {  	v1 =	vld [tilespmem:s4+$0x1E500]  }
0x204: {  	v2 =	vld [tilespmem:$0x1E300];
	_ =	sdelay $0x4  }
0x205: {  	v2 =	vmul.f32 v2, v1;
	_ =	sdelay $0x1  }
0x206: {  	v3 =	vsub.f32 $0.0e+00, v2;
	_ =	sdelay $0x1  }
0x207: {  	v3 =	vmul.f32 $1.442695020e+00, v3;
	_ =	sdelay $0x1  }
0x208: {  	(erf) = vpow2.f32 v3;
	_ =	sdelay $0x8  }
0x209: {  	v3 =	vpop (erf)  }
0x20a: {  	v3 =	vadd.f32 $1.000000000e+00, v3;
	_ =	sdelay $0x1  }
0x20b: {  	(erf) = vrcp.f32 v3;
	_ =	sdelay $0x6  }
0x20c: {  	v1 =	vmul.f32 v2, v1;
	_ =	sdelay $0x1  }
0x20d: {  	[tilespmem:$0x1E380] =	vst v1;
	v3 =	vpop (erf)  }
0x20e: {  	v2 =	vld [tilespmem:$0x1E310];
	[tilespmem:$0x1E400] =	vst v3  }
0x20f: {  	v1 =	vld [tilespmem:s4+$0x1E510];
	_ =	sdelay $0x4  }
0x210: {  	v2 =	vmul.f32 v2, v1;
	_ =	sdelay $0x1  }
0x211: {  	v3 =	vsub.f32 $0.0e+00, v2;
	_ =	sdelay $0x1  }
0x212: {  	v3 =	vmul.f32 $1.442695020e+00, v3;
	_ =	sdelay $0x1  }
0x213: {  	(erf) = vpow2.f32 v3;
	_ =	sdelay $0x8  }
0x214: {  	v3 =	vpop (erf)  }
0x215: {  	v3 =	vadd.f32 $1.000000000e+00, v3;
	_ =	sdelay $0x1  }
0x216: {  	(erf) = vrcp.f32 v3;
	_ =	sdelay $0x6  }
0x217: {  	v1 =	vmul.f32 v2, v1;
	_ =	sdelay $0x1  }
0x218: {  	[tilespmem:$0x1E390] =	vst v1;
	v3 =	vpop (erf)  }
0x219: {  	v2 =	vld [tilespmem:$0x1E320];
	[tilespmem:$0x1E410] =	vst v3  }
0x21a: {  	v1 =	vld [tilespmem:s4+$0x1E520];
	_ =	sdelay $0x4  }
0x21b: {  	v2 =	vmul.f32 v2, v1;
	_ =	sdelay $0x1  }
0x21c: {  	v3 =	vsub.f32 $0.0e+00, v2;
	_ =	sdelay $0x1  }
0x21d: {  	v3 =	vmul.f32 $1.442695020e+00, v3;
	_ =	sdelay $0x1  }
0x21e: {  	(erf) = vpow2.f32 v3;
	_ =	sdelay $0x8  }
0x21f: {  	v3 =	vpop (erf)  }
0x220: {  	v3 =	vadd.f32 $1.000000000e+00, v3;
	_ =	sdelay $0x1  }
0x221: {  	(erf) = vrcp.f32 v3;
	_ =	sdelay $0x6  }
0x222: {  	v1 =	vmul.f32 v2, v1;
	_ =	sdelay $0x1  }
0x223: {  	[tilespmem:$0x1E3A0] =	vst v1;
	v3 =	vpop (erf)  }
0x224: {  	v2 =	vld [tilespmem:$0x1E330];
	[tilespmem:$0x1E420] =	vst v3  }
0x225: {  	v1 =	vld [tilespmem:s4+$0x1E530];
	_ =	sdelay $0x4  }
0x226: {  	v2 =	vmul.f32 v2, v1;
	_ =	sdelay $0x1  }
0x227: {  	v3 =	vsub.f32 $0.0e+00, v2;
	_ =	sdelay $0x1  }
0x228: {  	v3 =	vmul.f32 $1.442695020e+00, v3;
	_ =	sdelay $0x1  }
0x229: {  	(erf) = vpow2.f32 v3;
	_ =	sdelay $0x8  }
0x22a: {  	v3 =	vpop (erf)  }
0x22b: {  	v3 =	vadd.f32 $1.000000000e+00, v3;
	_ =	sdelay $0x1  }
0x22c: {  	(erf) = vrcp.f32 v3;
	_ =	sdelay $0x6  }
0x22d: {  	v1 =	vmul.f32 v2, v1;
	_ =	sdelay $0x1  }
0x22e: {  	[tilespmem:$0x1E3B0] =	vst v1;
	v3 =	vpop (erf)  }
0x22f: {  	v2 =	vld [tilespmem:$0x1E340];
	[tilespmem:$0x1E430] =	vst v3  }
0x230: {  	v1 =	vld [tilespmem:s4+$0x1E540];
	_ =	sdelay $0x4  }
0x231: {  	v2 =	vmul.f32 v2, v1;
	_ =	sdelay $0x1  }
0x232: {  	v3 =	vsub.f32 $0.0e+00, v2;
	_ =	sdelay $0x1  }
0x233: {  	v3 =	vmul.f32 $1.442695020e+00, v3;
	_ =	sdelay $0x1  }
0x234: {  	(erf) = vpow2.f32 v3;
	_ =	sdelay $0x8  }
0x235: {  	v3 =	vpop (erf)  }
0x236: {  	v3 =	vadd.f32 $1.000000000e+00, v3;
	_ =	sdelay $0x1  }
0x237: {  	(erf) = vrcp.f32 v3;
	_ =	sdelay $0x6  }
0x238: {  	v1 =	vmul.f32 v2, v1;
	_ =	sdelay $0x1  }
0x239: {  	[tilespmem:$0x1E3C0] =	vst v1;
	v3 =	vpop (erf)  }
0x23a: {  	v2 =	vld [tilespmem:$0x1E350];
	[tilespmem:$0x1E440] =	vst v3  }
0x23b: {  	v1 =	vld [tilespmem:s4+$0x1E550];
	_ =	sdelay $0x4  }
0x23c: {  	v2 =	vmul.f32 v2, v1;
	_ =	sdelay $0x1  }
0x23d: {  	v3 =	vsub.f32 $0.0e+00, v2;
	_ =	sdelay $0x1  }
0x23e: {  	v3 =	vmul.f32 $1.442695020e+00, v3;
	_ =	sdelay $0x1  }
0x23f: {  	(erf) = vpow2.f32 v3;
	_ =	sdelay $0x8  }
0x240: {  	v3 =	vpop (erf)  }
0x241: {  	v3 =	vadd.f32 $1.000000000e+00, v3;
	_ =	sdelay $0x1  }
0x242: {  	(erf) = vrcp.f32 v3;
	_ =	sdelay $0x6  }
0x243: {  	v1 =	vmul.f32 v2, v1;
	_ =	sdelay $0x1  }
0x244: {  	[tilespmem:$0x1E3D0] =	vst v1;
	v3 =	vpop (erf)  }
0x245: {  	v2 =	vld [tilespmem:$0x1E360];
	[tilespmem:$0x1E450] =	vst v3  }
0x246: {  	v1 =	vld [tilespmem:s4+$0x1E560];
	_ =	sdelay $0x4  }
0x247: {  	v2 =	vmul.f32 v2, v1;
	_ =	sdelay $0x1  }
0x248: {  	v3 =	vsub.f32 $0.0e+00, v2;
	_ =	sdelay $0x1  }
0x249: {  	v3 =	vmul.f32 $1.442695020e+00, v3;
	_ =	sdelay $0x1  }
0x24a: {  	(erf) = vpow2.f32 v3;
	_ =	sdelay $0x8  }
0x24b: {  	v3 =	vpop (erf)  }
0x24c: {  	v3 =	vadd.f32 $1.000000000e+00, v3;
	_ =	sdelay $0x1  }
0x24d: {  	(erf) = vrcp.f32 v3;
	_ =	sdelay $0x6  }
0x24e: {  	v1 =	vmul.f32 v2, v1;
	_ =	sdelay $0x1  }
0x24f: {  	[tilespmem:$0x1E3E0] =	vst v1;
	v3 =	vpop (erf)  }
0x250: {  	v2 =	vld [tilespmem:$0x1E370];
	[tilespmem:$0x1E460] =	vst v3  }
0x251: {  	v1 =	vld [tilespmem:s4+$0x1E570];
	_ =	sdelay $0x4  }
0x252: {  	v2 =	vmul.f32 v2, v1;
	_ =	sdelay $0x1  }
0x253: {  	v3 =	vsub.f32 $0.0e+00, v2;
	_ =	sdelay $0x1  }
0x254: {  	v3 =	vmul.f32 $1.442695020e+00, v3;
	_ =	sdelay $0x1  }
0x255: {  	(erf) = vpow2.f32 v3;
	_ =	sdelay $0x8  }
0x256: {  	v3 =	vpop (erf)  }
0x257: {  	v3 =	vadd.f32 $1.000000000e+00, v3;
	_ =	sdelay $0x1  }
0x258: {  	(erf) = vrcp.f32 v3;
	_ =	sdelay $0x6  }
0x259: {  	v1 =	vmul.f32 v2, v1;
	_ =	sdelay $0x1  }
0x25a: {  	s6 =	sshrl.u32 s5, $0x3;
	s9 =	sadd.s32 $0x0, s20;
	[tilespmem:$0x1E3F0] =	vst v1;
	v3 =	vpop (erf)  }
0x25b: {  	s12 =	simm.s32 $0x1E380;
	s4 =	sadd.s32 s15, s6;
	v1 =	vmov s9;
	[tilespmem:$0x1E470] =	vst v3  }
0x25c: {  	[hbm4b:s4+s22] =	stream.linear.scatter [tilespmem:s12], [sflag:$0x7], $0x80, $0x38;
	[tilespmem:$0x1E780] =	vst v63  }
0x25d: {  	_ =	swait.ge [sflag:s2], $0x80  }
0x25e: {  	v2 =	vmov s22;
	[sflag:s2] =	ssyncset.done $0x0  }
0x25f: {  	[sflag:s2] =	ssyncadd.s32 $0xFFFFFF80  }
0x260: {  	s28 =	simm.s32 $0x141A0;
	v1 =	vld.idx.msk [tilespmem:v1+s10+$0x0], $0xffff  }
0x261: {  	v3 =	vld [tilespmem:s28+$0xFFFFFFE0];
	_ =	sdelay $0x1  }
0x262: {  	v2 =	vld.idx.msk [tilespmem:v2+s30+$0x0], $0xffff  }
0x263: {  	s5 =	simm.s32 $0x1A1A0  }
0x264: {  	v4 =	vld [tilespmem:s5+$0xFFFFFFE0]  }
0x265: {  	v3 =	vmul.f32 v3, v1;
	_ =	sdelay $0x1  }
0x266: {  	v5 =	vmul.f32 v3, v2;
	_ =	sdelay $0x1  }
0x267: {  	v4 =	vadd.f32 v5, v4  }
0x268: {  	v3 =	vmul.f32 v3, v1  }
0x269: {  	s4 =	simm.s32 $0x161A0;
	[tilespmem:s5+$0xFFFFFFE0] =	vst v4  }
0x26a: {  	[tilespmem:s4+$0xFFFFFFE0] =	vst v3  }
0x26b: {  	v3 =	vld [tilespmem:s28+$0xFFFFFFF0];
	_ =	sdelay $0x3  }
0x26c: {  	v4 =	vld [tilespmem:s5+$0xFFFFFFF0]  }
0x26d: {  	v3 =	vmul.f32 v3, v1;
	_ =	sdelay $0x1  }
0x26e: {  	v5 =	vmul.f32 v3, v2;
	_ =	sdelay $0x1  }
0x26f: {  	v4 =	vadd.f32 v5, v4  }
0x270: {  	v3 =	vmul.f32 v3, v1  }
0x271: {  	[tilespmem:s5+$0xFFFFFFF0] =	vst v4  }
0x272: {  	[tilespmem:s4+$0xFFFFFFF0] =	vst v3  }
0x273: {  	v3 =	vld [tilespmem:s28+$0x0];
	_ =	sdelay $0x3  }
0x274: {  	v4 =	vld [tilespmem:s5+$0x0]  }
0x275: {  	v3 =	vmul.f32 v3, v1;
	_ =	sdelay $0x1  }
0x276: {  	v5 =	vmul.f32 v3, v2;
	_ =	sdelay $0x1  }
0x277: {  	v4 =	vadd.f32 v5, v4  }
0x278: {  	v3 =	vmul.f32 v3, v1  }
0x279: {  	[tilespmem:s5+$0x0] =	vst v4  }
0x27a: {  	[tilespmem:s4+$0x0] =	vst v3  }
0x27b: {  	v3 =	vld [tilespmem:s28+$0x10];
	_ =	sdelay $0x3  }
0x27c: {  	v4 =	vld [tilespmem:s5+$0x10]  }
0x27d: {  	v3 =	vmul.f32 v3, v1;
	_ =	sdelay $0x1  }
0x27e: {  	v2 =	vmul.f32 v3, v2  }
0x27f: {  	s12 =	sadd.s32 $0x1, s20  }
0x280: {  	v4 =	vadd.f32 v2, v4;
	v2 =	vmov s12  }
0x281: {  	s9 =	simm.s32 $0x1;
	v3 =	vmul.f32 v3, v1  }
0x282: {  	s6 =	simm.s32 $0x2;
	v1 =	vmov s9;
	[tilespmem:s5+$0x10] =	vst v4;
	s5 =	simm.s32 $0x1A1E0  }
.LBB2_8:
0x283: {  	[tilespmem:s4+$0x10] =	vst v3;
	s4 =	sadd.s32 $0x40, s4  }
0x284: {  	s28 =	sadd.s32 $0x40, s28;
	s9 =	smov.u32 s6;
	s12 =	sadd.s32 $0x1, s6  }
0x285: {  	p0 =	sne.s32 s6, $0x7F;
	v2 =	vld.idx.msk [tilespmem:v2+s10+$0x0], $0xffff  }
0x286: {  	v3 =	vld [tilespmem:s28+$0xFFFFFFE0]  }
0x287: {  	v1 =	vld.idx.msk [tilespmem:v1+s30+$0x0], $0xffff;
	_ =	sdelay $0x2  }
0x288: {  	v4 =	vld [tilespmem:s5+$0xFFFFFFE0]  }
0x289: {  	v3 =	vmul.f32 v3, v2;
	_ =	sdelay $0x1  }
0x28a: {  	v5 =	vmul.f32 v3, v1;
	v3 =	vmul.f32 v3, v2;
	_ =	sdelay $0x1  }
0x28b: {  	v4 =	vadd.f32 v5, v4;
	_ =	sdelay $0x1  }
0x28c: {  	[tilespmem:s5+$0xFFFFFFE0] =	vst v4  }
0x28d: {  	[tilespmem:s4+$0xFFFFFFE0] =	vst v3  }
0x28e: {  	v3 =	vld [tilespmem:s28+$0xFFFFFFF0];
	_ =	sdelay $0x3  }
0x28f: {  	v4 =	vld [tilespmem:s5+$0xFFFFFFF0]  }
0x290: {  	v3 =	vmul.f32 v3, v2;
	_ =	sdelay $0x1  }
0x291: {  	v5 =	vmul.f32 v3, v1;
	v3 =	vmul.f32 v3, v2;
	_ =	sdelay $0x1  }
0x292: {  	v4 =	vadd.f32 v5, v4;
	_ =	sdelay $0x1  }
0x293: {  	[tilespmem:s5+$0xFFFFFFF0] =	vst v4  }
0x294: {  	[tilespmem:s4+$0xFFFFFFF0] =	vst v3  }
0x295: {  	v3 =	vld [tilespmem:s28+$0x0];
	_ =	sdelay $0x3  }
0x296: {  	v4 =	vld [tilespmem:s5+$0x0]  }
0x297: {  	v3 =	vmul.f32 v3, v2;
	_ =	sdelay $0x1  }
0x298: {  	v5 =	vmul.f32 v3, v1;
	v3 =	vmul.f32 v3, v2;
	_ =	sdelay $0x1  }
0x299: {  	v4 =	vadd.f32 v5, v4;
	_ =	sdelay $0x1  }
0x29a: {  	[tilespmem:s5+$0x0] =	vst v4  }
0x29b: {  	[tilespmem:s4+$0x0] =	vst v3  }
0x29c: {  	v3 =	vld [tilespmem:s28+$0x10];
	_ =	sdelay $0x3  }
0x29d: {  	v4 =	vld [tilespmem:s5+$0x10]  }
0x29e: {  	v3 =	vmul.f32 v3, v2;
	_ =	sdelay $0x1  }
.Ltmp2:
0x29f: {  	s6 =	sadd.s32 s9, s20;
	v1 =	vmul.f32 v3, v1;
	v3 =	vmul.f32 v3, v2;
	(pc) =	sbr.rel @p0 .LBB2_8-.Ltmp2, $4  }
0x2a0: {  	v2 =	vmov s6  }
0x2a1: {  	v4 =	vadd.f32 v1, v4  }
0x2a2: {  	v1 =	vmov s9  }
0x2a3: {  	s6 =	smov.u32 s12;
	[tilespmem:s5+$0x10] =	vst v4;
	s5 =	sadd.s32 $0x40, s5  }
0x2a4: {  	_ =	sdelay $0x2  }
0x2a5: {  	[tilespmem:s4+$0x10] =	vst v3  }
0x2a6: {  	s6 =	sadd.s32 $0x40, s28;
	v2 =	vld.idx.msk [tilespmem:v2+s10+$0x0], $0xffff  }
0x2a7: {  	v3 =	vld [tilespmem:s6+$0xFFFFFFE0];
	_ =	sdelay $0x1  }
0x2a8: {  	v1 =	vld.idx.msk [tilespmem:v1+s30+$0x0], $0xffff;
	_ =	sdelay $0x1  }
0x2a9: {  	v4 =	vld [tilespmem:s5+$0xFFFFFFE0]  }
0x2aa: {  	v3 =	vmul.f32 v3, v2;
	_ =	sdelay $0x1  }
0x2ab: {  	v5 =	vmul.f32 v3, v1;
	_ =	sdelay $0x1  }
0x2ac: {  	v4 =	vadd.f32 v5, v4  }
0x2ad: {  	v3 =	vmul.f32 v3, v2  }
0x2ae: {  	s9 =	sadd.s32 $0x40, s4;
	[tilespmem:s5+$0xFFFFFFE0] =	vst v4  }
0x2af: {  	[tilespmem:s9+$0xFFFFFFE0] =	vst v3  }
0x2b0: {  	v3 =	vld [tilespmem:s6+$0xFFFFFFF0];
	_ =	sdelay $0x3  }
0x2b1: {  	v59 =	vld [tilespmem:s5+$0xFFFFFFF0]  }
0x2b2: {  	v3 =	vmul.f32 v3, v2;
	_ =	sdelay $0x1  }
0x2b3: {  	v60 =	vmul.f32 v3, v1;
	_ =	sdelay $0x1  }
0x2b4: {  	v4 =	vadd.f32 v60, v59  }
0x2b5: {  	v3 =	vmul.f32 v3, v2  }
0x2b6: {  	[tilespmem:s5+$0xFFFFFFF0] =	vst v4  }
0x2b7: {  	[tilespmem:s9+$0xFFFFFFF0] =	vst v3  }
0x2b8: {  	v3 =	vld [tilespmem:s6+$0x0];
	_ =	sdelay $0x3  }
0x2b9: {  	v61 =	vld [tilespmem:s5+$0x0]  }
0x2ba: {  	v3 =	vmul.f32 v3, v2;
	_ =	sdelay $0x1  }
0x2bb: {  	v62 =	vmul.f32 v3, v1;
	_ =	sdelay $0x1  }
0x2bc: {  	v4 =	vadd.f32 v62, v61  }
0x2bd: {  	v3 =	vmul.f32 v3, v2  }
0x2be: {  	[tilespmem:s5+$0x0] =	vst v4  }
0x2bf: {  	[tilespmem:s9+$0x0] =	vst v3  }
0x2c0: {  	v3 =	vld [tilespmem:s6+$0x10];
	_ =	sdelay $0x3  }
0x2c1: {  	v63 =	vld [tilespmem:s5+$0x10]  }
0x2c2: {  	v3 =	vmul.f32 v3, v2;
	_ =	sdelay $0x1  }
0x2c3: {  	v1 =	vmul.f32 v3, v1;
	_ =	sdelay $0x1  }
0x2c4: {  	v1 =	vadd.f32 v1, v63  }
0x2c5: {  	v2 =	vmul.f32 v3, v2  }
0x2c6: {  	[tilespmem:s5+$0x10] =	vst v1  }
0x2c7: {  	s12 =	simm.s32 $0x0;
	[tilespmem:s9+$0x10] =	vst v2;
	s9 =	simm.s32 $0x1A180  }
0x2c8: {  	[hbm4b:s13+s12] =	stream.linear.scatter [tilespmem:s9], [sflag:$0x7], $0x2000, $0x38;
	[tilespmem:$0x1E780] =	vst v63  }
0x2c9: {  	s14 =	sadd.s32 $0x1, s14;
	_ =	swait.ge [sflag:s2], $0x2000  }
0x2ca: {  	p0 =	sne.s32 s14, $0x5;
	[sflag:s2] =	ssyncset.done $0x0  }
.Ltmp3:
0x2cb: {  	s28 =	sadd.s32 s7, s16;
	[sflag:s2] =	ssyncadd.s32 $0xFFFFE000;
	(pc) =	sbr.rel @p0 .LBB2_7-.Ltmp3, $4  }
0x2cc: {  	[hbm4b:s28+s12] =	stream.linear.scatter [tilespmem:s11], [sflag:$0x7], $0x2000, $0x38;
	[tilespmem:$0x1E780] =	vst v63  }
0x2cd: {  	_ =	swait.ge [sflag:s2], $0x2000  }
0x2ce: {  	[sflag:s2] =	ssyncset.done $0x0  }
0x2cf: {  	s20 =	sadd.s32 $0x80, s20;
	[sflag:s2] =	ssyncadd.s32 $0xFFFFE000  }
0x2d0: {  	s13 =	sld [smem:$0x7E8];
	_ =	sdelay $0x2  }
0x2d1: {  	s13 =	sadd.s32 $0x1, s13  }
0x2d2: {  	p0 =	sne.s32 s13, $0xA  }
.Ltmp4:
0x2d3: {  	_ = 	snop;
	(pc) =	sbr.rel @p0 .LBB2_4-.Ltmp4, $2  }
0x2d4: {  	_ =	sdelay $0x1  }
0x2d5: {  	[bflag:$0x0] =	sbarrier.arrive $0xFFFF;
	_ =	sdelay $0x1  }
0x2d6: {  	s5 =	sld [smem:$0x7E9]  }
0x2d7: {  	s4 =	sld [smem:$0x7FC];
	_ =	sdelay $0x1  }
0x2d8: {  	s5 =	sadd.s32 $0x1, s5  }
0x2d9: {  	p0 =	sne.s32 s5, s4  }
.Ltmp5:
0x2da: {  	_ = 	snop;
	(pc) =	sbr.rel @p0 .LBB2_1-.Ltmp5, $1  }
0x2db: {  	_ =	sdelay $0x3  }
0x2dc: {  	_ =	sfence.sel $0x180000  }
0x2dd: {  	[bflag:$0x0] =	sbarrier.arrive $0xFFFF  }
0x2de: {  	_ =	strace $0x9000004A  }
0x2df: {  	s0 =	stileid.u32;
	[bflag:$0x2] =	sbarrier.arrive $0xFFFF  }
0x2e0: {  	p0 =	sne.s32 s0, $0x0;
	s0 =	rddreg [dreg:$0x4]  }
0x2e1: {  	s0 =	sadd.s32 @!p0 $0x100000, s0  }
0x2e2: {  	[sflag:s0] =	ssyncadd.tile.s32 @!p0 $0x1;
	_ =	shalt  }
.Lfunc_end2:
_tile_overlayer_lowered:
.L_overlay_start_2:
0x2e3: {  	(tag) =	ssettag $0x2  }
0x2e4: {  	s0 =	rddreg [dreg:$0x0];
	s2 =	stileid.u32  }
0x2e5: {  	s1 =	rddreg [dreg:$0x1];
	p0 =	sne.s32 s2, $0x0  }
0x2e6: {  	s3 =	rddreg [dreg:$0x2];
	[bflag:$0x3] =	sbarrier.arrive $0xFFFF;
	s2 =	simm.s32 @!p0 $0x1C07  }
0x2e7: {  	[timem:s3], [sflag:s2] =	dma.local @!p0 [hbm:s0], s1  }
0x2e8: {  	s0 =	simm.s32 @!p0 $0x7  }
0x2e9: {  	_ =	swait.ge @!p0 [sflag:s0], s1  }
0x2ea: {  	s1 =	ssub.s32 @!p0 $0x0, s1;
	[sflag:s0] =	ssyncset.done @!p0 $0x0  }
0x2eb: {  	[sflag:s0] =	ssyncadd.s32 @!p0 s1  }
0x2ec: {  	[bflag:$0x3] =	sbarrier.arrive $0xFFFF  }
0x2ed: {  	_ =	shalt  }

</sc_bundles>
